<compile_context>
chip_gen: v7x
topology: tpu7x:2x2x1
jax: 0.10.2.dev20260603
libtpu: 0.0.44.dev20260713+nightly
codegen_flags: <defaults>
</compile_context>

<pallas_src>
import functools

import jax
import jax.numpy as jnp
from jax import lax
from jax.experimental import pallas as pl
from jax.experimental.pallas import tpu as pltpu
from jax.experimental.pallas import tpu_sc as plsc

N = 10000
E = 320000
D = 128
NP = 10240
NC = 2
NS = 16
NW = NC * NS
EP = 327680
K = 128
RD = 80
LCK = E // K
AK = 80
ARD = 128
ASEG = 16
ASH = NP
AZT = ASH // NS

_mesh = plsc.VectorSubcoreMesh(core_axis_name="c", subcore_axis_name="s")
_HIGH = lax.Precision.HIGHEST
_SC_PARAMS = pltpu.CompilerParams(needs_layout_passes=False)


def _zero_1d(ref, n):
    z = jnp.zeros((16,), ref.dtype)

    def body(i, _):
        ref[pl.ds(i * 16, 16)] = z
        return 0

    lax.fori_loop(0, n // 16, body, 0)


@functools.partial(
    pl.kernel,
    out_type=jax.ShapeDtypeStruct((2, NW, NP), jnp.float32),
    mesh=_mesh,
    compiler_params=_SC_PARAMS,
    scratch_types=[
        pltpu.VMEM((RD, K), jnp.int32),
        pltpu.VMEM((RD, K), jnp.int32),
        pltpu.VMEM((NP,), jnp.float32),
        pltpu.VMEM((NP,), jnp.float32),
    ],
)
def _sc_degrees(edges, out, srcv, dstv, dego, degi):
    cid = lax.axis_index("c")
    sid = lax.axis_index("s")
    wid = cid * NS + sid
    pltpu.sync_copy(edges.at[0, wid], srcv)
    pltpu.sync_copy(edges.at[1, wid], dstv)
    _zero_1d(dego, NP)
    _zero_1d(degi, NP)
    ones = jnp.ones((16,), jnp.float32)
    lanes = lax.iota(jnp.int32, 16)
    tile_base = wid * (RD * K)

    def body(m, _):
        for q in range(K // 16):
            pos = tile_base + m * K + q * 16 + lanes
            live = pos < E
            s16 = srcv[m, pl.ds(q * 16, 16)]
            d16 = dstv[m, pl.ds(q * 16, 16)]
            plsc.addupdate_scatter(dego, [s16], ones, mask=live)
            plsc.addupdate_scatter(degi, [d16], ones, mask=live)
        return 0

    lax.fori_loop(0, RD, body, 0)
    pltpu.sync_copy(dego, out.at[0, wid])
    pltpu.sync_copy(degi, out.at[1, wid])


def _norm_body(dq_ref, f_ref, isq_ref, h0n_ref):
    s = jnp.sum(dq_ref[...], axis=1)
    isq = lax.rsqrt(jnp.maximum(s, 1.0))
    isq_ref[...] = isq
    h0n_ref[...] = f_ref[...] * isq[0][:, None]


def _tc_norm(deg_p, features_p):
    bq = NP // 5
    return pl.pallas_call(
        _norm_body,
        grid=(5,),
        in_specs=[
            pl.BlockSpec((2, NW, bq), lambda i: (0, 0, i)),
            pl.BlockSpec((bq, D), lambda i: (i, 0)),
        ],
        out_specs=[
            pl.BlockSpec((2, bq), lambda i: (0, i)),
            pl.BlockSpec((bq, D), lambda i: (i, 0)),
        ],
        out_shape=[
            jax.ShapeDtypeStruct((2, NP), jnp.float32),
            jax.ShapeDtypeStruct((NP, D), jnp.float32),
        ],
    )(deg_p, features_p)


@functools.partial(
    pl.kernel,
    out_type=jax.ShapeDtypeStruct((NW, NP), jnp.float32),
    mesh=_mesh,
    compiler_params=_SC_PARAMS,
    scratch_types=[
        pltpu.VMEM((RD, K), jnp.int32),
        pltpu.VMEM((RD, K), jnp.int32),
        pltpu.VMEM((NP + 16,), jnp.float32),
        pltpu.VMEM((NP,), jnp.float32),
    ],
)
def _sc_cvec(edges, isq, c_out, srcv, dstv, iiv, cpart):
    cid = lax.axis_index("c")
    sid = lax.axis_index("s")
    wid = cid * NS + sid
    pltpu.sync_copy(edges.at[0, wid], srcv)
    pltpu.sync_copy(edges.at[1, wid], dstv)
    pltpu.sync_copy(isq.at[1], iiv.at[pl.ds(0, NP)])
    iiv[pl.ds(NP, 16)] = jnp.zeros((16,), jnp.float32)
    _zero_1d(cpart, NP)

    lc = jnp.clip(LCK - wid * RD, 0, RD)

    def body(m, _):
        for q in range(K // 16):
            s16 = srcv[m, pl.ds(q * 16, 16)]
            d16 = dstv[m, pl.ds(q * 16, 16)]
            wv = plsc.load_gather(iiv, [d16])
            plsc.addupdate_scatter(cpart, [s16], wv)
        return 0

    lax.fori_loop(0, lc, body, 0)
    pltpu.sync_copy(cpart, c_out.at[wid])


@functools.partial(
    pl.kernel,
    out_type=jax.ShapeDtypeStruct((NC, NP, D), jnp.float32),
    mesh=_mesh,
    compiler_params=_SC_PARAMS,
    scratch_types=[
        pltpu.VMEM((2 * ASEG, AK), jnp.int32),
        pltpu.VMEM((2 * ASEG, AK), jnp.int32),
        pltpu.VMEM((AK, D), jnp.float32),
        pltpu.VMEM((AK, D), jnp.float32),
        pltpu.VMEM((AK, D), jnp.float32),
        pltpu.VMEM((AK, D), jnp.float32),
        pltpu.VMEM_SHARED((ASH, D), jnp.float32),
        pltpu.SemaphoreType.DMA,
        pltpu.SemaphoreType.DMA,
    ],
)
def _sc_aggregate(edges, h0n, agg_out, sidx, didx, rows0, rows1, rows2,
                  rows3, agg_sh, gsem, ssem):
    cid = lax.axis_index("c")
    sid = lax.axis_index("s")
    wid = cid * NS + sid
    z16 = jnp.zeros((16,), jnp.float32)

    def zrow(r, _):
        for q in range(D // 16):
            rows0[r, pl.ds(q * 16, 16)] = z16
            rows1[r, pl.ds(q * 16, 16)] = z16
        return 0

    lax.fori_loop(0, AK, zrow, 0)
    for blk in range(AZT // (2 * AK)):
        pltpu.sync_copy(rows0, agg_sh.at[pl.ds(sid * AZT + 2 * blk * AK,
                                               AK)])
        pltpu.sync_copy(rows1, agg_sh.at[pl.ds(
            sid * AZT + (2 * blk + 1) * AK, AK)])
    plsc.subcore_barrier()

    lc = jnp.clip(E // AK - wid * ARD, 0, ARD)
    rows = [rows0, rows1, rows2, rows3]

    def ldseg(s):
        h = jnp.bitwise_and(s, 1) * ASEG
        pltpu.sync_copy(edges.at[0, wid, pl.ds(s * ASEG, ASEG)],
                        sidx.at[pl.ds(h, ASEG)])
        pltpu.sync_copy(edges.at[1, wid, pl.ds(s * ASEG, ASEG)],
                        didx.at[pl.ds(h, ASEG)])
        return 0

    def gath(c, b):
        return pltpu.async_copy(
            h0n.at[sidx.at[jnp.bitwise_and(c, 2 * ASEG - 1)]], rows[b],
            gsem)

    def scat(c, b):
        return pltpu.async_copy(
            rows[b], agg_sh.at[didx.at[jnp.bitwise_and(c, 2 * ASEG - 1)]],
            ssem, add=True)

    def drain(sem):
        pltpu.make_async_copy(h0n.at[pl.ds(0, AK)], rows0, sem).wait()
        return 0

    ldseg(0)

    def it(t, _):
        c0 = 4 * t
        lax.cond(t > 0, lambda: drain(ssem), lambda: 0)
        lax.cond(jnp.logical_and(jnp.bitwise_and(c0, ASEG - 1) == 0,
                                 c0 > 0),
                 lambda: ldseg(c0 // ASEG), lambda: 0)
        gath(c0, 0)
        lax.cond(t > 0,
                 lambda: (drain(gsem), scat(c0 - 2, 2), 0)[2],
                 lambda: 0)
        lax.cond(t > 0, lambda: drain(ssem), lambda: 0)
        gath(c0 + 1, 1)
        lax.cond(t > 0,
                 lambda: (drain(gsem), scat(c0 - 1, 3), 0)[2],
                 lambda: 0)
        lax.cond(t > 0, lambda: drain(ssem), lambda: 0)
        gath(c0 + 2, 2)
        drain(gsem)
        scat(c0, 0)
        lax.cond(t > 0, lambda: drain(ssem), lambda: 0)
        gath(c0 + 3, 3)
        drain(gsem)
        scat(c0 + 1, 1)
        return 0

    lax.fori_loop(0, lc // 4, it, 0)
    drain(ssem)
    drain(gsem)
    scat(lc - 2, 2)
    drain(ssem)
    drain(gsem)
    scat(lc - 1, 3)
    drain(ssem)
    drain(ssem)
    plsc.subcore_barrier()
    pltpu.sync_copy(agg_sh.at[pl.ds(sid * (NP // NS), NP // NS)],
                    agg_out.at[cid, pl.ds(sid * (NP // NS), NP // NS)])


def _finish_body(agg_ref, ii_ref, oi_ref, c_ref, w1_ref, b1_ref, w2_ref,
                 b2_ref, out_ref, s_ref):
    i = pl.program_id(0)

    @pl.when(i == 0)
    def _():
        s_ref[...] = jnp.zeros_like(s_ref)

    aggn = (agg_ref[0] + agg_ref[1]) * ii_ref[...]
    h1 = jnp.maximum(
        jnp.dot(aggn, w1_ref[...], precision=_HIGH) + b1_ref[...], 0.0)
    h1n = h1 * oi_ref[...]
    cs = jnp.sum(c_ref[...], axis=0, keepdims=True)
    s_ref[...] += jnp.dot(cs, h1n, precision=_HIGH)

    @pl.when(i == pl.num_programs(0) - 1)
    def _():
        out_ref[...] = (
            jnp.dot(s_ref[...] * (1.0 / N), w2_ref[...], precision=_HIGH)
            + b2_ref[...])


def _tc_finish(agg, ii_col, oi_col, c_p, W1, b1r, W2, b2r):
    br = 512
    return pl.pallas_call(
        _finish_body,
        grid=(NP // br,),
        in_specs=[
            pl.BlockSpec((NC, br, D), lambda i: (0, i, 0)),
            pl.BlockSpec((br, 1), lambda i: (i, 0)),
            pl.BlockSpec((br, 1), lambda i: (i, 0)),
            pl.BlockSpec((NW, br), lambda i: (0, i)),
            pl.BlockSpec((D, D), lambda i: (0, 0)),
            pl.BlockSpec((1, D), lambda i: (0, 0)),
            pl.BlockSpec((D, D), lambda i: (0, 0)),
            pl.BlockSpec((1, D), lambda i: (0, 0)),
        ],
        out_specs=pl.BlockSpec((1, D), lambda i: (0, 0)),
        out_shape=jax.ShapeDtypeStruct((1, D), jnp.float32),
        scratch_shapes=[pltpu.VMEM((1, D), jnp.float32)],
    )(agg, ii_col, oi_col, c_p, W1, b1r, W2, b2r)


@jax.jit
def kernel(features, edge_index, W1, b1, W2, b2):
    ei = edge_index.astype(jnp.int32)
    ep = jnp.concatenate(
        [ei, jnp.stack([jnp.zeros((EP - E,), jnp.int32),
                        jnp.full((EP - E,), NP, jnp.int32)])], axis=1)
    epk = ep.reshape(2, NW, RD, K)
    epa = ep.reshape(2, NW, ARD, AK)
    deg_p = _sc_degrees(epk)
    features_p = jnp.pad(features, ((0, NP - N), (0, 0)))
    isq, h0n = _tc_norm(deg_p, features_p)
    c_p = _sc_cvec(epk, isq)
    agg = _sc_aggregate(epa, h0n)
    ii_col = isq[1].reshape(NP, 1)
    oi_col = isq[0].reshape(NP, 1)
    return _tc_finish(agg, ii_col, oi_col, c_p, W1,
                      b1.reshape(1, D), W2, b2.reshape(1, D))

# --- scband reference (transcript-rebuilt; emitter-appended) ---
"""Pipeline reference for scband-gcn-34514357191330 (READ-ONLY COPY).

The authoritative reference and input builder live on the scoring server;
editing this copy changes nothing except your own understanding.
"""

import jax, jax.numpy as jnp
import numpy as np

N = 10000
E = 320000
D_IN = 128
D_HID = 128
D_OUT = 128


def setup_inputs(seed: int = 0) -> dict:
    key = jax.random.key(seed)
    k1, k2, k3, k4, k5, k6 = jax.random.split(key, 6)
    features = jax.random.normal(k1, (N, D_IN), dtype=jnp.float32)
    edge_index = jax.random.randint(k2, (2, E), 0, N)
    # GraphConv layer 1 params (glorot-ish init)
    W1 = jax.random.normal(k3, (D_IN, D_HID), dtype=jnp.float32) * (1.0 / np.sqrt(D_IN))
    b1 = jnp.zeros((D_HID,), dtype=jnp.float32)
    # GraphConv layer 2 params
    W2 = jax.random.normal(k4, (D_HID, D_OUT), dtype=jnp.float32) * (1.0 / np.sqrt(D_HID))
    b2 = jnp.zeros((D_OUT,), dtype=jnp.float32)
    return {"features": features, "edge_index": edge_index, "W1": W1, "b1": b1, "W2": W2, "b2": b2}


def reference(features, edge_index, W1, b1, W2, b2):
    # DGL GraphConv with default norm='both':
    #   h_u' = h_u / sqrt(deg_out(u)); sum over incoming edges at v; h_v'' = sum / sqrt(deg_in(v)); then W h + b
    src = edge_index[0]
    dst = edge_index[1]
    deg_out = jnp.clip(jnp.bincount(src, length=N), 1, None).astype(jnp.float32)
    deg_in = jnp.clip(jnp.bincount(dst, length=N), 1, None).astype(jnp.float32)
    out_isqrt = jax.lax.rsqrt(deg_out)
    in_isqrt = jax.lax.rsqrt(deg_in)

    def graph_conv(h, W, b):
        h = h * out_isqrt[:, None]
        msg = jnp.take(h, src, axis=0)
        agg = jnp.zeros((N, h.shape[1]), dtype=h.dtype).at[dst].add(msg)
        agg = agg * in_isqrt[:, None]
        return agg @ W + b

    x = jax.nn.relu(graph_conv(features, W1, b1))
    x = graph_conv(x, W2, b2)
    # dgl.mean_nodes over a single graph -> [1, out_feats]
    return jnp.mean(x, axis=0, keepdims=True)

if __name__ == "__main__":
    import jax
    _d = setup_inputs()
    print(jax.jit(kernel)(*tuple(_d.values())))

</pallas_src>

<mosaic_0001>
#map = affine_map<(d0, d1) -> (0, 0, 0, 0)>
#map1 = affine_map<(d0, d1) -> (0, 0, 0)>
module attributes {stable_mosaic.version = 14 : i64} {
  func.func @_sc_degrees(%arg0: i32, %arg1: i32, %arg2: memref<2x32x80x128xi32, #tpu.memory_space<hbm>>, %arg3: memref<2x32x10240xf32, #tpu.memory_space<hbm>>, %arg4: memref<80x128xi32, #tpu.memory_space<vmem>>, %arg5: memref<80x128xi32, #tpu.memory_space<vmem>>, %arg6: memref<10240xf32, #tpu.memory_space<vmem>>, %arg7: memref<10240xf32, #tpu.memory_space<vmem>>) attributes {dimension_semantics = [#tpu.dimension_semantics<core_parallel>, #tpu.dimension_semantics<subcore_parallel>], iteration_bounds = array<i64: 2, 16>, scalar_prefetch = 0 : i64, scratch_operands = 4 : i64, tpu.core_type = #tpu.core_type<sc_vector_subcore>, window_params = [{transform_indices = #map}, {transform_indices = #map1}]} {
    %mul3A = arith.constant 16 : i32
    %mul3A_0 = arith.muli %arg0, %mul3A : i32
    %add3A = arith.addi %mul3A_0, %arg1 : i32
    %run_scoped3A = arith.constant 0 : i32
    "tpu.region"() ({
      %run_scoped3A_31 = tpu.sem_alloc : memref<!tpu.dma_semaphore, #tpu.memory_space<semaphore_mem>>
      %dma_start3A = arith.constant 0 : i32
      %dma_start3A_32 = arith.constant 0 : i32
      %dma_start3A_33 = tpu.memref_slice %arg2[%run_scoped3A, %add3A, %dma_start3A, %dma_start3A_32] : memref<2x32x80x128xi32, #tpu.memory_space<hbm>> -> memref<1x1x80x128xi32, #tpu.memory_space<hbm>>
      %dma_start3A_34 = tpu.memref_squeeze %dma_start3A_33 : memref<1x1x80x128xi32, #tpu.memory_space<hbm>> -> memref<80x128xi32, #tpu.memory_space<hbm>>
      %dma_start3A_35 = arith.constant 0 : i32
      %dma_start3A_36 = arith.constant 0 : i32
      %dma_start3A_37 = tpu.memref_slice %arg2[%run_scoped3A, %add3A, %dma_start3A_35, %dma_start3A_36] : memref<2x32x80x128xi32, #tpu.memory_space<hbm>> -> memref<1x1x80x128xi32, #tpu.memory_space<hbm>>
      %dma_start3A_38 = tpu.memref_squeeze %dma_start3A_37 : memref<1x1x80x128xi32, #tpu.memory_space<hbm>> -> memref<80x128xi32, #tpu.memory_space<hbm>>
      tpu.enqueue_dma source(%dma_start3A_38 : memref<80x128xi32, #tpu.memory_space<hbm>>) target(%arg4 : memref<80x128xi32, #tpu.memory_space<vmem>>) target_semaphore(%run_scoped3A_31 : memref<!tpu.dma_semaphore, #tpu.memory_space<semaphore_mem>>)
      %dma_wait3A = arith.constant 0 : i32
      %dma_wait3A_39 = arith.constant 0 : i32
      %dma_wait3A_40 = tpu.memref_slice %arg2[%run_scoped3A, %add3A, %dma_wait3A, %dma_wait3A_39] : memref<2x32x80x128xi32, #tpu.memory_space<hbm>> -> memref<1x1x80x128xi32, #tpu.memory_space<hbm>>
      %dma_wait3A_41 = tpu.memref_squeeze %dma_wait3A_40 : memref<1x1x80x128xi32, #tpu.memory_space<hbm>> -> memref<80x128xi32, #tpu.memory_space<hbm>>
      %dma_wait3A_42 = arith.constant 0 : i32
      %dma_wait3A_43 = arith.constant 0 : i32
      %dma_wait3A_44 = tpu.memref_slice %arg2[%run_scoped3A, %add3A, %dma_wait3A_42, %dma_wait3A_43] : memref<2x32x80x128xi32, #tpu.memory_space<hbm>> -> memref<1x1x80x128xi32, #tpu.memory_space<hbm>>
      %dma_wait3A_45 = tpu.memref_squeeze %dma_wait3A_44 : memref<1x1x80x128xi32, #tpu.memory_space<hbm>> -> memref<80x128xi32, #tpu.memory_space<hbm>>
      tpu.wait_dma2 semaphore(%run_scoped3A_31 : memref<!tpu.dma_semaphore, #tpu.memory_space<semaphore_mem>>) src(%dma_wait3A_45 : memref<80x128xi32, #tpu.memory_space<hbm>>) dst(%arg4 : memref<80x128xi32, #tpu.memory_space<vmem>>)
      tpu.yield
    }) : () -> ()
    %run_scoped3A_1 = arith.constant 1 : i32
    "tpu.region"() ({
      %run_scoped3A_31 = tpu.sem_alloc : memref<!tpu.dma_semaphore, #tpu.memory_space<semaphore_mem>>
      %dma_start3A = arith.constant 0 : i32
      %dma_start3A_32 = arith.constant 0 : i32
      %dma_start3A_33 = tpu.memref_slice %arg2[%run_scoped3A_1, %add3A, %dma_start3A, %dma_start3A_32] : memref<2x32x80x128xi32, #tpu.memory_space<hbm>> -> memref<1x1x80x128xi32, #tpu.memory_space<hbm>>
      %dma_start3A_34 = tpu.memref_squeeze %dma_start3A_33 : memref<1x1x80x128xi32, #tpu.memory_space<hbm>> -> memref<80x128xi32, #tpu.memory_space<hbm>>
      %dma_start3A_35 = arith.constant 0 : i32
      %dma_start3A_36 = arith.constant 0 : i32
      %dma_start3A_37 = tpu.memref_slice %arg2[%run_scoped3A_1, %add3A, %dma_start3A_35, %dma_start3A_36] : memref<2x32x80x128xi32, #tpu.memory_space<hbm>> -> memref<1x1x80x128xi32, #tpu.memory_space<hbm>>
      %dma_start3A_38 = tpu.memref_squeeze %dma_start3A_37 : memref<1x1x80x128xi32, #tpu.memory_space<hbm>> -> memref<80x128xi32, #tpu.memory_space<hbm>>
      tpu.enqueue_dma source(%dma_start3A_38 : memref<80x128xi32, #tpu.memory_space<hbm>>) target(%arg5 : memref<80x128xi32, #tpu.memory_space<vmem>>) target_semaphore(%run_scoped3A_31 : memref<!tpu.dma_semaphore, #tpu.memory_space<semaphore_mem>>)
      %dma_wait3A = arith.constant 0 : i32
      %dma_wait3A_39 = arith.constant 0 : i32
      %dma_wait3A_40 = tpu.memref_slice %arg2[%run_scoped3A_1, %add3A, %dma_wait3A, %dma_wait3A_39] : memref<2x32x80x128xi32, #tpu.memory_space<hbm>> -> memref<1x1x80x128xi32, #tpu.memory_space<hbm>>
      %dma_wait3A_41 = tpu.memref_squeeze %dma_wait3A_40 : memref<1x1x80x128xi32, #tpu.memory_space<hbm>> -> memref<80x128xi32, #tpu.memory_space<hbm>>
      %dma_wait3A_42 = arith.constant 0 : i32
      %dma_wait3A_43 = arith.constant 0 : i32
      %dma_wait3A_44 = tpu.memref_slice %arg2[%run_scoped3A_1, %add3A, %dma_wait3A_42, %dma_wait3A_43] : memref<2x32x80x128xi32, #tpu.memory_space<hbm>> -> memref<1x1x80x128xi32, #tpu.memory_space<hbm>>
      %dma_wait3A_45 = tpu.memref_squeeze %dma_wait3A_44 : memref<1x1x80x128xi32, #tpu.memory_space<hbm>> -> memref<80x128xi32, #tpu.memory_space<hbm>>
      tpu.wait_dma2 semaphore(%run_scoped3A_31 : memref<!tpu.dma_semaphore, #tpu.memory_space<semaphore_mem>>) src(%dma_wait3A_45 : memref<80x128xi32, #tpu.memory_space<hbm>>) dst(%arg5 : memref<80x128xi32, #tpu.memory_space<vmem>>)
      tpu.yield
    }) : () -> ()
    %broadcast_in_dim3A = arith.constant 0.000000e+00 : f32
    %broadcast_in_dim3A_2 = vector.broadcast %broadcast_in_dim3A : f32 to vector<16xf32>
    %scan3A = arith.constant 0 : i32
    %scan3A_3 = arith.constant 0 : i32
    %scan3A_4 = arith.constant 640 : i32
    %scan3A_5 = arith.addi %scan3A_3, %scan3A_4 : i32
    %scan3A_6 = arith.constant 1 : i32
    %scan3A_7 = scf.for %scan3A_31 = %scan3A_3 to %scan3A_5 step %scan3A_6 iter_args(%scan3A_32 = %scan3A) -> (i32)  : i32 {
      %mul3A_33 = arith.constant 16 : i32
      %mul3A_34 = arith.muli %scan3A_31, %mul3A_33 : i32
      %swap3A = arith.index_cast %mul3A_34 : i32 to index
      %swap3A_35 = tpu.vector_load %arg6[%swap3A] {strides = array<i32>} : memref<10240xf32, #tpu.memory_space<vmem>>, vector<16xf32>,
      tpu.vector_store %arg6[%swap3A], %broadcast_in_dim3A_2 {strides = array<i32>} : memref<10240xf32, #tpu.memory_space<vmem>>, vector<16xf32>,
      %scan3A_36 = arith.constant 0 : i32
      scf.yield %scan3A_36 : i32
    }
    %scan3A_8 = arith.constant 640 : i32
    %broadcast_in_dim3A_9 = arith.constant 0.000000e+00 : f32
    %broadcast_in_dim3A_10 = vector.broadcast %broadcast_in_dim3A_9 : f32 to vector<16xf32>
    %scan3A_11 = arith.constant 0 : i32
    %scan3A_12 = arith.constant 0 : i32
    %scan3A_13 = arith.constant 640 : i32
    %scan3A_14 = arith.addi %scan3A_12, %scan3A_13 : i32
    %scan3A_15 = arith.constant 1 : i32
    %scan3A_16 = scf.for %scan3A_31 = %scan3A_12 to %scan3A_14 step %scan3A_15 iter_args(%scan3A_32 = %scan3A_11) -> (i32)  : i32 {
      %mul3A_33 = arith.constant 16 : i32
      %mul3A_34 = arith.muli %scan3A_31, %mul3A_33 : i32
      %swap3A = arith.index_cast %mul3A_34 : i32 to index
      %swap3A_35 = tpu.vector_load %arg7[%swap3A] {strides = array<i32>} : memref<10240xf32, #tpu.memory_space<vmem>>, vector<16xf32>,
      tpu.vector_store %arg7[%swap3A], %broadcast_in_dim3A_10 {strides = array<i32>} : memref<10240xf32, #tpu.memory_space<vmem>>, vector<16xf32>,
      %scan3A_36 = arith.constant 0 : i32
      scf.yield %scan3A_36 : i32
    }
    %scan3A_17 = arith.constant 640 : i32
    %broadcast_in_dim3A_18 = arith.constant 1.000000e+00 : f32
    %broadcast_in_dim3A_19 = vector.broadcast %broadcast_in_dim3A_18 : f32 to vector<16xf32>
    %iota3A = tpu.iota {dimensions = array<i32: 0>} : vector<16xi32>
    %mul3A_20 = arith.constant 10240 : i32
    %mul3A_21 = arith.muli %add3A, %mul3A_20 : i32
    %scan3A_22 = arith.constant 0 : i32
    %scan3A_23 = arith.constant 0 : i32
    %scan3A_24 = arith.constant 80 : i32
    %scan3A_25 = arith.addi %scan3A_23, %scan3A_24 : i32
    %scan3A_26 = arith.constant 1 : i32
    %scan3A_27 = scf.for %scan3A_31 = %scan3A_23 to %scan3A_25 step %scan3A_26 iter_args(%scan3A_32 = %scan3A_22) -> (i32)  : i32 {
      %mul3A_33 = arith.constant 128 : i32
      %mul3A_34 = arith.muli %scan3A_31, %mul3A_33 : i32
      %add3A_35 = arith.addi %mul3A_21, %mul3A_34 : i32
      %add3A_36 = arith.constant 0 : i32
      %add3A_37 = arith.addi %add3A_35, %add3A_36 : i32
      %add3A_38 = vector.broadcast %add3A_37 : i32 to vector<16xi32>
      %add3A_39 = arith.addi %add3A_38, %iota3A : vector<16xi32>
      %lt3A = arith.constant 320000 : i32
      %lt3A_40 = vector.broadcast %lt3A : i32 to vector<16xi32>
      %lt3A_41 = arith.cmpi slt, %add3A_39, %lt3A_40 : vector<16xi32>
      %get3A = arith.index_cast %scan3A_31 : i32 to index
      %get3A_42 = arith.constant 0 : index
      %get3A_43 = tpu.vector_load %arg4[%get3A, %get3A_42] {strides = array<i32>} : memref<80x128xi32, #tpu.memory_space<vmem>>, vector<16xi32>,
      %get3A_44 = arith.index_cast %scan3A_31 : i32 to index
      %get3A_45 = arith.constant 0 : index
      %get3A_46 = tpu.vector_load %arg5[%get3A_44, %get3A_45] {strides = array<i32>} : memref<80x128xi32, #tpu.memory_space<vmem>>, vector<16xi32>,
      tpu.vector_store_idx %arg6[%get3A_43], %broadcast_in_dim3A_19 masked %lt3A_41 {add = true} : memref<10240xf32, #tpu.memory_space<vmem>>[vector<16xi32>], vector<16xf32>, vector<16xi1>
      tpu.vector_store_idx %arg7[%get3A_46], %broadcast_in_dim3A_19 masked %lt3A_41 {add = true} : memref<10240xf32, #tpu.memory_space<vmem>>[vector<16xi32>], vector<16xf32>, vector<16xi1>
      %mul3A_47 = arith.constant 128 : i32
      %mul3A_48 = arith.muli %scan3A_31, %mul3A_47 : i32
      %add3A_49 = arith.addi %mul3A_21, %mul3A_48 : i32
      %add3A_50 = arith.constant 16 : i32
      %add3A_51 = arith.addi %add3A_49, %add3A_50 : i32
      %add3A_52 = vector.broadcast %add3A_51 : i32 to vector<16xi32>
      %add3A_53 = arith.addi %add3A_52, %iota3A : vector<16xi32>
      %lt3A_54 = arith.constant 320000 : i32
      %lt3A_55 = vector.broadcast %lt3A_54 : i32 to vector<16xi32>
      %lt3A_56 = arith.cmpi slt, %add3A_53, %lt3A_55 : vector<16xi32>
      %get3A_57 = arith.index_cast %scan3A_31 : i32 to index
      %get3A_58 = arith.constant 16 : index
      %get3A_59 = tpu.vector_load %arg4[%get3A_57, %get3A_58] {strides = array<i32>} : memref<80x128xi32, #tpu.memory_space<vmem>>, vector<16xi32>,
      %get3A_60 = arith.index_cast %scan3A_31 : i32 to index
      %get3A_61 = arith.constant 16 : index
      %get3A_62 = tpu.vector_load %arg5[%get3A_60, %get3A_61] {strides = array<i32>} : memref<80x128xi32, #tpu.memory_space<vmem>>, vector<16xi32>,
      tpu.vector_store_idx %arg6[%get3A_59], %broadcast_in_dim3A_19 masked %lt3A_56 {add = true} : memref<10240xf32, #tpu.memory_space<vmem>>[vector<16xi32>], vector<16xf32>, vector<16xi1>
      tpu.vector_store_idx %arg7[%get3A_62], %broadcast_in_dim3A_19 masked %lt3A_56 {add = true} : memref<10240xf32, #tpu.memory_space<vmem>>[vector<16xi32>], vector<16xf32>, vector<16xi1>
      %mul3A_63 = arith.constant 128 : i32
      %mul3A_64 = arith.muli %scan3A_31, %mul3A_63 : i32
      %add3A_65 = arith.addi %mul3A_21, %mul3A_64 : i32
      %add3A_66 = arith.constant 32 : i32
      %add3A_67 = arith.addi %add3A_65, %add3A_66 : i32
      %add3A_68 = vector.broadcast %add3A_67 : i32 to vector<16xi32>
      %add3A_69 = arith.addi %add3A_68, %iota3A : vector<16xi32>
      %lt3A_70 = arith.constant 320000 : i32
      %lt3A_71 = vector.broadcast %lt3A_70 : i32 to vector<16xi32>
      %lt3A_72 = arith.cmpi slt, %add3A_69, %lt3A_71 : vector<16xi32>
      %get3A_73 = arith.index_cast %scan3A_31 : i32 to index
      %get3A_74 = arith.constant 32 : index
      %get3A_75 = tpu.vector_load %arg4[%get3A_73, %get3A_74] {strides = array<i32>} : memref<80x128xi32, #tpu.memory_space<vmem>>, vector<16xi32>,
      %get3A_76 = arith.index_cast %scan3A_31 : i32 to index
      %get3A_77 = arith.constant 32 : index
      %get3A_78 = tpu.vector_load %arg5[%get3A_76, %get3A_77] {strides = array<i32>} : memref<80x128xi32, #tpu.memory_space<vmem>>, vector<16xi32>,
      tpu.vector_store_idx %arg6[%get3A_75], %broadcast_in_dim3A_19 masked %lt3A_72 {add = true} : memref<10240xf32, #tpu.memory_space<vmem>>[vector<16xi32>], vector<16xf32>, vector<16xi1>
      tpu.vector_store_idx %arg7[%get3A_78], %broadcast_in_dim3A_19 masked %lt3A_72 {add = true} : memref<10240xf32, #tpu.memory_space<vmem>>[vector<16xi32>], vector<16xf32>, vector<16xi1>
      %mul3A_79 = arith.constant 128 : i32
      %mul3A_80 = arith.muli %scan3A_31, %mul3A_79 : i32
      %add3A_81 = arith.addi %mul3A_21, %mul3A_80 : i32
      %add3A_82 = arith.constant 48 : i32
      %add3A_83 = arith.addi %add3A_81, %add3A_82 : i32
      %add3A_84 = vector.broadcast %add3A_83 : i32 to vector<16xi32>
      %add3A_85 = arith.addi %add3A_84, %iota3A : vector<16xi32>
      %lt3A_86 = arith.constant 320000 : i32
      %lt3A_87 = vector.broadcast %lt3A_86 : i32 to vector<16xi32>
      %lt3A_88 = arith.cmpi slt, %add3A_85, %lt3A_87 : vector<16xi32>
      %get3A_89 = arith.index_cast %scan3A_31 : i32 to index
      %get3A_90 = arith.constant 48 : index
      %get3A_91 = tpu.vector_load %arg4[%get3A_89, %get3A_90] {strides = array<i32>} : memref<80x128xi32, #tpu.memory_space<vmem>>, vector<16xi32>,
      %get3A_92 = arith.index_cast %scan3A_31 : i32 to index
      %get3A_93 = arith.constant 48 : index
      %get3A_94 = tpu.vector_load %arg5[%get3A_92, %get3A_93] {strides = array<i32>} : memref<80x128xi32, #tpu.memory_space<vmem>>, vector<16xi32>,
      tpu.vector_store_idx %arg6[%get3A_91], %broadcast_in_dim3A_19 masked %lt3A_88 {add = true} : memref<10240xf32, #tpu.memory_space<vmem>>[vector<16xi32>], vector<16xf32>, vector<16xi1>
      tpu.vector_store_idx %arg7[%get3A_94], %broadcast_in_dim3A_19 masked %lt3A_88 {add = true} : memref<10240xf32, #tpu.memory_space<vmem>>[vector<16xi32>], vector<16xf32>, vector<16xi1>
      %mul3A_95 = arith.constant 128 : i32
      %mul3A_96 = arith.muli %scan3A_31, %mul3A_95 : i32
      %add3A_97 = arith.addi %mul3A_21, %mul3A_96 : i32
      %add3A_98 = arith.constant 64 : i32
      %add3A_99 = arith.addi %add3A_97, %add3A_98 : i32
      %add3A_100 = vector.broadcast %add3A_99 : i32 to vector<16xi32>
      %add3A_101 = arith.addi %add3A_100, %iota3A : vector<16xi32>
      %lt3A_102 = arith.constant 320000 : i32
      %lt3A_103 = vector.broadcast %lt3A_102 : i32 to vector<16xi32>
      %lt3A_104 = arith.cmpi slt, %add3A_101, %lt3A_103 : vector<16xi32>
      %get3A_105 = arith.index_cast %scan3A_31 : i32 to index
      %get3A_106 = arith.constant 64 : index
      %get3A_107 = tpu.vector_load %arg4[%get3A_105, %get3A_106] {strides = array<i32>} : memref<80x128xi32, #tpu.memory_space<vmem>>, vector<16xi32>,
      %get3A_108 = arith.index_cast %scan3A_31 : i32 to index
      %get3A_109 = arith.constant 64 : index
      %get3A_110 = tpu.vector_load %arg5[%get3A_108, %get3A_109] {strides = array<i32>} : memref<80x128xi32, #tpu.memory_space<vmem>>, vector<16xi32>,
      tpu.vector_store_idx %arg6[%get3A_107], %broadcast_in_dim3A_19 masked %lt3A_104 {add = true} : memref<10240xf32, #tpu.memory_space<vmem>>[vector<16xi32>], vector<16xf32>, vector<16xi1>
      tpu.vector_store_idx %arg7[%get3A_110], %broadcast_in_dim3A_19 masked %lt3A_104 {add = true} : memref<10240xf32, #tpu.memory_space<vmem>>[vector<16xi32>], vector<16xf32>, vector<16xi1>
      %mul3A_111 = arith.constant 128 : i32
      %mul3A_112 = arith.muli %scan3A_31, %mul3A_111 : i32
      %add3A_113 = arith.addi %mul3A_21, %mul3A_112 : i32
      %add3A_114 = arith.constant 80 : i32
      %add3A_115 = arith.addi %add3A_113, %add3A_114 : i32
      %add3A_116 = vector.broadcast %add3A_115 : i32 to vector<16xi32>
      %add3A_117 = arith.addi %add3A_116, %iota3A : vector<16xi32>
      %lt3A_118 = arith.constant 320000 : i32
      %lt3A_119 = vector.broadcast %lt3A_118 : i32 to vector<16xi32>
      %lt3A_120 = arith.cmpi slt, %add3A_117, %lt3A_119 : vector<16xi32>
      %get3A_121 = arith.index_cast %scan3A_31 : i32 to index
      %get3A_122 = arith.constant 80 : index
      %get3A_123 = tpu.vector_load %arg4[%get3A_121, %get3A_122] {strides = array<i32>} : memref<80x128xi32, #tpu.memory_space<vmem>>, vector<16xi32>,
      %get3A_124 = arith.index_cast %scan3A_31 : i32 to index
      %get3A_125 = arith.constant 80 : index
      %get3A_126 = tpu.vector_load %arg5[%get3A_124, %get3A_125] {strides = array<i32>} : memref<80x128xi32, #tpu.memory_space<vmem>>, vector<16xi32>,
      tpu.vector_store_idx %arg6[%get3A_123], %broadcast_in_dim3A_19 masked %lt3A_120 {add = true} : memref<10240xf32, #tpu.memory_space<vmem>>[vector<16xi32>], vector<16xf32>, vector<16xi1>
      tpu.vector_store_idx %arg7[%get3A_126], %broadcast_in_dim3A_19 masked %lt3A_120 {add = true} : memref<10240xf32, #tpu.memory_space<vmem>>[vector<16xi32>], vector<16xf32>, vector<16xi1>
      %mul3A_127 = arith.constant 128 : i32
      %mul3A_128 = arith.muli %scan3A_31, %mul3A_127 : i32
      %add3A_129 = arith.addi %mul3A_21, %mul3A_128 : i32
      %add3A_130 = arith.constant 96 : i32
      %add3A_131 = arith.addi %add3A_129, %add3A_130 : i32
      %add3A_132 = vector.broadcast %add3A_131 : i32 to vector<16xi32>
      %add3A_133 = arith.addi %add3A_132, %iota3A : vector<16xi32>
      %lt3A_134 = arith.constant 320000 : i32
      %lt3A_135 = vector.broadcast %lt3A_134 : i32 to vector<16xi32>
      %lt3A_136 = arith.cmpi slt, %add3A_133, %lt3A_135 : vector<16xi32>
      %get3A_137 = arith.index_cast %scan3A_31 : i32 to index
      %get3A_138 = arith.constant 96 : index
      %get3A_139 = tpu.vector_load %arg4[%get3A_137, %get3A_138] {strides = array<i32>} : memref<80x128xi32, #tpu.memory_space<vmem>>, vector<16xi32>,
      %get3A_140 = arith.index_cast %scan3A_31 : i32 to index
      %get3A_141 = arith.constant 96 : index
      %get3A_142 = tpu.vector_load %arg5[%get3A_140, %get3A_141] {strides = array<i32>} : memref<80x128xi32, #tpu.memory_space<vmem>>, vector<16xi32>,
      tpu.vector_store_idx %arg6[%get3A_139], %broadcast_in_dim3A_19 masked %lt3A_136 {add = true} : memref<10240xf32, #tpu.memory_space<vmem>>[vector<16xi32>], vector<16xf32>, vector<16xi1>
      tpu.vector_store_idx %arg7[%get3A_142], %broadcast_in_dim3A_19 masked %lt3A_136 {add = true} : memref<10240xf32, #tpu.memory_space<vmem>>[vector<16xi32>], vector<16xf32>, vector<16xi1>
      %mul3A_143 = arith.constant 128 : i32
      %mul3A_144 = arith.muli %scan3A_31, %mul3A_143 : i32
      %add3A_145 = arith.addi %mul3A_21, %mul3A_144 : i32
      %add3A_146 = arith.constant 112 : i32
      %add3A_147 = arith.addi %add3A_145, %add3A_146 : i32
      %add3A_148 = vector.broadcast %add3A_147 : i32 to vector<16xi32>
      %add3A_149 = arith.addi %add3A_148, %iota3A : vector<16xi32>
      %lt3A_150 = arith.constant 320000 : i32
      %lt3A_151 = vector.broadcast %lt3A_150 : i32 to vector<16xi32>
      %lt3A_152 = arith.cmpi slt, %add3A_149, %lt3A_151 : vector<16xi32>
      %get3A_153 = arith.index_cast %scan3A_31 : i32 to index
      %get3A_154 = arith.constant 112 : index
      %get3A_155 = tpu.vector_load %arg4[%get3A_153, %get3A_154] {strides = array<i32>} : memref<80x128xi32, #tpu.memory_space<vmem>>, vector<16xi32>,
      %get3A_156 = arith.index_cast %scan3A_31 : i32 to index
      %get3A_157 = arith.constant 112 : index
      %get3A_158 = tpu.vector_load %arg5[%get3A_156, %get3A_157] {strides = array<i32>} : memref<80x128xi32, #tpu.memory_space<vmem>>, vector<16xi32>,
      tpu.vector_store_idx %arg6[%get3A_155], %broadcast_in_dim3A_19 masked %lt3A_152 {add = true} : memref<10240xf32, #tpu.memory_space<vmem>>[vector<16xi32>], vector<16xf32>, vector<16xi1>
      tpu.vector_store_idx %arg7[%get3A_158], %broadcast_in_dim3A_19 masked %lt3A_152 {add = true} : memref<10240xf32, #tpu.memory_space<vmem>>[vector<16xi32>], vector<16xf32>, vector<16xi1>
      %scan3A_159 = arith.constant 0 : i32
      scf.yield %scan3A_159 : i32
    }
    %scan3A_28 = arith.constant 80 : i32
    %run_scoped3A_29 = arith.constant 0 : i32
    "tpu.region"() ({
      %run_scoped3A_31 = tpu.sem_alloc : memref<!tpu.dma_semaphore, #tpu.memory_space<semaphore_mem>>
      %dma_start3A = arith.constant 0 : i32
      %dma_start3A_32 = tpu.memref_slice %arg3[%run_scoped3A_29, %add3A, %dma_start3A] : memref<2x32x10240xf32, #tpu.memory_space<hbm>> -> memref<1x1x10240xf32, #tpu.memory_space<hbm>>
      %dma_start3A_33 = tpu.memref_squeeze %dma_start3A_32 : memref<1x1x10240xf32, #tpu.memory_space<hbm>> -> memref<10240xf32, #tpu.memory_space<hbm>>
      %dma_start3A_34 = arith.constant 0 : i32
      %dma_start3A_35 = tpu.memref_slice %arg3[%run_scoped3A_29, %add3A, %dma_start3A_34] : memref<2x32x10240xf32, #tpu.memory_space<hbm>> -> memref<1x1x10240xf32, #tpu.memory_space<hbm>>
      %dma_start3A_36 = tpu.memref_squeeze %dma_start3A_35 : memref<1x1x10240xf32, #tpu.memory_space<hbm>> -> memref<10240xf32, #tpu.memory_space<hbm>>
      tpu.enqueue_dma source(%arg6 : memref<10240xf32, #tpu.memory_space<vmem>>) target(%dma_start3A_36 : memref<10240xf32, #tpu.memory_space<hbm>>) target_semaphore(%run_scoped3A_31 : memref<!tpu.dma_semaphore, #tpu.memory_space<semaphore_mem>>)
      %dma_wait3A = arith.constant 0 : i32
      %dma_wait3A_37 = tpu.memref_slice %arg3[%run_scoped3A_29, %add3A, %dma_wait3A] : memref<2x32x10240xf32, #tpu.memory_space<hbm>> -> memref<1x1x10240xf32, #tpu.memory_space<hbm>>
      %dma_wait3A_38 = tpu.memref_squeeze %dma_wait3A_37 : memref<1x1x10240xf32, #tpu.memory_space<hbm>> -> memref<10240xf32, #tpu.memory_space<hbm>>
      %dma_wait3A_39 = arith.constant 0 : i32
      %dma_wait3A_40 = tpu.memref_slice %arg3[%run_scoped3A_29, %add3A, %dma_wait3A_39] : memref<2x32x10240xf32, #tpu.memory_space<hbm>> -> memref<1x1x10240xf32, #tpu.memory_space<hbm>>
      %dma_wait3A_41 = tpu.memref_squeeze %dma_wait3A_40 : memref<1x1x10240xf32, #tpu.memory_space<hbm>> -> memref<10240xf32, #tpu.memory_space<hbm>>
      tpu.wait_dma2 semaphore(%run_scoped3A_31 : memref<!tpu.dma_semaphore, #tpu.memory_space<semaphore_mem>>) src(%arg6 : memref<10240xf32, #tpu.memory_space<vmem>>) dst(%dma_wait3A_41 : memref<10240xf32, #tpu.memory_space<hbm>>)
      tpu.yield
    }) : () -> ()
    %run_scoped3A_30 = arith.constant 1 : i32
    "tpu.region"() ({
      %run_scoped3A_31 = tpu.sem_alloc : memref<!tpu.dma_semaphore, #tpu.memory_space<semaphore_mem>>
      %dma_start3A = arith.constant 0 : i32
      %dma_start3A_32 = tpu.memref_slice %arg3[%run_scoped3A_30, %add3A, %dma_start3A] : memref<2x32x10240xf32, #tpu.memory_space<hbm>> -> memref<1x1x10240xf32, #tpu.memory_space<hbm>>
      %dma_start3A_33 = tpu.memref_squeeze %dma_start3A_32 : memref<1x1x10240xf32, #tpu.memory_space<hbm>> -> memref<10240xf32, #tpu.memory_space<hbm>>
      %dma_start3A_34 = arith.constant 0 : i32
      %dma_start3A_35 = tpu.memref_slice %arg3[%run_scoped3A_30, %add3A, %dma_start3A_34] : memref<2x32x10240xf32, #tpu.memory_space<hbm>> -> memref<1x1x10240xf32, #tpu.memory_space<hbm>>
      %dma_start3A_36 = tpu.memref_squeeze %dma_start3A_35 : memref<1x1x10240xf32, #tpu.memory_space<hbm>> -> memref<10240xf32, #tpu.memory_space<hbm>>
      tpu.enqueue_dma source(%arg7 : memref<10240xf32, #tpu.memory_space<vmem>>) target(%dma_start3A_36 : memref<10240xf32, #tpu.memory_space<hbm>>) target_semaphore(%run_scoped3A_31 : memref<!tpu.dma_semaphore, #tpu.memory_space<semaphore_mem>>)
      %dma_wait3A = arith.constant 0 : i32
      %dma_wait3A_37 = tpu.memref_slice %arg3[%run_scoped3A_30, %add3A, %dma_wait3A] : memref<2x32x10240xf32, #tpu.memory_space<hbm>> -> memref<1x1x10240xf32, #tpu.memory_space<hbm>>
      %dma_wait3A_38 = tpu.memref_squeeze %dma_wait3A_37 : memref<1x1x10240xf32, #tpu.memory_space<hbm>> -> memref<10240xf32, #tpu.memory_space<hbm>>
      %dma_wait3A_39 = arith.constant 0 : i32
      %dma_wait3A_40 = tpu.memref_slice %arg3[%run_scoped3A_30, %add3A, %dma_wait3A_39] : memref<2x32x10240xf32, #tpu.memory_space<hbm>> -> memref<1x1x10240xf32, #tpu.memory_space<hbm>>
      %dma_wait3A_41 = tpu.memref_squeeze %dma_wait3A_40 : memref<1x1x10240xf32, #tpu.memory_space<hbm>> -> memref<10240xf32, #tpu.memory_space<hbm>>
      tpu.wait_dma2 semaphore(%run_scoped3A_31 : memref<!tpu.dma_semaphore, #tpu.memory_space<semaphore_mem>>) src(%arg7 : memref<10240xf32, #tpu.memory_space<vmem>>) dst(%dma_wait3A_41 : memref<10240xf32, #tpu.memory_space<hbm>>)
      tpu.yield
    }) : () -> ()
    return
  }
}

#map = affine_map<(d0, d1) -> (0, 0, 0, 0)>
#map1 = affine_map<(d0, d1) -> (0, 0)>
#map2 = affine_map<(d0, d1) -> (0, 0, 0)>
module attributes {stable_mosaic.version = 14 : i64} {
  func.func @_sc_aggregate(%arg0: i32, %arg1: i32, %arg2: memref<2x32x128x80xi32, #tpu.memory_space<hbm>>, %arg3: memref<10240x128xf32, #tpu.memory_space<hbm>>, %arg4: memref<2x10240x128xf32, #tpu.memory_space<hbm>>, %arg5: memref<32x80xi32, #tpu.memory_space<vmem>>, %arg6: memref<32x80xi32, #tpu.memory_space<vmem>>, %arg7: memref<80x128xf32, #tpu.memory_space<vmem>>, %arg8: memref<80x128xf32, #tpu.memory_space<vmem>>, %arg9: memref<80x128xf32, #tpu.memory_space<vmem>>, %arg10: memref<80x128xf32, #tpu.memory_space<vmem>>, %arg11: memref<10240x128xf32, #tpu.memory_space<vmem_shared>>, %arg12: memref<!tpu.dma_semaphore, #tpu.memory_space<semaphore_mem>>, %arg13: memref<!tpu.dma_semaphore, #tpu.memory_space<semaphore_mem>>) attributes {dimension_semantics = [#tpu.dimension_semantics<core_parallel>, #tpu.dimension_semantics<subcore_parallel>], iteration_bounds = array<i64: 2, 16>, scalar_prefetch = 0 : i64, scratch_operands = 9 : i64, tpu.core_type = #tpu.core_type<sc_vector_subcore>, window_params = [{transform_indices = #map}, {transform_indices = #map1}, {transform_indices = #map2}]} {
    %mul3A = arith.constant 16 : i32
    %mul3A_0 = arith.muli %arg0, %mul3A : i32
    %add3A = arith.addi %mul3A_0, %arg1 : i32
    %broadcast_in_dim3A = arith.constant 0.000000e+00 : f32
    %broadcast_in_dim3A_1 = vector.broadcast %broadcast_in_dim3A : f32 to vector<16xf32>
    %scan3A = arith.constant 0 : i32
    %scan3A_2 = arith.constant 0 : i32
    %scan3A_3 = arith.constant 80 : i32
    %scan3A_4 = arith.addi %scan3A_2, %scan3A_3 : i32
    %scan3A_5 = arith.constant 1 : i32
    %scan3A_6 = scf.for %scan3A_138 = %scan3A_2 to %scan3A_4 step %scan3A_5 iter_args(%scan3A_139 = %scan3A) -> (i32)  : i32 {
      %swap3A = arith.index_cast %scan3A_138 : i32 to index
      %swap3A_140 = arith.constant 0 : index
      %swap3A_141 = tpu.vector_load %arg7[%swap3A, %swap3A_140] {strides = array<i32>} : memref<80x128xf32, #tpu.memory_space<vmem>>, vector<16xf32>,
      tpu.vector_store %arg7[%swap3A, %swap3A_140], %broadcast_in_dim3A_1 {strides = array<i32>} : memref<80x128xf32, #tpu.memory_space<vmem>>, vector<16xf32>,
      %swap3A_142 = arith.index_cast %scan3A_138 : i32 to index
      %swap3A_143 = arith.constant 0 : index
      %swap3A_144 = tpu.vector_load %arg8[%swap3A_142, %swap3A_143] {strides = array<i32>} : memref<80x128xf32, #tpu.memory_space<vmem>>, vector<16xf32>,
      tpu.vector_store %arg8[%swap3A_142, %swap3A_143], %broadcast_in_dim3A_1 {strides = array<i32>} : memref<80x128xf32, #tpu.memory_space<vmem>>, vector<16xf32>,
      %swap3A_145 = arith.index_cast %scan3A_138 : i32 to index
      %swap3A_146 = arith.constant 16 : index
      %swap3A_147 = tpu.vector_load %arg7[%swap3A_145, %swap3A_146] {strides = array<i32>} : memref<80x128xf32, #tpu.memory_space<vmem>>, vector<16xf32>,
      tpu.vector_store %arg7[%swap3A_145, %swap3A_146], %broadcast_in_dim3A_1 {strides = array<i32>} : memref<80x128xf32, #tpu.memory_space<vmem>>, vector<16xf32>,
      %swap3A_148 = arith.index_cast %scan3A_138 : i32 to index
      %swap3A_149 = arith.constant 16 : index
      %swap3A_150 = tpu.vector_load %arg8[%swap3A_148, %swap3A_149] {strides = array<i32>} : memref<80x128xf32, #tpu.memory_space<vmem>>, vector<16xf32>,
      tpu.vector_store %arg8[%swap3A_148, %swap3A_149], %broadcast_in_dim3A_1 {strides = array<i32>} : memref<80x128xf32, #tpu.memory_space<vmem>>, vector<16xf32>,
      %swap3A_151 = arith.index_cast %scan3A_138 : i32 to index
      %swap3A_152 = arith.constant 32 : index
      %swap3A_153 = tpu.vector_load %arg7[%swap3A_151, %swap3A_152] {strides = array<i32>} : memref<80x128xf32, #tpu.memory_space<vmem>>, vector<16xf32>,
      tpu.vector_store %arg7[%swap3A_151, %swap3A_152], %broadcast_in_dim3A_1 {strides = array<i32>} : memref<80x128xf32, #tpu.memory_space<vmem>>, vector<16xf32>,
      %swap3A_154 = arith.index_cast %scan3A_138 : i32 to index
      %swap3A_155 = arith.constant 32 : index
      %swap3A_156 = tpu.vector_load %arg8[%swap3A_154, %swap3A_155] {strides = array<i32>} : memref<80x128xf32, #tpu.memory_space<vmem>>, vector<16xf32>,
      tpu.vector_store %arg8[%swap3A_154, %swap3A_155], %broadcast_in_dim3A_1 {strides = array<i32>} : memref<80x128xf32, #tpu.memory_space<vmem>>, vector<16xf32>,
      %swap3A_157 = arith.index_cast %scan3A_138 : i32 to index
      %swap3A_158 = arith.constant 48 : index
      %swap3A_159 = tpu.vector_load %arg7[%swap3A_157, %swap3A_158] {strides = array<i32>} : memref<80x128xf32, #tpu.memory_space<vmem>>, vector<16xf32>,
      tpu.vector_store %arg7[%swap3A_157, %swap3A_158], %broadcast_in_dim3A_1 {strides = array<i32>} : memref<80x128xf32, #tpu.memory_space<vmem>>, vector<16xf32>,
      %swap3A_160 = arith.index_cast %scan3A_138 : i32 to index
      %swap3A_161 = arith.constant 48 : index
      %swap3A_162 = tpu.vector_load %arg8[%swap3A_160, %swap3A_161] {strides = array<i32>} : memref<80x128xf32, #tpu.memory_space<vmem>>, vector<16xf32>,
      tpu.vector_store %arg8[%swap3A_160, %swap3A_161], %broadcast_in_dim3A_1 {strides = array<i32>} : memref<80x128xf32, #tpu.memory_space<vmem>>, vector<16xf32>,
      %swap3A_163 = arith.index_cast %scan3A_138 : i32 to index
      %swap3A_164 = arith.constant 64 : index
      %swap3A_165 = tpu.vector_load %arg7[%swap3A_163, %swap3A_164] {strides = array<i32>} : memref<80x128xf32, #tpu.memory_space<vmem>>, vector<16xf32>,
      tpu.vector_store %arg7[%swap3A_163, %swap3A_164], %broadcast_in_dim3A_1 {strides = array<i32>} : memref<80x128xf32, #tpu.memory_space<vmem>>, vector<16xf32>,
      %swap3A_166 = arith.index_cast %scan3A_138 : i32 to index
      %swap3A_167 = arith.constant 64 : index
      %swap3A_168 = tpu.vector_load %arg8[%swap3A_166, %swap3A_167] {strides = array<i32>} : memref<80x128xf32, #tpu.memory_space<vmem>>, vector<16xf32>,
      tpu.vector_store %arg8[%swap3A_166, %swap3A_167], %broadcast_in_dim3A_1 {strides = array<i32>} : memref<80x128xf32, #tpu.memory_space<vmem>>, vector<16xf32>,
      %swap3A_169 = arith.index_cast %scan3A_138 : i32 to index
      %swap3A_170 = arith.constant 80 : index
      %swap3A_171 = tpu.vector_load %arg7[%swap3A_169, %swap3A_170] {strides = array<i32>} : memref<80x128xf32, #tpu.memory_space<vmem>>, vector<16xf32>,
      tpu.vector_store %arg7[%swap3A_169, %swap3A_170], %broadcast_in_dim3A_1 {strides = array<i32>} : memref<80x128xf32, #tpu.memory_space<vmem>>, vector<16xf32>,
      %swap3A_172 = arith.index_cast %scan3A_138 : i32 to index
      %swap3A_173 = arith.constant 80 : index
      %swap3A_174 = tpu.vector_load %arg8[%swap3A_172, %swap3A_173] {strides = array<i32>} : memref<80x128xf32, #tpu.memory_space<vmem>>, vector<16xf32>,
      tpu.vector_store %arg8[%swap3A_172, %swap3A_173], %broadcast_in_dim3A_1 {strides = array<i32>} : memref<80x128xf32, #tpu.memory_space<vmem>>, vector<16xf32>,
      %swap3A_175 = arith.index_cast %scan3A_138 : i32 to index
      %swap3A_176 = arith.constant 96 : index
      %swap3A_177 = tpu.vector_load %arg7[%swap3A_175, %swap3A_176] {strides = array<i32>} : memref<80x128xf32, #tpu.memory_space<vmem>>, vector<16xf32>,
      tpu.vector_store %arg7[%swap3A_175, %swap3A_176], %broadcast_in_dim3A_1 {strides = array<i32>} : memref<80x128xf32, #tpu.memory_space<vmem>>, vector<16xf32>,
      %swap3A_178 = arith.index_cast %scan3A_138 : i32 to index
      %swap3A_179 = arith.constant 96 : index
      %swap3A_180 = tpu.vector_load %arg8[%swap3A_178, %swap3A_179] {strides = array<i32>} : memref<80x128xf32, #tpu.memory_space<vmem>>, vector<16xf32>,
      tpu.vector_store %arg8[%swap3A_178, %swap3A_179], %broadcast_in_dim3A_1 {strides = array<i32>} : memref<80x128xf32, #tpu.memory_space<vmem>>, vector<16xf32>,
      %swap3A_181 = arith.index_cast %scan3A_138 : i32 to index
      %swap3A_182 = arith.constant 112 : index
      %swap3A_183 = tpu.vector_load %arg7[%swap3A_181, %swap3A_182] {strides = array<i32>} : memref<80x128xf32, #tpu.memory_space<vmem>>, vector<16xf32>,
      tpu.vector_store %arg7[%swap3A_181, %swap3A_182], %broadcast_in_dim3A_1 {strides = array<i32>} : memref<80x128xf32, #tpu.memory_space<vmem>>, vector<16xf32>,
      %swap3A_184 = arith.index_cast %scan3A_138 : i32 to index
      %swap3A_185 = arith.constant 112 : index
      %swap3A_186 = tpu.vector_load %arg8[%swap3A_184, %swap3A_185] {strides = array<i32>} : memref<80x128xf32, #tpu.memory_space<vmem>>, vector<16xf32>,
      tpu.vector_store %arg8[%swap3A_184, %swap3A_185], %broadcast_in_dim3A_1 {strides = array<i32>} : memref<80x128xf32, #tpu.memory_space<vmem>>, vector<16xf32>,
      %scan3A_187 = arith.constant 0 : i32
      scf.yield %scan3A_187 : i32
    }
    %scan3A_7 = arith.constant 80 : i32
    %mul3A_8 = arith.constant 640 : i32
    %mul3A_9 = arith.muli %arg1, %mul3A_8 : i32
    %add3A_10 = arith.constant 0 : i32
    %add3A_11 = arith.addi %mul3A_9, %add3A_10 : i32
    "tpu.region"() ({
      %run_scoped3A_138 = tpu.sem_alloc : memref<!tpu.dma_semaphore, #tpu.memory_space<semaphore_mem>>
      %dma_start3A_139 = arith.constant 0 : i32
      %dma_start3A_140 = tpu.memref_slice %arg11[%add3A_11, %dma_start3A_139] : memref<10240x128xf32, #tpu.memory_space<vmem_shared>> -> memref<80x128xf32, #tpu.memory_space<vmem_shared>>
      %dma_start3A_141 = arith.constant 0 : i32
      %dma_start3A_142 = tpu.memref_slice %arg11[%add3A_11, %dma_start3A_141] : memref<10240x128xf32, #tpu.memory_space<vmem_shared>> -> memref<80x128xf32, #tpu.memory_space<vmem_shared>>
      tpu.enqueue_dma source(%arg7 : memref<80x128xf32, #tpu.memory_space<vmem>>) target(%dma_start3A_142 : memref<80x128xf32, #tpu.memory_space<vmem_shared>>) target_semaphore(%run_scoped3A_138 : memref<!tpu.dma_semaphore, #tpu.memory_space<semaphore_mem>>)
      %dma_wait3A_143 = arith.constant 0 : i32
      %dma_wait3A_144 = tpu.memref_slice %arg11[%add3A_11, %dma_wait3A_143] : memref<10240x128xf32, #tpu.memory_space<vmem_shared>> -> memref<80x128xf32, #tpu.memory_space<vmem_shared>>
      %dma_wait3A_145 = arith.constant 0 : i32
      %dma_wait3A_146 = tpu.memref_slice %arg11[%add3A_11, %dma_wait3A_145] : memref<10240x128xf32, #tpu.memory_space<vmem_shared>> -> memref<80x128xf32, #tpu.memory_space<vmem_shared>>
      tpu.wait_dma2 semaphore(%run_scoped3A_138 : memref<!tpu.dma_semaphore, #tpu.memory_space<semaphore_mem>>) src(%arg7 : memref<80x128xf32, #tpu.memory_space<vmem>>) dst(%dma_wait3A_146 : memref<80x128xf32, #tpu.memory_space<vmem_shared>>)
      tpu.yield
    }) : () -> ()
    %mul3A_12 = arith.constant 640 : i32
    %mul3A_13 = arith.muli %arg1, %mul3A_12 : i32
    %add3A_14 = arith.constant 80 : i32
    %add3A_15 = arith.addi %mul3A_13, %add3A_14 : i32
    "tpu.region"() ({
      %run_scoped3A_138 = tpu.sem_alloc : memref<!tpu.dma_semaphore, #tpu.memory_space<semaphore_mem>>
      %dma_start3A_139 = arith.constant 0 : i32
      %dma_start3A_140 = tpu.memref_slice %arg11[%add3A_15, %dma_start3A_139] : memref<10240x128xf32, #tpu.memory_space<vmem_shared>> -> memref<80x128xf32, #tpu.memory_space<vmem_shared>>
      %dma_start3A_141 = arith.constant 0 : i32
      %dma_start3A_142 = tpu.memref_slice %arg11[%add3A_15, %dma_start3A_141] : memref<10240x128xf32, #tpu.memory_space<vmem_shared>> -> memref<80x128xf32, #tpu.memory_space<vmem_shared>>
      tpu.enqueue_dma source(%arg8 : memref<80x128xf32, #tpu.memory_space<vmem>>) target(%dma_start3A_142 : memref<80x128xf32, #tpu.memory_space<vmem_shared>>) target_semaphore(%run_scoped3A_138 : memref<!tpu.dma_semaphore, #tpu.memory_space<semaphore_mem>>)
      %dma_wait3A_143 = arith.constant 0 : i32
      %dma_wait3A_144 = tpu.memref_slice %arg11[%add3A_15, %dma_wait3A_143] : memref<10240x128xf32, #tpu.memory_space<vmem_shared>> -> memref<80x128xf32, #tpu.memory_space<vmem_shared>>
      %dma_wait3A_145 = arith.constant 0 : i32
      %dma_wait3A_146 = tpu.memref_slice %arg11[%add3A_15, %dma_wait3A_145] : memref<10240x128xf32, #tpu.memory_space<vmem_shared>> -> memref<80x128xf32, #tpu.memory_space<vmem_shared>>
      tpu.wait_dma2 semaphore(%run_scoped3A_138 : memref<!tpu.dma_semaphore, #tpu.memory_space<semaphore_mem>>) src(%arg8 : memref<80x128xf32, #tpu.memory_space<vmem>>) dst(%dma_wait3A_146 : memref<80x128xf32, #tpu.memory_space<vmem_shared>>)
      tpu.yield
    }) : () -> ()
    %mul3A_16 = arith.constant 640 : i32
    %mul3A_17 = arith.muli %arg1, %mul3A_16 : i32
    %add3A_18 = arith.constant 160 : i32
    %add3A_19 = arith.addi %mul3A_17, %add3A_18 : i32
    "tpu.region"() ({
      %run_scoped3A_138 = tpu.sem_alloc : memref<!tpu.dma_semaphore, #tpu.memory_space<semaphore_mem>>
      %dma_start3A_139 = arith.constant 0 : i32
      %dma_start3A_140 = tpu.memref_slice %arg11[%add3A_19, %dma_start3A_139] : memref<10240x128xf32, #tpu.memory_space<vmem_shared>> -> memref<80x128xf32, #tpu.memory_space<vmem_shared>>
      %dma_start3A_141 = arith.constant 0 : i32
      %dma_start3A_142 = tpu.memref_slice %arg11[%add3A_19, %dma_start3A_141] : memref<10240x128xf32, #tpu.memory_space<vmem_shared>> -> memref<80x128xf32, #tpu.memory_space<vmem_shared>>
      tpu.enqueue_dma source(%arg7 : memref<80x128xf32, #tpu.memory_space<vmem>>) target(%dma_start3A_142 : memref<80x128xf32, #tpu.memory_space<vmem_shared>>) target_semaphore(%run_scoped3A_138 : memref<!tpu.dma_semaphore, #tpu.memory_space<semaphore_mem>>)
      %dma_wait3A_143 = arith.constant 0 : i32
      %dma_wait3A_144 = tpu.memref_slice %arg11[%add3A_19, %dma_wait3A_143] : memref<10240x128xf32, #tpu.memory_space<vmem_shared>> -> memref<80x128xf32, #tpu.memory_space<vmem_shared>>
      %dma_wait3A_145 = arith.constant 0 : i32
      %dma_wait3A_146 = tpu.memref_slice %arg11[%add3A_19, %dma_wait3A_145] : memref<10240x128xf32, #tpu.memory_space<vmem_shared>> -> memref<80x128xf32, #tpu.memory_space<vmem_shared>>
      tpu.wait_dma2 semaphore(%run_scoped3A_138 : memref<!tpu.dma_semaphore, #tpu.memory_space<semaphore_mem>>) src(%arg7 : memref<80x128xf32, #tpu.memory_space<vmem>>) dst(%dma_wait3A_146 : memref<80x128xf32, #tpu.memory_space<vmem_shared>>)
      tpu.yield
    }) : () -> ()
    %mul3A_20 = arith.constant 640 : i32
    %mul3A_21 = arith.muli %arg1, %mul3A_20 : i32
    %add3A_22 = arith.constant 240 : i32
    %add3A_23 = arith.addi %mul3A_21, %add3A_22 : i32
    "tpu.region"() ({
      %run_scoped3A_138 = tpu.sem_alloc : memref<!tpu.dma_semaphore, #tpu.memory_space<semaphore_mem>>
      %dma_start3A_139 = arith.constant 0 : i32
      %dma_start3A_140 = tpu.memref_slice %arg11[%add3A_23, %dma_start3A_139] : memref<10240x128xf32, #tpu.memory_space<vmem_shared>> -> memref<80x128xf32, #tpu.memory_space<vmem_shared>>
      %dma_start3A_141 = arith.constant 0 : i32
      %dma_start3A_142 = tpu.memref_slice %arg11[%add3A_23, %dma_start3A_141] : memref<10240x128xf32, #tpu.memory_space<vmem_shared>> -> memref<80x128xf32, #tpu.memory_space<vmem_shared>>
      tpu.enqueue_dma source(%arg8 : memref<80x128xf32, #tpu.memory_space<vmem>>) target(%dma_start3A_142 : memref<80x128xf32, #tpu.memory_space<vmem_shared>>) target_semaphore(%run_scoped3A_138 : memref<!tpu.dma_semaphore, #tpu.memory_space<semaphore_mem>>)
      %dma_wait3A_143 = arith.constant 0 : i32
      %dma_wait3A_144 = tpu.memref_slice %arg11[%add3A_23, %dma_wait3A_143] : memref<10240x128xf32, #tpu.memory_space<vmem_shared>> -> memref<80x128xf32, #tpu.memory_space<vmem_shared>>
      %dma_wait3A_145 = arith.constant 0 : i32
      %dma_wait3A_146 = tpu.memref_slice %arg11[%add3A_23, %dma_wait3A_145] : memref<10240x128xf32, #tpu.memory_space<vmem_shared>> -> memref<80x128xf32, #tpu.memory_space<vmem_shared>>
      tpu.wait_dma2 semaphore(%run_scoped3A_138 : memref<!tpu.dma_semaphore, #tpu.memory_space<semaphore_mem>>) src(%arg8 : memref<80x128xf32, #tpu.memory_space<vmem>>) dst(%dma_wait3A_146 : memref<80x128xf32, #tpu.memory_space<vmem_shared>>)
      tpu.yield
    }) : () -> ()
    %mul3A_24 = arith.constant 640 : i32
    %mul3A_25 = arith.muli %arg1, %mul3A_24 : i32
    %add3A_26 = arith.constant 320 : i32
    %add3A_27 = arith.addi %mul3A_25, %add3A_26 : i32
    "tpu.region"() ({
      %run_scoped3A_138 = tpu.sem_alloc : memref<!tpu.dma_semaphore, #tpu.memory_space<semaphore_mem>>
      %dma_start3A_139 = arith.constant 0 : i32
      %dma_start3A_140 = tpu.memref_slice %arg11[%add3A_27, %dma_start3A_139] : memref<10240x128xf32, #tpu.memory_space<vmem_shared>> -> memref<80x128xf32, #tpu.memory_space<vmem_shared>>
      %dma_start3A_141 = arith.constant 0 : i32
      %dma_start3A_142 = tpu.memref_slice %arg11[%add3A_27, %dma_start3A_141] : memref<10240x128xf32, #tpu.memory_space<vmem_shared>> -> memref<80x128xf32, #tpu.memory_space<vmem_shared>>
      tpu.enqueue_dma source(%arg7 : memref<80x128xf32, #tpu.memory_space<vmem>>) target(%dma_start3A_142 : memref<80x128xf32, #tpu.memory_space<vmem_shared>>) target_semaphore(%run_scoped3A_138 : memref<!tpu.dma_semaphore, #tpu.memory_space<semaphore_mem>>)
      %dma_wait3A_143 = arith.constant 0 : i32
      %dma_wait3A_144 = tpu.memref_slice %arg11[%add3A_27, %dma_wait3A_143] : memref<10240x128xf32, #tpu.memory_space<vmem_shared>> -> memref<80x128xf32, #tpu.memory_space<vmem_shared>>
      %dma_wait3A_145 = arith.constant 0 : i32
      %dma_wait3A_146 = tpu.memref_slice %arg11[%add3A_27, %dma_wait3A_145] : memref<10240x128xf32, #tpu.memory_space<vmem_shared>> -> memref<80x128xf32, #tpu.memory_space<vmem_shared>>
      tpu.wait_dma2 semaphore(%run_scoped3A_138 : memref<!tpu.dma_semaphore, #tpu.memory_space<semaphore_mem>>) src(%arg7 : memref<80x128xf32, #tpu.memory_space<vmem>>) dst(%dma_wait3A_146 : memref<80x128xf32, #tpu.memory_space<vmem_shared>>)
      tpu.yield
    }) : () -> ()
    %mul3A_28 = arith.constant 640 : i32
    %mul3A_29 = arith.muli %arg1, %mul3A_28 : i32
    %add3A_30 = arith.constant 400 : i32
    %add3A_31 = arith.addi %mul3A_29, %add3A_30 : i32
    "tpu.region"() ({
      %run_scoped3A_138 = tpu.sem_alloc : memref<!tpu.dma_semaphore, #tpu.memory_space<semaphore_mem>>
      %dma_start3A_139 = arith.constant 0 : i32
      %dma_start3A_140 = tpu.memref_slice %arg11[%add3A_31, %dma_start3A_139] : memref<10240x128xf32, #tpu.memory_space<vmem_shared>> -> memref<80x128xf32, #tpu.memory_space<vmem_shared>>
      %dma_start3A_141 = arith.constant 0 : i32
      %dma_start3A_142 = tpu.memref_slice %arg11[%add3A_31, %dma_start3A_141] : memref<10240x128xf32, #tpu.memory_space<vmem_shared>> -> memref<80x128xf32, #tpu.memory_space<vmem_shared>>
      tpu.enqueue_dma source(%arg8 : memref<80x128xf32, #tpu.memory_space<vmem>>) target(%dma_start3A_142 : memref<80x128xf32, #tpu.memory_space<vmem_shared>>) target_semaphore(%run_scoped3A_138 : memref<!tpu.dma_semaphore, #tpu.memory_space<semaphore_mem>>)
      %dma_wait3A_143 = arith.constant 0 : i32
      %dma_wait3A_144 = tpu.memref_slice %arg11[%add3A_31, %dma_wait3A_143] : memref<10240x128xf32, #tpu.memory_space<vmem_shared>> -> memref<80x128xf32, #tpu.memory_space<vmem_shared>>
      %dma_wait3A_145 = arith.constant 0 : i32
      %dma_wait3A_146 = tpu.memref_slice %arg11[%add3A_31, %dma_wait3A_145] : memref<10240x128xf32, #tpu.memory_space<vmem_shared>> -> memref<80x128xf32, #tpu.memory_space<vmem_shared>>
      tpu.wait_dma2 semaphore(%run_scoped3A_138 : memref<!tpu.dma_semaphore, #tpu.memory_space<semaphore_mem>>) src(%arg8 : memref<80x128xf32, #tpu.memory_space<vmem>>) dst(%dma_wait3A_146 : memref<80x128xf32, #tpu.memory_space<vmem_shared>>)
      tpu.yield
    }) : () -> ()
    %mul3A_32 = arith.constant 640 : i32
    %mul3A_33 = arith.muli %arg1, %mul3A_32 : i32
    %add3A_34 = arith.constant 480 : i32
    %add3A_35 = arith.addi %mul3A_33, %add3A_34 : i32
    "tpu.region"() ({
      %run_scoped3A_138 = tpu.sem_alloc : memref<!tpu.dma_semaphore, #tpu.memory_space<semaphore_mem>>
      %dma_start3A_139 = arith.constant 0 : i32
      %dma_start3A_140 = tpu.memref_slice %arg11[%add3A_35, %dma_start3A_139] : memref<10240x128xf32, #tpu.memory_space<vmem_shared>> -> memref<80x128xf32, #tpu.memory_space<vmem_shared>>
      %dma_start3A_141 = arith.constant 0 : i32
      %dma_start3A_142 = tpu.memref_slice %arg11[%add3A_35, %dma_start3A_141] : memref<10240x128xf32, #tpu.memory_space<vmem_shared>> -> memref<80x128xf32, #tpu.memory_space<vmem_shared>>
      tpu.enqueue_dma source(%arg7 : memref<80x128xf32, #tpu.memory_space<vmem>>) target(%dma_start3A_142 : memref<80x128xf32, #tpu.memory_space<vmem_shared>>) target_semaphore(%run_scoped3A_138 : memref<!tpu.dma_semaphore, #tpu.memory_space<semaphore_mem>>)
      %dma_wait3A_143 = arith.constant 0 : i32
      %dma_wait3A_144 = tpu.memref_slice %arg11[%add3A_35, %dma_wait3A_143] : memref<10240x128xf32, #tpu.memory_space<vmem_shared>> -> memref<80x128xf32, #tpu.memory_space<vmem_shared>>
      %dma_wait3A_145 = arith.constant 0 : i32
      %dma_wait3A_146 = tpu.memref_slice %arg11[%add3A_35, %dma_wait3A_145] : memref<10240x128xf32, #tpu.memory_space<vmem_shared>> -> memref<80x128xf32, #tpu.memory_space<vmem_shared>>
      tpu.wait_dma2 semaphore(%run_scoped3A_138 : memref<!tpu.dma_semaphore, #tpu.memory_space<semaphore_mem>>) src(%arg7 : memref<80x128xf32, #tpu.memory_space<vmem>>) dst(%dma_wait3A_146 : memref<80x128xf32, #tpu.memory_space<vmem_shared>>)
      tpu.yield
    }) : () -> ()
    %mul3A_36 = arith.constant 640 : i32
    %mul3A_37 = arith.muli %arg1, %mul3A_36 : i32
    %add3A_38 = arith.constant 560 : i32
    %add3A_39 = arith.addi %mul3A_37, %add3A_38 : i32
    "tpu.region"() ({
      %run_scoped3A_138 = tpu.sem_alloc : memref<!tpu.dma_semaphore, #tpu.memory_space<semaphore_mem>>
      %dma_start3A_139 = arith.constant 0 : i32
      %dma_start3A_140 = tpu.memref_slice %arg11[%add3A_39, %dma_start3A_139] : memref<10240x128xf32, #tpu.memory_space<vmem_shared>> -> memref<80x128xf32, #tpu.memory_space<vmem_shared>>
      %dma_start3A_141 = arith.constant 0 : i32
      %dma_start3A_142 = tpu.memref_slice %arg11[%add3A_39, %dma_start3A_141] : memref<10240x128xf32, #tpu.memory_space<vmem_shared>> -> memref<80x128xf32, #tpu.memory_space<vmem_shared>>
      tpu.enqueue_dma source(%arg8 : memref<80x128xf32, #tpu.memory_space<vmem>>) target(%dma_start3A_142 : memref<80x128xf32, #tpu.memory_space<vmem_shared>>) target_semaphore(%run_scoped3A_138 : memref<!tpu.dma_semaphore, #tpu.memory_space<semaphore_mem>>)
      %dma_wait3A_143 = arith.constant 0 : i32
      %dma_wait3A_144 = tpu.memref_slice %arg11[%add3A_39, %dma_wait3A_143] : memref<10240x128xf32, #tpu.memory_space<vmem_shared>> -> memref<80x128xf32, #tpu.memory_space<vmem_shared>>
      %dma_wait3A_145 = arith.constant 0 : i32
      %dma_wait3A_146 = tpu.memref_slice %arg11[%add3A_39, %dma_wait3A_145] : memref<10240x128xf32, #tpu.memory_space<vmem_shared>> -> memref<80x128xf32, #tpu.memory_space<vmem_shared>>
      tpu.wait_dma2 semaphore(%run_scoped3A_138 : memref<!tpu.dma_semaphore, #tpu.memory_space<semaphore_mem>>) src(%arg8 : memref<80x128xf32, #tpu.memory_space<vmem>>) dst(%dma_wait3A_146 : memref<80x128xf32, #tpu.memory_space<vmem_shared>>)
      tpu.yield
    }) : () -> ()
    %barrier3A = arith.constant 0 : index
    tpu.barrier barrier_id(%barrier3A)
    %mul3A_40 = arith.constant 128 : i32
    %mul3A_41 = arith.muli %add3A, %mul3A_40 : i32
    %sub3A = arith.constant 4000 : i32
    %sub3A_42 = arith.subi %sub3A, %mul3A_41 : i32
    %jit3A = arith.constant 0 : i32
    %jit3A_43 = arith.constant 128 : i32
    %max3A = arith.maxsi %jit3A, %sub3A_42 : i32
    %min3A = arith.minsi %jit3A_43, %max3A : i32
    %and3A = arith.constant 0 : i32
    %and3A_44 = arith.constant 1 : i32
    %and3A_45 = arith.andi %and3A, %and3A_44 : i32
    %mul3A_46 = arith.constant 16 : i32
    %mul3A_47 = arith.muli %and3A_45, %mul3A_46 : i32
    %run_scoped3A = arith.constant 0 : i32
    "tpu.region"() ({
      %run_scoped3A_138 = tpu.sem_alloc : memref<!tpu.dma_semaphore, #tpu.memory_space<semaphore_mem>>
      %dma_start3A_139 = arith.constant 0 : i32
      %dma_start3A_140 = tpu.memref_slice %arg5[%mul3A_47, %dma_start3A_139] : memref<32x80xi32, #tpu.memory_space<vmem>> -> memref<16x80xi32, #tpu.memory_space<vmem>>
      %dma_start3A_141 = arith.constant 0 : i32
      %dma_start3A_142 = arith.constant 0 : i32
      %dma_start3A_143 = tpu.memref_slice %arg2[%run_scoped3A, %add3A, %dma_start3A_141, %dma_start3A_142] : memref<2x32x128x80xi32, #tpu.memory_space<hbm>> -> memref<1x1x16x80xi32, #tpu.memory_space<hbm>>
      %dma_start3A_144 = tpu.memref_squeeze %dma_start3A_143 : memref<1x1x16x80xi32, #tpu.memory_space<hbm>> -> memref<16x80xi32, #tpu.memory_space<hbm>>
      %dma_start3A_145 = arith.constant 0 : i32
      %dma_start3A_146 = tpu.memref_slice %arg5[%mul3A_47, %dma_start3A_145] : memref<32x80xi32, #tpu.memory_space<vmem>> -> memref<16x80xi32, #tpu.memory_space<vmem>>
      %dma_start3A_147 = arith.constant 0 : i32
      %dma_start3A_148 = arith.constant 0 : i32
      %dma_start3A_149 = tpu.memref_slice %arg2[%run_scoped3A, %add3A, %dma_start3A_147, %dma_start3A_148] : memref<2x32x128x80xi32, #tpu.memory_space<hbm>> -> memref<1x1x16x80xi32, #tpu.memory_space<hbm>>
      %dma_start3A_150 = tpu.memref_squeeze %dma_start3A_149 : memref<1x1x16x80xi32, #tpu.memory_space<hbm>> -> memref<16x80xi32, #tpu.memory_space<hbm>>
      tpu.enqueue_dma source(%dma_start3A_150 : memref<16x80xi32, #tpu.memory_space<hbm>>) target(%dma_start3A_146 : memref<16x80xi32, #tpu.memory_space<vmem>>) target_semaphore(%run_scoped3A_138 : memref<!tpu.dma_semaphore, #tpu.memory_space<semaphore_mem>>)
      %dma_wait3A_151 = arith.constant 0 : i32
      %dma_wait3A_152 = tpu.memref_slice %arg5[%mul3A_47, %dma_wait3A_151] : memref<32x80xi32, #tpu.memory_space<vmem>> -> memref<16x80xi32, #tpu.memory_space<vmem>>
      %dma_wait3A_153 = arith.constant 0 : i32
      %dma_wait3A_154 = arith.constant 0 : i32
      %dma_wait3A_155 = tpu.memref_slice %arg2[%run_scoped3A, %add3A, %dma_wait3A_153, %dma_wait3A_154] : memref<2x32x128x80xi32, #tpu.memory_space<hbm>> -> memref<1x1x16x80xi32, #tpu.memory_space<hbm>>
      %dma_wait3A_156 = tpu.memref_squeeze %dma_wait3A_155 : memref<1x1x16x80xi32, #tpu.memory_space<hbm>> -> memref<16x80xi32, #tpu.memory_space<hbm>>
      %dma_wait3A_157 = arith.constant 0 : i32
      %dma_wait3A_158 = tpu.memref_slice %arg5[%mul3A_47, %dma_wait3A_157] : memref<32x80xi32, #tpu.memory_space<vmem>> -> memref<16x80xi32, #tpu.memory_space<vmem>>
      %dma_wait3A_159 = arith.constant 0 : i32
      %dma_wait3A_160 = arith.constant 0 : i32
      %dma_wait3A_161 = tpu.memref_slice %arg2[%run_scoped3A, %add3A, %dma_wait3A_159, %dma_wait3A_160] : memref<2x32x128x80xi32, #tpu.memory_space<hbm>> -> memref<1x1x16x80xi32, #tpu.memory_space<hbm>>
      %dma_wait3A_162 = tpu.memref_squeeze %dma_wait3A_161 : memref<1x1x16x80xi32, #tpu.memory_space<hbm>> -> memref<16x80xi32, #tpu.memory_space<hbm>>
      tpu.wait_dma2 semaphore(%run_scoped3A_138 : memref<!tpu.dma_semaphore, #tpu.memory_space<semaphore_mem>>) src(%dma_wait3A_162 : memref<16x80xi32, #tpu.memory_space<hbm>>) dst(%dma_wait3A_158 : memref<16x80xi32, #tpu.memory_space<vmem>>)
      tpu.yield
    }) : () -> ()
    %run_scoped3A_48 = arith.constant 1 : i32
    "tpu.region"() ({
      %run_scoped3A_138 = tpu.sem_alloc : memref<!tpu.dma_semaphore, #tpu.memory_space<semaphore_mem>>
      %dma_start3A_139 = arith.constant 0 : i32
      %dma_start3A_140 = tpu.memref_slice %arg6[%mul3A_47, %dma_start3A_139] : memref<32x80xi32, #tpu.memory_space<vmem>> -> memref<16x80xi32, #tpu.memory_space<vmem>>
      %dma_start3A_141 = arith.constant 0 : i32
      %dma_start3A_142 = arith.constant 0 : i32
      %dma_start3A_143 = tpu.memref_slice %arg2[%run_scoped3A_48, %add3A, %dma_start3A_141, %dma_start3A_142] : memref<2x32x128x80xi32, #tpu.memory_space<hbm>> -> memref<1x1x16x80xi32, #tpu.memory_space<hbm>>
      %dma_start3A_144 = tpu.memref_squeeze %dma_start3A_143 : memref<1x1x16x80xi32, #tpu.memory_space<hbm>> -> memref<16x80xi32, #tpu.memory_space<hbm>>
      %dma_start3A_145 = arith.constant 0 : i32
      %dma_start3A_146 = tpu.memref_slice %arg6[%mul3A_47, %dma_start3A_145] : memref<32x80xi32, #tpu.memory_space<vmem>> -> memref<16x80xi32, #tpu.memory_space<vmem>>
      %dma_start3A_147 = arith.constant 0 : i32
      %dma_start3A_148 = arith.constant 0 : i32
      %dma_start3A_149 = tpu.memref_slice %arg2[%run_scoped3A_48, %add3A, %dma_start3A_147, %dma_start3A_148] : memref<2x32x128x80xi32, #tpu.memory_space<hbm>> -> memref<1x1x16x80xi32, #tpu.memory_space<hbm>>
      %dma_start3A_150 = tpu.memref_squeeze %dma_start3A_149 : memref<1x1x16x80xi32, #tpu.memory_space<hbm>> -> memref<16x80xi32, #tpu.memory_space<hbm>>
      tpu.enqueue_dma source(%dma_start3A_150 : memref<16x80xi32, #tpu.memory_space<hbm>>) target(%dma_start3A_146 : memref<16x80xi32, #tpu.memory_space<vmem>>) target_semaphore(%run_scoped3A_138 : memref<!tpu.dma_semaphore, #tpu.memory_space<semaphore_mem>>)
      %dma_wait3A_151 = arith.constant 0 : i32
      %dma_wait3A_152 = tpu.memref_slice %arg6[%mul3A_47, %dma_wait3A_151] : memref<32x80xi32, #tpu.memory_space<vmem>> -> memref<16x80xi32, #tpu.memory_space<vmem>>
      %dma_wait3A_153 = arith.constant 0 : i32
      %dma_wait3A_154 = arith.constant 0 : i32
      %dma_wait3A_155 = tpu.memref_slice %arg2[%run_scoped3A_48, %add3A, %dma_wait3A_153, %dma_wait3A_154] : memref<2x32x128x80xi32, #tpu.memory_space<hbm>> -> memref<1x1x16x80xi32, #tpu.memory_space<hbm>>
      %dma_wait3A_156 = tpu.memref_squeeze %dma_wait3A_155 : memref<1x1x16x80xi32, #tpu.memory_space<hbm>> -> memref<16x80xi32, #tpu.memory_space<hbm>>
      %dma_wait3A_157 = arith.constant 0 : i32
      %dma_wait3A_158 = tpu.memref_slice %arg6[%mul3A_47, %dma_wait3A_157] : memref<32x80xi32, #tpu.memory_space<vmem>> -> memref<16x80xi32, #tpu.memory_space<vmem>>
      %dma_wait3A_159 = arith.constant 0 : i32
      %dma_wait3A_160 = arith.constant 0 : i32
      %dma_wait3A_161 = tpu.memref_slice %arg2[%run_scoped3A_48, %add3A, %dma_wait3A_159, %dma_wait3A_160] : memref<2x32x128x80xi32, #tpu.memory_space<hbm>> -> memref<1x1x16x80xi32, #tpu.memory_space<hbm>>
      %dma_wait3A_162 = tpu.memref_squeeze %dma_wait3A_161 : memref<1x1x16x80xi32, #tpu.memory_space<hbm>> -> memref<16x80xi32, #tpu.memory_space<hbm>>
      tpu.wait_dma2 semaphore(%run_scoped3A_138 : memref<!tpu.dma_semaphore, #tpu.memory_space<semaphore_mem>>) src(%dma_wait3A_162 : memref<16x80xi32, #tpu.memory_space<hbm>>) dst(%dma_wait3A_158 : memref<16x80xi32, #tpu.memory_space<vmem>>)
      tpu.yield
    }) : () -> ()
    %jit3A_49 = arith.constant 4 : i32
    %div3A = arith.divsi %min3A, %jit3A_49 : i32
    %sign3A = arith.constant 0 : i32
    %sign3A_50 = arith.cmpi sgt, %min3A, %sign3A : i32
    %sign3A_51 = arith.extui %sign3A_50 : i1 to i32
    %sign3A_52 = arith.constant 0 : i32
    %sign3A_53 = arith.cmpi slt, %min3A, %sign3A_52 : i32
    %sign3A_54 = arith.extui %sign3A_53 : i1 to i32
    %sign3A_55 = arith.subi %sign3A_51, %sign3A_54 : i32
    %sign3A_56 = arith.constant 0 : i32
    %sign3A_57 = arith.cmpi sgt, %jit3A_49, %sign3A_56 : i32
    %sign3A_58 = arith.extui %sign3A_57 : i1 to i32
    %sign3A_59 = arith.constant 0 : i32
    %sign3A_60 = arith.cmpi slt, %jit3A_49, %sign3A_59 : i32
    %sign3A_61 = arith.extui %sign3A_60 : i1 to i32
    %sign3A_62 = arith.subi %sign3A_58, %sign3A_61 : i32
    %ne3A = arith.cmpi ne, %sign3A_55, %sign3A_62 : i32
    %rem3A = arith.remsi %min3A, %jit3A_49 : i32
    %ne3A_63 = arith.constant 0 : i32
    %ne3A_64 = arith.cmpi ne, %rem3A, %ne3A_63 : i32
    %and3A_65 = arith.andi %ne3A, %ne3A_64 : i1
    %sub3A_66 = arith.constant 1 : i32
    %sub3A_67 = arith.subi %div3A, %sub3A_66 : i32
    %select_n3A = arith.select %and3A_65, %sub3A_67, %div3A : i32
    %while3A = arith.constant 0 : i32
    %while3A_68 = arith.constant 0 : i32
    %while3A_69 = arith.subi %select_n3A, %while3A : i32
    %while3A_70 = arith.addi %while3A, %while3A_69 : i32
    %while3A_71 = arith.constant 1 : i32
    %while3A_72 = arith.divsi %while3A_69, %while3A_71 : i32
    %while3A_73 = arith.muli %while3A_72, %while3A_71 : i32
    %while3A_74 = arith.addi %while3A, %while3A_73 : i32
    %while3A_75 = arith.constant 1 : i32
    %while3A_76 = scf.for %while3A_138 = %while3A to %while3A_74 step %while3A_75 iter_args(%while3A_139 = %while3A_68) -> (i32)  : i32 {
      %mul3A_140 = arith.constant 4 : i32
      %mul3A_141 = arith.muli %mul3A_140, %while3A_138 : i32
      %gt3A = arith.constant 0 : i32
      %gt3A_142 = arith.cmpi sgt, %while3A_138, %gt3A : i32
      %convert_element_type3A = arith.extui %gt3A_142 : i1 to i32
      %cond3A = arith.constant 0 : i32
      %cond3A_143 = arith.cmpi ne, %convert_element_type3A, %cond3A : i32
      %cond3A_144 = scf.if %cond3A_143 -> (i32) {
        %dma_wait3A_254 = arith.constant 0 : i32
        %dma_wait3A_255 = arith.constant 0 : i32
        %dma_wait3A_256 = tpu.memref_slice %arg3[%dma_wait3A_254, %dma_wait3A_255] : memref<10240x128xf32, #tpu.memory_space<hbm>> -> memref<80x128xf32, #tpu.memory_space<hbm>>
        %dma_wait3A_257 = arith.constant 0 : i32
        %dma_wait3A_258 = arith.constant 0 : i32
        %dma_wait3A_259 = tpu.memref_slice %arg3[%dma_wait3A_257, %dma_wait3A_258] : memref<10240x128xf32, #tpu.memory_space<hbm>> -> memref<80x128xf32, #tpu.memory_space<hbm>>
        tpu.wait_dma2 semaphore(%arg13 : memref<!tpu.dma_semaphore, #tpu.memory_space<semaphore_mem>>) src(%dma_wait3A_259 : memref<80x128xf32, #tpu.memory_space<hbm>>) dst(%arg7 : memref<80x128xf32, #tpu.memory_space<vmem>>)
        %cond3A_260 = arith.constant 0 : i32
        scf.yield %cond3A_260 : i32
      } else {
        %cond3A_254 = arith.constant 0 : i32
        scf.yield %cond3A_254 : i32
      }
      %and3A_145 = arith.constant 15 : i32
      %and3A_146 = arith.andi %mul3A_141, %and3A_145 : i32
      %eq3A = arith.constant 0 : i32
      %eq3A_147 = arith.cmpi eq, %and3A_146, %eq3A : i32
      %gt3A_148 = arith.constant 0 : i32
      %gt3A_149 = arith.cmpi sgt, %mul3A_141, %gt3A_148 : i32
      %and3A_150 = arith.andi %eq3A_147, %gt3A_149 : i1
      %convert_element_type3A_151 = arith.extui %and3A_150 : i1 to i32
      %cond3A_152 = arith.constant 0 : i32
      %cond3A_153 = arith.cmpi ne, %convert_element_type3A_151, %cond3A_152 : i32
      %cond3A_154 = scf.if %cond3A_153 -> (i32) {
        %jit3A_254 = arith.constant 16 : i32
        %div3A_255 = arith.divsi %mul3A_141, %jit3A_254 : i32
        %sign3A_256 = arith.constant 0 : i32
        %sign3A_257 = arith.cmpi sgt, %mul3A_141, %sign3A_256 : i32
        %sign3A_258 = arith.extui %sign3A_257 : i1 to i32
        %sign3A_259 = arith.constant 0 : i32
        %sign3A_260 = arith.cmpi slt, %mul3A_141, %sign3A_259 : i32
        %sign3A_261 = arith.extui %sign3A_260 : i1 to i32
        %sign3A_262 = arith.subi %sign3A_258, %sign3A_261 : i32
        %sign3A_263 = arith.constant 0 : i32
        %sign3A_264 = arith.cmpi sgt, %jit3A_254, %sign3A_263 : i32
        %sign3A_265 = arith.extui %sign3A_264 : i1 to i32
        %sign3A_266 = arith.constant 0 : i32
        %sign3A_267 = arith.cmpi slt, %jit3A_254, %sign3A_266 : i32
        %sign3A_268 = arith.extui %sign3A_267 : i1 to i32
        %sign3A_269 = arith.subi %sign3A_265, %sign3A_268 : i32
        %ne3A_270 = arith.cmpi ne, %sign3A_262, %sign3A_269 : i32
        %rem3A_271 = arith.remsi %mul3A_141, %jit3A_254 : i32
        %ne3A_272 = arith.constant 0 : i32
        %ne3A_273 = arith.cmpi ne, %rem3A_271, %ne3A_272 : i32
        %and3A_274 = arith.andi %ne3A_270, %ne3A_273 : i1
        %sub3A_275 = arith.constant 1 : i32
        %sub3A_276 = arith.subi %div3A_255, %sub3A_275 : i32
        %select_n3A_277 = arith.select %and3A_274, %sub3A_276, %div3A_255 : i32
        %and3A_278 = arith.constant 1 : i32
        %and3A_279 = arith.andi %select_n3A_277, %and3A_278 : i32
        %mul3A_280 = arith.constant 16 : i32
        %mul3A_281 = arith.muli %and3A_279, %mul3A_280 : i32
        %mul3A_282 = arith.constant 16 : i32
        %mul3A_283 = arith.muli %select_n3A_277, %mul3A_282 : i32
        %run_scoped3A_284 = arith.constant 0 : i32
        "tpu.region"() ({
          %run_scoped3A_289 = tpu.sem_alloc : memref<!tpu.dma_semaphore, #tpu.memory_space<semaphore_mem>>
          %dma_start3A_290 = arith.constant 0 : i32
          %dma_start3A_291 = tpu.memref_slice %arg5[%mul3A_281, %dma_start3A_290] : memref<32x80xi32, #tpu.memory_space<vmem>> -> memref<16x80xi32, #tpu.memory_space<vmem>>
          %dma_start3A_292 = arith.constant 0 : i32
          %dma_start3A_293 = tpu.memref_slice %arg2[%run_scoped3A_284, %add3A, %mul3A_283, %dma_start3A_292] : memref<2x32x128x80xi32, #tpu.memory_space<hbm>> -> memref<1x1x16x80xi32, #tpu.memory_space<hbm>>
          %dma_start3A_294 = tpu.memref_squeeze %dma_start3A_293 : memref<1x1x16x80xi32, #tpu.memory_space<hbm>> -> memref<16x80xi32, #tpu.memory_space<hbm>>
          %dma_start3A_295 = arith.constant 0 : i32
          %dma_start3A_296 = tpu.memref_slice %arg5[%mul3A_281, %dma_start3A_295] : memref<32x80xi32, #tpu.memory_space<vmem>> -> memref<16x80xi32, #tpu.memory_space<vmem>>
          %dma_start3A_297 = arith.constant 0 : i32
          %dma_start3A_298 = tpu.memref_slice %arg2[%run_scoped3A_284, %add3A, %mul3A_283, %dma_start3A_297] : memref<2x32x128x80xi32, #tpu.memory_space<hbm>> -> memref<1x1x16x80xi32, #tpu.memory_space<hbm>>
          %dma_start3A_299 = tpu.memref_squeeze %dma_start3A_298 : memref<1x1x16x80xi32, #tpu.memory_space<hbm>> -> memref<16x80xi32, #tpu.memory_space<hbm>>
          tpu.enqueue_dma source(%dma_start3A_299 : memref<16x80xi32, #tpu.memory_space<hbm>>) target(%dma_start3A_296 : memref<16x80xi32, #tpu.memory_space<vmem>>) target_semaphore(%run_scoped3A_289 : memref<!tpu.dma_semaphore, #tpu.memory_space<semaphore_mem>>)
          %dma_wait3A_300 = arith.constant 0 : i32
          %dma_wait3A_301 = tpu.memref_slice %arg5[%mul3A_281, %dma_wait3A_300] : memref<32x80xi32, #tpu.memory_space<vmem>> -> memref<16x80xi32, #tpu.memory_space<vmem>>
          %dma_wait3A_302 = arith.constant 0 : i32
          %dma_wait3A_303 = tpu.memref_slice %arg2[%run_scoped3A_284, %add3A, %mul3A_283, %dma_wait3A_302] : memref<2x32x128x80xi32, #tpu.memory_space<hbm>> -> memref<1x1x16x80xi32, #tpu.memory_space<hbm>>
          %dma_wait3A_304 = tpu.memref_squeeze %dma_wait3A_303 : memref<1x1x16x80xi32, #tpu.memory_space<hbm>> -> memref<16x80xi32, #tpu.memory_space<hbm>>
          %dma_wait3A_305 = arith.constant 0 : i32
          %dma_wait3A_306 = tpu.memref_slice %arg5[%mul3A_281, %dma_wait3A_305] : memref<32x80xi32, #tpu.memory_space<vmem>> -> memref<16x80xi32, #tpu.memory_space<vmem>>
          %dma_wait3A_307 = arith.constant 0 : i32
          %dma_wait3A_308 = tpu.memref_slice %arg2[%run_scoped3A_284, %add3A, %mul3A_283, %dma_wait3A_307] : memref<2x32x128x80xi32, #tpu.memory_space<hbm>> -> memref<1x1x16x80xi32, #tpu.memory_space<hbm>>
          %dma_wait3A_309 = tpu.memref_squeeze %dma_wait3A_308 : memref<1x1x16x80xi32, #tpu.memory_space<hbm>> -> memref<16x80xi32, #tpu.memory_space<hbm>>
          tpu.wait_dma2 semaphore(%run_scoped3A_289 : memref<!tpu.dma_semaphore, #tpu.memory_space<semaphore_mem>>) src(%dma_wait3A_309 : memref<16x80xi32, #tpu.memory_space<hbm>>) dst(%dma_wait3A_306 : memref<16x80xi32, #tpu.memory_space<vmem>>)
          tpu.yield
        }) : () -> ()
        %mul3A_285 = arith.constant 16 : i32
        %mul3A_286 = arith.muli %select_n3A_277, %mul3A_285 : i32
        %run_scoped3A_287 = arith.constant 1 : i32
        "tpu.region"() ({
          %run_scoped3A_289 = tpu.sem_alloc : memref<!tpu.dma_semaphore, #tpu.memory_space<semaphore_mem>>
          %dma_start3A_290 = arith.constant 0 : i32
          %dma_start3A_291 = tpu.memref_slice %arg6[%mul3A_281, %dma_start3A_290] : memref<32x80xi32, #tpu.memory_space<vmem>> -> memref<16x80xi32, #tpu.memory_space<vmem>>
          %dma_start3A_292 = arith.constant 0 : i32
          %dma_start3A_293 = tpu.memref_slice %arg2[%run_scoped3A_287, %add3A, %mul3A_286, %dma_start3A_292] : memref<2x32x128x80xi32, #tpu.memory_space<hbm>> -> memref<1x1x16x80xi32, #tpu.memory_space<hbm>>
          %dma_start3A_294 = tpu.memref_squeeze %dma_start3A_293 : memref<1x1x16x80xi32, #tpu.memory_space<hbm>> -> memref<16x80xi32, #tpu.memory_space<hbm>>
          %dma_start3A_295 = arith.constant 0 : i32
          %dma_start3A_296 = tpu.memref_slice %arg6[%mul3A_281, %dma_start3A_295] : memref<32x80xi32, #tpu.memory_space<vmem>> -> memref<16x80xi32, #tpu.memory_space<vmem>>
          %dma_start3A_297 = arith.constant 0 : i32
          %dma_start3A_298 = tpu.memref_slice %arg2[%run_scoped3A_287, %add3A, %mul3A_286, %dma_start3A_297] : memref<2x32x128x80xi32, #tpu.memory_space<hbm>> -> memref<1x1x16x80xi32, #tpu.memory_space<hbm>>
          %dma_start3A_299 = tpu.memref_squeeze %dma_start3A_298 : memref<1x1x16x80xi32, #tpu.memory_space<hbm>> -> memref<16x80xi32, #tpu.memory_space<hbm>>
          tpu.enqueue_dma source(%dma_start3A_299 : memref<16x80xi32, #tpu.memory_space<hbm>>) target(%dma_start3A_296 : memref<16x80xi32, #tpu.memory_space<vmem>>) target_semaphore(%run_scoped3A_289 : memref<!tpu.dma_semaphore, #tpu.memory_space<semaphore_mem>>)
          %dma_wait3A_300 = arith.constant 0 : i32
          %dma_wait3A_301 = tpu.memref_slice %arg6[%mul3A_281, %dma_wait3A_300] : memref<32x80xi32, #tpu.memory_space<vmem>> -> memref<16x80xi32, #tpu.memory_space<vmem>>
          %dma_wait3A_302 = arith.constant 0 : i32
          %dma_wait3A_303 = tpu.memref_slice %arg2[%run_scoped3A_287, %add3A, %mul3A_286, %dma_wait3A_302] : memref<2x32x128x80xi32, #tpu.memory_space<hbm>> -> memref<1x1x16x80xi32, #tpu.memory_space<hbm>>
          %dma_wait3A_304 = tpu.memref_squeeze %dma_wait3A_303 : memref<1x1x16x80xi32, #tpu.memory_space<hbm>> -> memref<16x80xi32, #tpu.memory_space<hbm>>
          %dma_wait3A_305 = arith.constant 0 : i32
          %dma_wait3A_306 = tpu.memref_slice %arg6[%mul3A_281, %dma_wait3A_305] : memref<32x80xi32, #tpu.memory_space<vmem>> -> memref<16x80xi32, #tpu.memory_space<vmem>>
          %dma_wait3A_307 = arith.constant 0 : i32
          %dma_wait3A_308 = tpu.memref_slice %arg2[%run_scoped3A_287, %add3A, %mul3A_286, %dma_wait3A_307] : memref<2x32x128x80xi32, #tpu.memory_space<hbm>> -> memref<1x1x16x80xi32, #tpu.memory_space<hbm>>
          %dma_wait3A_309 = tpu.memref_squeeze %dma_wait3A_308 : memref<1x1x16x80xi32, #tpu.memory_space<hbm>> -> memref<16x80xi32, #tpu.memory_space<hbm>>
          tpu.wait_dma2 semaphore(%run_scoped3A_289 : memref<!tpu.dma_semaphore, #tpu.memory_space<semaphore_mem>>) src(%dma_wait3A_309 : memref<16x80xi32, #tpu.memory_space<hbm>>) dst(%dma_wait3A_306 : memref<16x80xi32, #tpu.memory_space<vmem>>)
          tpu.yield
        }) : () -> ()
        %cond3A_288 = arith.constant 0 : i32
        scf.yield %cond3A_288 : i32
      } else {
        %cond3A_254 = arith.constant 0 : i32
        scf.yield %cond3A_254 : i32
      }
      %and3A_155 = arith.constant 31 : i32
      %and3A_156 = arith.andi %mul3A_141, %and3A_155 : i32
      %dma_start3A_157 = arith.constant 0 : i32
      %dma_start3A_158 = tpu.memref_slice %arg5[%and3A_156, %dma_start3A_157] : memref<32x80xi32, #tpu.memory_space<vmem>> -> memref<1x80xi32, #tpu.memory_space<vmem>>
      %dma_start3A_159 = tpu.memref_squeeze %dma_start3A_158 : memref<1x80xi32, #tpu.memory_space<vmem>> -> memref<80xi32, #tpu.memory_space<vmem>>
      %dma_start3A_160 = arith.constant 0 : i32
      %dma_start3A_161 = arith.constant 0 : i32
      %dma_start3A_162 = tpu.memref_slice %arg3[%dma_start3A_160, %dma_start3A_161] : memref<10240x128xf32, #tpu.memory_space<hbm>> -> memref<10240x128xf32, #tpu.memory_space<hbm>>
      tpu.enqueue_indirect_dma source(%dma_start3A_162 : memref<10240x128xf32, #tpu.memory_space<hbm>>) target(%arg7 : memref<80x128xf32, #tpu.memory_space<vmem>>) offsets(%dma_start3A_159 : memref<80xi32, #tpu.memory_space<vmem>>) semaphore(%arg12 : memref<!tpu.dma_semaphore, #tpu.memory_space<semaphore_mem>>)
      %gt3A_163 = arith.constant 0 : i32
      %gt3A_164 = arith.cmpi sgt, %while3A_138, %gt3A_163 : i32
      %convert_element_type3A_165 = arith.extui %gt3A_164 : i1 to i32
      %cond3A_166 = arith.constant 0 : i32
      %cond3A_167 = arith.cmpi ne, %convert_element_type3A_165, %cond3A_166 : i32
      %cond3A_168 = scf.if %cond3A_167 -> (i32) {
        %dma_wait3A_254 = arith.constant 0 : i32
        %dma_wait3A_255 = arith.constant 0 : i32
        %dma_wait3A_256 = tpu.memref_slice %arg3[%dma_wait3A_254, %dma_wait3A_255] : memref<10240x128xf32, #tpu.memory_space<hbm>> -> memref<80x128xf32, #tpu.memory_space<hbm>>
        %dma_wait3A_257 = arith.constant 0 : i32
        %dma_wait3A_258 = arith.constant 0 : i32
        %dma_wait3A_259 = tpu.memref_slice %arg3[%dma_wait3A_257, %dma_wait3A_258] : memref<10240x128xf32, #tpu.memory_space<hbm>> -> memref<80x128xf32, #tpu.memory_space<hbm>>
        tpu.wait_dma2 semaphore(%arg12 : memref<!tpu.dma_semaphore, #tpu.memory_space<semaphore_mem>>) src(%dma_wait3A_259 : memref<80x128xf32, #tpu.memory_space<hbm>>) dst(%arg7 : memref<80x128xf32, #tpu.memory_space<vmem>>)
        %sub3A_260 = arith.constant 2 : i32
        %sub3A_261 = arith.subi %mul3A_141, %sub3A_260 : i32
        %and3A_262 = arith.constant 31 : i32
        %and3A_263 = arith.andi %sub3A_261, %and3A_262 : i32
        %dma_start3A_264 = arith.constant 0 : i32
        %dma_start3A_265 = tpu.memref_slice %arg6[%and3A_263, %dma_start3A_264] : memref<32x80xi32, #tpu.memory_space<vmem>> -> memref<1x80xi32, #tpu.memory_space<vmem>>
        %dma_start3A_266 = tpu.memref_squeeze %dma_start3A_265 : memref<1x80xi32, #tpu.memory_space<vmem>> -> memref<80xi32, #tpu.memory_space<vmem>>
        %dma_start3A_267 = arith.constant 0 : i32
        %dma_start3A_268 = arith.constant 0 : i32
        %dma_start3A_269 = tpu.memref_slice %arg11[%dma_start3A_267, %dma_start3A_268] : memref<10240x128xf32, #tpu.memory_space<vmem_shared>> -> memref<10240x128xf32, #tpu.memory_space<vmem_shared>>
        tpu.enqueue_indirect_dma source(%arg9 : memref<80x128xf32, #tpu.memory_space<vmem>>) target(%dma_start3A_269 : memref<10240x128xf32, #tpu.memory_space<vmem_shared>>) offsets(%dma_start3A_266 : memref<80xi32, #tpu.memory_space<vmem>>) semaphore(%arg13 : memref<!tpu.dma_semaphore, #tpu.memory_space<semaphore_mem>>) {add = true}
        %cond3A_270 = arith.constant 0 : i32
        scf.yield %cond3A_270 : i32
      } else {
        %cond3A_254 = arith.constant 0 : i32
        scf.yield %cond3A_254 : i32
      }
      %gt3A_169 = arith.constant 0 : i32
      %gt3A_170 = arith.cmpi sgt, %while3A_138, %gt3A_169 : i32
      %convert_element_type3A_171 = arith.extui %gt3A_170 : i1 to i32
      %cond3A_172 = arith.constant 0 : i32
      %cond3A_173 = arith.cmpi ne, %convert_element_type3A_171, %cond3A_172 : i32
      %cond3A_174 = scf.if %cond3A_173 -> (i32) {
        %dma_wait3A_254 = arith.constant 0 : i32
        %dma_wait3A_255 = arith.constant 0 : i32
        %dma_wait3A_256 = tpu.memref_slice %arg3[%dma_wait3A_254, %dma_wait3A_255] : memref<10240x128xf32, #tpu.memory_space<hbm>> -> memref<80x128xf32, #tpu.memory_space<hbm>>
        %dma_wait3A_257 = arith.constant 0 : i32
        %dma_wait3A_258 = arith.constant 0 : i32
        %dma_wait3A_259 = tpu.memref_slice %arg3[%dma_wait3A_257, %dma_wait3A_258] : memref<10240x128xf32, #tpu.memory_space<hbm>> -> memref<80x128xf32, #tpu.memory_space<hbm>>
        tpu.wait_dma2 semaphore(%arg13 : memref<!tpu.dma_semaphore, #tpu.memory_space<semaphore_mem>>) src(%dma_wait3A_259 : memref<80x128xf32, #tpu.memory_space<hbm>>) dst(%arg7 : memref<80x128xf32, #tpu.memory_space<vmem>>)
        %cond3A_260 = arith.constant 0 : i32
        scf.yield %cond3A_260 : i32
      } else {
        %cond3A_254 = arith.constant 0 : i32
        scf.yield %cond3A_254 : i32
      }
      %add3A_175 = arith.constant 1 : i32
      %add3A_176 = arith.addi %mul3A_141, %add3A_175 : i32
      %and3A_177 = arith.constant 31 : i32
      %and3A_178 = arith.andi %add3A_176, %and3A_177 : i32
      %dma_start3A_179 = arith.constant 0 : i32
      %dma_start3A_180 = tpu.memref_slice %arg5[%and3A_178, %dma_start3A_179] : memref<32x80xi32, #tpu.memory_space<vmem>> -> memref<1x80xi32, #tpu.memory_space<vmem>>
      %dma_start3A_181 = tpu.memref_squeeze %dma_start3A_180 : memref<1x80xi32, #tpu.memory_space<vmem>> -> memref<80xi32, #tpu.memory_space<vmem>>
      %dma_start3A_182 = arith.constant 0 : i32
      %dma_start3A_183 = arith.constant 0 : i32
      %dma_start3A_184 = tpu.memref_slice %arg3[%dma_start3A_182, %dma_start3A_183] : memref<10240x128xf32, #tpu.memory_space<hbm>> -> memref<10240x128xf32, #tpu.memory_space<hbm>>
      tpu.enqueue_indirect_dma source(%dma_start3A_184 : memref<10240x128xf32, #tpu.memory_space<hbm>>) target(%arg8 : memref<80x128xf32, #tpu.memory_space<vmem>>) offsets(%dma_start3A_181 : memref<80xi32, #tpu.memory_space<vmem>>) semaphore(%arg12 : memref<!tpu.dma_semaphore, #tpu.memory_space<semaphore_mem>>)
      %gt3A_185 = arith.constant 0 : i32
      %gt3A_186 = arith.cmpi sgt, %while3A_138, %gt3A_185 : i32
      %convert_element_type3A_187 = arith.extui %gt3A_186 : i1 to i32
      %cond3A_188 = arith.constant 0 : i32
      %cond3A_189 = arith.cmpi ne, %convert_element_type3A_187, %cond3A_188 : i32
      %cond3A_190 = scf.if %cond3A_189 -> (i32) {
        %dma_wait3A_254 = arith.constant 0 : i32
        %dma_wait3A_255 = arith.constant 0 : i32
        %dma_wait3A_256 = tpu.memref_slice %arg3[%dma_wait3A_254, %dma_wait3A_255] : memref<10240x128xf32, #tpu.memory_space<hbm>> -> memref<80x128xf32, #tpu.memory_space<hbm>>
        %dma_wait3A_257 = arith.constant 0 : i32
        %dma_wait3A_258 = arith.constant 0 : i32
        %dma_wait3A_259 = tpu.memref_slice %arg3[%dma_wait3A_257, %dma_wait3A_258] : memref<10240x128xf32, #tpu.memory_space<hbm>> -> memref<80x128xf32, #tpu.memory_space<hbm>>
        tpu.wait_dma2 semaphore(%arg12 : memref<!tpu.dma_semaphore, #tpu.memory_space<semaphore_mem>>) src(%dma_wait3A_259 : memref<80x128xf32, #tpu.memory_space<hbm>>) dst(%arg7 : memref<80x128xf32, #tpu.memory_space<vmem>>)
        %sub3A_260 = arith.constant 1 : i32
        %sub3A_261 = arith.subi %mul3A_141, %sub3A_260 : i32
        %and3A_262 = arith.constant 31 : i32
        %and3A_263 = arith.andi %sub3A_261, %and3A_262 : i32
        %dma_start3A_264 = arith.constant 0 : i32
        %dma_start3A_265 = tpu.memref_slice %arg6[%and3A_263, %dma_start3A_264] : memref<32x80xi32, #tpu.memory_space<vmem>> -> memref<1x80xi32, #tpu.memory_space<vmem>>
        %dma_start3A_266 = tpu.memref_squeeze %dma_start3A_265 : memref<1x80xi32, #tpu.memory_space<vmem>> -> memref<80xi32, #tpu.memory_space<vmem>>
        %dma_start3A_267 = arith.constant 0 : i32
        %dma_start3A_268 = arith.constant 0 : i32
        %dma_start3A_269 = tpu.memref_slice %arg11[%dma_start3A_267, %dma_start3A_268] : memref<10240x128xf32, #tpu.memory_space<vmem_shared>> -> memref<10240x128xf32, #tpu.memory_space<vmem_shared>>
        tpu.enqueue_indirect_dma source(%arg10 : memref<80x128xf32, #tpu.memory_space<vmem>>) target(%dma_start3A_269 : memref<10240x128xf32, #tpu.memory_space<vmem_shared>>) offsets(%dma_start3A_266 : memref<80xi32, #tpu.memory_space<vmem>>) semaphore(%arg13 : memref<!tpu.dma_semaphore, #tpu.memory_space<semaphore_mem>>) {add = true}
        %cond3A_270 = arith.constant 0 : i32
        scf.yield %cond3A_270 : i32
      } else {
        %cond3A_254 = arith.constant 0 : i32
        scf.yield %cond3A_254 : i32
      }
      %gt3A_191 = arith.constant 0 : i32
      %gt3A_192 = arith.cmpi sgt, %while3A_138, %gt3A_191 : i32
      %convert_element_type3A_193 = arith.extui %gt3A_192 : i1 to i32
      %cond3A_194 = arith.constant 0 : i32
      %cond3A_195 = arith.cmpi ne, %convert_element_type3A_193, %cond3A_194 : i32
      %cond3A_196 = scf.if %cond3A_195 -> (i32) {
        %dma_wait3A_254 = arith.constant 0 : i32
        %dma_wait3A_255 = arith.constant 0 : i32
        %dma_wait3A_256 = tpu.memref_slice %arg3[%dma_wait3A_254, %dma_wait3A_255] : memref<10240x128xf32, #tpu.memory_space<hbm>> -> memref<80x128xf32, #tpu.memory_space<hbm>>
        %dma_wait3A_257 = arith.constant 0 : i32
        %dma_wait3A_258 = arith.constant 0 : i32
        %dma_wait3A_259 = tpu.memref_slice %arg3[%dma_wait3A_257, %dma_wait3A_258] : memref<10240x128xf32, #tpu.memory_space<hbm>> -> memref<80x128xf32, #tpu.memory_space<hbm>>
        tpu.wait_dma2 semaphore(%arg13 : memref<!tpu.dma_semaphore, #tpu.memory_space<semaphore_mem>>) src(%dma_wait3A_259 : memref<80x128xf32, #tpu.memory_space<hbm>>) dst(%arg7 : memref<80x128xf32, #tpu.memory_space<vmem>>)
        %cond3A_260 = arith.constant 0 : i32
        scf.yield %cond3A_260 : i32
      } else {
        %cond3A_254 = arith.constant 0 : i32
        scf.yield %cond3A_254 : i32
      }
      %add3A_197 = arith.constant 2 : i32
      %add3A_198 = arith.addi %mul3A_141, %add3A_197 : i32
      %and3A_199 = arith.constant 31 : i32
      %and3A_200 = arith.andi %add3A_198, %and3A_199 : i32
      %dma_start3A_201 = arith.constant 0 : i32
      %dma_start3A_202 = tpu.memref_slice %arg5[%and3A_200, %dma_start3A_201] : memref<32x80xi32, #tpu.memory_space<vmem>> -> memref<1x80xi32, #tpu.memory_space<vmem>>
      %dma_start3A_203 = tpu.memref_squeeze %dma_start3A_202 : memref<1x80xi32, #tpu.memory_space<vmem>> -> memref<80xi32, #tpu.memory_space<vmem>>
      %dma_start3A_204 = arith.constant 0 : i32
      %dma_start3A_205 = arith.constant 0 : i32
      %dma_start3A_206 = tpu.memref_slice %arg3[%dma_start3A_204, %dma_start3A_205] : memref<10240x128xf32, #tpu.memory_space<hbm>> -> memref<10240x128xf32, #tpu.memory_space<hbm>>
      tpu.enqueue_indirect_dma source(%dma_start3A_206 : memref<10240x128xf32, #tpu.memory_space<hbm>>) target(%arg9 : memref<80x128xf32, #tpu.memory_space<vmem>>) offsets(%dma_start3A_203 : memref<80xi32, #tpu.memory_space<vmem>>) semaphore(%arg12 : memref<!tpu.dma_semaphore, #tpu.memory_space<semaphore_mem>>)
      %dma_wait3A_207 = arith.constant 0 : i32
      %dma_wait3A_208 = arith.constant 0 : i32
      %dma_wait3A_209 = tpu.memref_slice %arg3[%dma_wait3A_207, %dma_wait3A_208] : memref<10240x128xf32, #tpu.memory_space<hbm>> -> memref<80x128xf32, #tpu.memory_space<hbm>>
      %dma_wait3A_210 = arith.constant 0 : i32
      %dma_wait3A_211 = arith.constant 0 : i32
      %dma_wait3A_212 = tpu.memref_slice %arg3[%dma_wait3A_210, %dma_wait3A_211] : memref<10240x128xf32, #tpu.memory_space<hbm>> -> memref<80x128xf32, #tpu.memory_space<hbm>>
      tpu.wait_dma2 semaphore(%arg12 : memref<!tpu.dma_semaphore, #tpu.memory_space<semaphore_mem>>) src(%dma_wait3A_212 : memref<80x128xf32, #tpu.memory_space<hbm>>) dst(%arg7 : memref<80x128xf32, #tpu.memory_space<vmem>>)
      %and3A_213 = arith.constant 31 : i32
      %and3A_214 = arith.andi %mul3A_141, %and3A_213 : i32
      %dma_start3A_215 = arith.constant 0 : i32
      %dma_start3A_216 = tpu.memref_slice %arg6[%and3A_214, %dma_start3A_215] : memref<32x80xi32, #tpu.memory_space<vmem>> -> memref<1x80xi32, #tpu.memory_space<vmem>>
      %dma_start3A_217 = tpu.memref_squeeze %dma_start3A_216 : memref<1x80xi32, #tpu.memory_space<vmem>> -> memref<80xi32, #tpu.memory_space<vmem>>
      %dma_start3A_218 = arith.constant 0 : i32
      %dma_start3A_219 = arith.constant 0 : i32
      %dma_start3A_220 = tpu.memref_slice %arg11[%dma_start3A_218, %dma_start3A_219] : memref<10240x128xf32, #tpu.memory_space<vmem_shared>> -> memref<10240x128xf32, #tpu.memory_space<vmem_shared>>
      tpu.enqueue_indirect_dma source(%arg7 : memref<80x128xf32, #tpu.memory_space<vmem>>) target(%dma_start3A_220 : memref<10240x128xf32, #tpu.memory_space<vmem_shared>>) offsets(%dma_start3A_217 : memref<80xi32, #tpu.memory_space<vmem>>) semaphore(%arg13 : memref<!tpu.dma_semaphore, #tpu.memory_space<semaphore_mem>>) {add = true}
      %gt3A_221 = arith.constant 0 : i32
      %gt3A_222 = arith.cmpi sgt, %while3A_138, %gt3A_221 : i32
      %convert_element_type3A_223 = arith.extui %gt3A_222 : i1 to i32
      %cond3A_224 = arith.constant 0 : i32
      %cond3A_225 = arith.cmpi ne, %convert_element_type3A_223, %cond3A_224 : i32
      %cond3A_226 = scf.if %cond3A_225 -> (i32) {
        %dma_wait3A_254 = arith.constant 0 : i32
        %dma_wait3A_255 = arith.constant 0 : i32
        %dma_wait3A_256 = tpu.memref_slice %arg3[%dma_wait3A_254, %dma_wait3A_255] : memref<10240x128xf32, #tpu.memory_space<hbm>> -> memref<80x128xf32, #tpu.memory_space<hbm>>
        %dma_wait3A_257 = arith.constant 0 : i32
        %dma_wait3A_258 = arith.constant 0 : i32
        %dma_wait3A_259 = tpu.memref_slice %arg3[%dma_wait3A_257, %dma_wait3A_258] : memref<10240x128xf32, #tpu.memory_space<hbm>> -> memref<80x128xf32, #tpu.memory_space<hbm>>
        tpu.wait_dma2 semaphore(%arg13 : memref<!tpu.dma_semaphore, #tpu.memory_space<semaphore_mem>>) src(%dma_wait3A_259 : memref<80x128xf32, #tpu.memory_space<hbm>>) dst(%arg7 : memref<80x128xf32, #tpu.memory_space<vmem>>)
        %cond3A_260 = arith.constant 0 : i32
        scf.yield %cond3A_260 : i32
      } else {
        %cond3A_254 = arith.constant 0 : i32
        scf.yield %cond3A_254 : i32
      }
      %add3A_227 = arith.constant 3 : i32
      %add3A_228 = arith.addi %mul3A_141, %add3A_227 : i32
      %and3A_229 = arith.constant 31 : i32
      %and3A_230 = arith.andi %add3A_228, %and3A_229 : i32
      %dma_start3A_231 = arith.constant 0 : i32
      %dma_start3A_232 = tpu.memref_slice %arg5[%and3A_230, %dma_start3A_231] : memref<32x80xi32, #tpu.memory_space<vmem>> -> memref<1x80xi32, #tpu.memory_space<vmem>>
      %dma_start3A_233 = tpu.memref_squeeze %dma_start3A_232 : memref<1x80xi32, #tpu.memory_space<vmem>> -> memref<80xi32, #tpu.memory_space<vmem>>
      %dma_start3A_234 = arith.constant 0 : i32
      %dma_start3A_235 = arith.constant 0 : i32
      %dma_start3A_236 = tpu.memref_slice %arg3[%dma_start3A_234, %dma_start3A_235] : memref<10240x128xf32, #tpu.memory_space<hbm>> -> memref<10240x128xf32, #tpu.memory_space<hbm>>
      tpu.enqueue_indirect_dma source(%dma_start3A_236 : memref<10240x128xf32, #tpu.memory_space<hbm>>) target(%arg10 : memref<80x128xf32, #tpu.memory_space<vmem>>) offsets(%dma_start3A_233 : memref<80xi32, #tpu.memory_space<vmem>>) semaphore(%arg12 : memref<!tpu.dma_semaphore, #tpu.memory_space<semaphore_mem>>)
      %dma_wait3A_237 = arith.constant 0 : i32
      %dma_wait3A_238 = arith.constant 0 : i32
      %dma_wait3A_239 = tpu.memref_slice %arg3[%dma_wait3A_237, %dma_wait3A_238] : memref<10240x128xf32, #tpu.memory_space<hbm>> -> memref<80x128xf32, #tpu.memory_space<hbm>>
      %dma_wait3A_240 = arith.constant 0 : i32
      %dma_wait3A_241 = arith.constant 0 : i32
      %dma_wait3A_242 = tpu.memref_slice %arg3[%dma_wait3A_240, %dma_wait3A_241] : memref<10240x128xf32, #tpu.memory_space<hbm>> -> memref<80x128xf32, #tpu.memory_space<hbm>>
      tpu.wait_dma2 semaphore(%arg12 : memref<!tpu.dma_semaphore, #tpu.memory_space<semaphore_mem>>) src(%dma_wait3A_242 : memref<80x128xf32, #tpu.memory_space<hbm>>) dst(%arg7 : memref<80x128xf32, #tpu.memory_space<vmem>>)
      %add3A_243 = arith.constant 1 : i32
      %add3A_244 = arith.addi %mul3A_141, %add3A_243 : i32
      %and3A_245 = arith.constant 31 : i32
      %and3A_246 = arith.andi %add3A_244, %and3A_245 : i32
      %dma_start3A_247 = arith.constant 0 : i32
      %dma_start3A_248 = tpu.memref_slice %arg6[%and3A_246, %dma_start3A_247] : memref<32x80xi32, #tpu.memory_space<vmem>> -> memref<1x80xi32, #tpu.memory_space<vmem>>
      %dma_start3A_249 = tpu.memref_squeeze %dma_start3A_248 : memref<1x80xi32, #tpu.memory_space<vmem>> -> memref<80xi32, #tpu.memory_space<vmem>>
      %dma_start3A_250 = arith.constant 0 : i32
      %dma_start3A_251 = arith.constant 0 : i32
      %dma_start3A_252 = tpu.memref_slice %arg11[%dma_start3A_250, %dma_start3A_251] : memref<10240x128xf32, #tpu.memory_space<vmem_shared>> -> memref<10240x128xf32, #tpu.memory_space<vmem_shared>>
      tpu.enqueue_indirect_dma source(%arg8 : memref<80x128xf32, #tpu.memory_space<vmem>>) target(%dma_start3A_252 : memref<10240x128xf32, #tpu.memory_space<vmem_shared>>) offsets(%dma_start3A_249 : memref<80xi32, #tpu.memory_space<vmem>>) semaphore(%arg13 : memref<!tpu.dma_semaphore, #tpu.memory_space<semaphore_mem>>) {add = true}
      %while3A_253 = arith.constant 0 : i32
      scf.yield %while3A_253 : i32
    }
    %while3A_77 = arith.constant 1 : i32
    %while3A_78 = scf.for %while3A_138 = %while3A_74 to %while3A_70 step %while3A_77 iter_args(%while3A_139 = %while3A_76) -> (i32)  : i32 {
      %mul3A_140 = arith.constant 4 : i32
      %mul3A_141 = arith.muli %mul3A_140, %while3A_138 : i32
      %gt3A = arith.constant 0 : i32
      %gt3A_142 = arith.cmpi sgt, %while3A_138, %gt3A : i32
      %convert_element_type3A = arith.extui %gt3A_142 : i1 to i32
      %cond3A = arith.constant 0 : i32
      %cond3A_143 = arith.cmpi ne, %convert_element_type3A, %cond3A : i32
      %cond3A_144 = scf.if %cond3A_143 -> (i32) {
        %dma_wait3A_254 = arith.constant 0 : i32
        %dma_wait3A_255 = arith.constant 0 : i32
        %dma_wait3A_256 = tpu.memref_slice %arg3[%dma_wait3A_254, %dma_wait3A_255] : memref<10240x128xf32, #tpu.memory_space<hbm>> -> memref<80x128xf32, #tpu.memory_space<hbm>>
        %dma_wait3A_257 = arith.constant 0 : i32
        %dma_wait3A_258 = arith.constant 0 : i32
        %dma_wait3A_259 = tpu.memref_slice %arg3[%dma_wait3A_257, %dma_wait3A_258] : memref<10240x128xf32, #tpu.memory_space<hbm>> -> memref<80x128xf32, #tpu.memory_space<hbm>>
        tpu.wait_dma2 semaphore(%arg13 : memref<!tpu.dma_semaphore, #tpu.memory_space<semaphore_mem>>) src(%dma_wait3A_259 : memref<80x128xf32, #tpu.memory_space<hbm>>) dst(%arg7 : memref<80x128xf32, #tpu.memory_space<vmem>>)
        %cond3A_260 = arith.constant 0 : i32
        scf.yield %cond3A_260 : i32
      } else {
        %cond3A_254 = arith.constant 0 : i32
        scf.yield %cond3A_254 : i32
      }
      %and3A_145 = arith.constant 15 : i32
      %and3A_146 = arith.andi %mul3A_141, %and3A_145 : i32
      %eq3A = arith.constant 0 : i32
      %eq3A_147 = arith.cmpi eq, %and3A_146, %eq3A : i32
      %gt3A_148 = arith.constant 0 : i32
      %gt3A_149 = arith.cmpi sgt, %mul3A_141, %gt3A_148 : i32
      %and3A_150 = arith.andi %eq3A_147, %gt3A_149 : i1
      %convert_element_type3A_151 = arith.extui %and3A_150 : i1 to i32
      %cond3A_152 = arith.constant 0 : i32
      %cond3A_153 = arith.cmpi ne, %convert_element_type3A_151, %cond3A_152 : i32
      %cond3A_154 = scf.if %cond3A_153 -> (i32) {
        %jit3A_254 = arith.constant 16 : i32
        %div3A_255 = arith.divsi %mul3A_141, %jit3A_254 : i32
        %sign3A_256 = arith.constant 0 : i32
        %sign3A_257 = arith.cmpi sgt, %mul3A_141, %sign3A_256 : i32
        %sign3A_258 = arith.extui %sign3A_257 : i1 to i32
        %sign3A_259 = arith.constant 0 : i32
        %sign3A_260 = arith.cmpi slt, %mul3A_141, %sign3A_259 : i32
        %sign3A_261 = arith.extui %sign3A_260 : i1 to i32
        %sign3A_262 = arith.subi %sign3A_258, %sign3A_261 : i32
        %sign3A_263 = arith.constant 0 : i32
        %sign3A_264 = arith.cmpi sgt, %jit3A_254, %sign3A_263 : i32
        %sign3A_265 = arith.extui %sign3A_264 : i1 to i32
        %sign3A_266 = arith.constant 0 : i32
        %sign3A_267 = arith.cmpi slt, %jit3A_254, %sign3A_266 : i32
        %sign3A_268 = arith.extui %sign3A_267 : i1 to i32
        %sign3A_269 = arith.subi %sign3A_265, %sign3A_268 : i32
        %ne3A_270 = arith.cmpi ne, %sign3A_262, %sign3A_269 : i32
        %rem3A_271 = arith.remsi %mul3A_141, %jit3A_254 : i32
        %ne3A_272 = arith.constant 0 : i32
        %ne3A_273 = arith.cmpi ne, %rem3A_271, %ne3A_272 : i32
        %and3A_274 = arith.andi %ne3A_270, %ne3A_273 : i1
        %sub3A_275 = arith.constant 1 : i32
        %sub3A_276 = arith.subi %div3A_255, %sub3A_275 : i32
        %select_n3A_277 = arith.select %and3A_274, %sub3A_276, %div3A_255 : i32
        %and3A_278 = arith.constant 1 : i32
        %and3A_279 = arith.andi %select_n3A_277, %and3A_278 : i32
        %mul3A_280 = arith.constant 16 : i32
        %mul3A_281 = arith.muli %and3A_279, %mul3A_280 : i32
        %mul3A_282 = arith.constant 16 : i32
        %mul3A_283 = arith.muli %select_n3A_277, %mul3A_282 : i32
        %run_scoped3A_284 = arith.constant 0 : i32
        "tpu.region"() ({
          %run_scoped3A_289 = tpu.sem_alloc : memref<!tpu.dma_semaphore, #tpu.memory_space<semaphore_mem>>
          %dma_start3A_290 = arith.constant 0 : i32
          %dma_start3A_291 = tpu.memref_slice %arg5[%mul3A_281, %dma_start3A_290] : memref<32x80xi32, #tpu.memory_space<vmem>> -> memref<16x80xi32, #tpu.memory_space<vmem>>
          %dma_start3A_292 = arith.constant 0 : i32
          %dma_start3A_293 = tpu.memref_slice %arg2[%run_scoped3A_284, %add3A, %mul3A_283, %dma_start3A_292] : memref<2x32x128x80xi32, #tpu.memory_space<hbm>> -> memref<1x1x16x80xi32, #tpu.memory_space<hbm>>
          %dma_start3A_294 = tpu.memref_squeeze %dma_start3A_293 : memref<1x1x16x80xi32, #tpu.memory_space<hbm>> -> memref<16x80xi32, #tpu.memory_space<hbm>>
          %dma_start3A_295 = arith.constant 0 : i32
          %dma_start3A_296 = tpu.memref_slice %arg5[%mul3A_281, %dma_start3A_295] : memref<32x80xi32, #tpu.memory_space<vmem>> -> memref<16x80xi32, #tpu.memory_space<vmem>>
          %dma_start3A_297 = arith.constant 0 : i32
          %dma_start3A_298 = tpu.memref_slice %arg2[%run_scoped3A_284, %add3A, %mul3A_283, %dma_start3A_297] : memref<2x32x128x80xi32, #tpu.memory_space<hbm>> -> memref<1x1x16x80xi32, #tpu.memory_space<hbm>>
          %dma_start3A_299 = tpu.memref_squeeze %dma_start3A_298 : memref<1x1x16x80xi32, #tpu.memory_space<hbm>> -> memref<16x80xi32, #tpu.memory_space<hbm>>
          tpu.enqueue_dma source(%dma_start3A_299 : memref<16x80xi32, #tpu.memory_space<hbm>>) target(%dma_start3A_296 : memref<16x80xi32, #tpu.memory_space<vmem>>) target_semaphore(%run_scoped3A_289 : memref<!tpu.dma_semaphore, #tpu.memory_space<semaphore_mem>>)
          %dma_wait3A_300 = arith.constant 0 : i32
          %dma_wait3A_301 = tpu.memref_slice %arg5[%mul3A_281, %dma_wait3A_300] : memref<32x80xi32, #tpu.memory_space<vmem>> -> memref<16x80xi32, #tpu.memory_space<vmem>>
          %dma_wait3A_302 = arith.constant 0 : i32
          %dma_wait3A_303 = tpu.memref_slice %arg2[%run_scoped3A_284, %add3A, %mul3A_283, %dma_wait3A_302] : memref<2x32x128x80xi32, #tpu.memory_space<hbm>> -> memref<1x1x16x80xi32, #tpu.memory_space<hbm>>
          %dma_wait3A_304 = tpu.memref_squeeze %dma_wait3A_303 : memref<1x1x16x80xi32, #tpu.memory_space<hbm>> -> memref<16x80xi32, #tpu.memory_space<hbm>>
          %dma_wait3A_305 = arith.constant 0 : i32
          %dma_wait3A_306 = tpu.memref_slice %arg5[%mul3A_281, %dma_wait3A_305] : memref<32x80xi32, #tpu.memory_space<vmem>> -> memref<16x80xi32, #tpu.memory_space<vmem>>
          %dma_wait3A_307 = arith.constant 0 : i32
          %dma_wait3A_308 = tpu.memref_slice %arg2[%run_scoped3A_284, %add3A, %mul3A_283, %dma_wait3A_307] : memref<2x32x128x80xi32, #tpu.memory_space<hbm>> -> memref<1x1x16x80xi32, #tpu.memory_space<hbm>>
          %dma_wait3A_309 = tpu.memref_squeeze %dma_wait3A_308 : memref<1x1x16x80xi32, #tpu.memory_space<hbm>> -> memref<16x80xi32, #tpu.memory_space<hbm>>
          tpu.wait_dma2 semaphore(%run_scoped3A_289 : memref<!tpu.dma_semaphore, #tpu.memory_space<semaphore_mem>>) src(%dma_wait3A_309 : memref<16x80xi32, #tpu.memory_space<hbm>>) dst(%dma_wait3A_306 : memref<16x80xi32, #tpu.memory_space<vmem>>)
          tpu.yield
        }) : () -> ()
        %mul3A_285 = arith.constant 16 : i32
        %mul3A_286 = arith.muli %select_n3A_277, %mul3A_285 : i32
        %run_scoped3A_287 = arith.constant 1 : i32
        "tpu.region"() ({
          %run_scoped3A_289 = tpu.sem_alloc : memref<!tpu.dma_semaphore, #tpu.memory_space<semaphore_mem>>
          %dma_start3A_290 = arith.constant 0 : i32
          %dma_start3A_291 = tpu.memref_slice %arg6[%mul3A_281, %dma_start3A_290] : memref<32x80xi32, #tpu.memory_space<vmem>> -> memref<16x80xi32, #tpu.memory_space<vmem>>
          %dma_start3A_292 = arith.constant 0 : i32
          %dma_start3A_293 = tpu.memref_slice %arg2[%run_scoped3A_287, %add3A, %mul3A_286, %dma_start3A_292] : memref<2x32x128x80xi32, #tpu.memory_space<hbm>> -> memref<1x1x16x80xi32, #tpu.memory_space<hbm>>
          %dma_start3A_294 = tpu.memref_squeeze %dma_start3A_293 : memref<1x1x16x80xi32, #tpu.memory_space<hbm>> -> memref<16x80xi32, #tpu.memory_space<hbm>>
          %dma_start3A_295 = arith.constant 0 : i32
          %dma_start3A_296 = tpu.memref_slice %arg6[%mul3A_281, %dma_start3A_295] : memref<32x80xi32, #tpu.memory_space<vmem>> -> memref<16x80xi32, #tpu.memory_space<vmem>>
          %dma_start3A_297 = arith.constant 0 : i32
          %dma_start3A_298 = tpu.memref_slice %arg2[%run_scoped3A_287, %add3A, %mul3A_286, %dma_start3A_297] : memref<2x32x128x80xi32, #tpu.memory_space<hbm>> -> memref<1x1x16x80xi32, #tpu.memory_space<hbm>>
          %dma_start3A_299 = tpu.memref_squeeze %dma_start3A_298 : memref<1x1x16x80xi32, #tpu.memory_space<hbm>> -> memref<16x80xi32, #tpu.memory_space<hbm>>
          tpu.enqueue_dma source(%dma_start3A_299 : memref<16x80xi32, #tpu.memory_space<hbm>>) target(%dma_start3A_296 : memref<16x80xi32, #tpu.memory_space<vmem>>) target_semaphore(%run_scoped3A_289 : memref<!tpu.dma_semaphore, #tpu.memory_space<semaphore_mem>>)
          %dma_wait3A_300 = arith.constant 0 : i32
          %dma_wait3A_301 = tpu.memref_slice %arg6[%mul3A_281, %dma_wait3A_300] : memref<32x80xi32, #tpu.memory_space<vmem>> -> memref<16x80xi32, #tpu.memory_space<vmem>>
          %dma_wait3A_302 = arith.constant 0 : i32
          %dma_wait3A_303 = tpu.memref_slice %arg2[%run_scoped3A_287, %add3A, %mul3A_286, %dma_wait3A_302] : memref<2x32x128x80xi32, #tpu.memory_space<hbm>> -> memref<1x1x16x80xi32, #tpu.memory_space<hbm>>
          %dma_wait3A_304 = tpu.memref_squeeze %dma_wait3A_303 : memref<1x1x16x80xi32, #tpu.memory_space<hbm>> -> memref<16x80xi32, #tpu.memory_space<hbm>>
          %dma_wait3A_305 = arith.constant 0 : i32
          %dma_wait3A_306 = tpu.memref_slice %arg6[%mul3A_281, %dma_wait3A_305] : memref<32x80xi32, #tpu.memory_space<vmem>> -> memref<16x80xi32, #tpu.memory_space<vmem>>
          %dma_wait3A_307 = arith.constant 0 : i32
          %dma_wait3A_308 = tpu.memref_slice %arg2[%run_scoped3A_287, %add3A, %mul3A_286, %dma_wait3A_307] : memref<2x32x128x80xi32, #tpu.memory_space<hbm>> -> memref<1x1x16x80xi32, #tpu.memory_space<hbm>>
          %dma_wait3A_309 = tpu.memref_squeeze %dma_wait3A_308 : memref<1x1x16x80xi32, #tpu.memory_space<hbm>> -> memref<16x80xi32, #tpu.memory_space<hbm>>
          tpu.wait_dma2 semaphore(%run_scoped3A_289 : memref<!tpu.dma_semaphore, #tpu.memory_space<semaphore_mem>>) src(%dma_wait3A_309 : memref<16x80xi32, #tpu.memory_space<hbm>>) dst(%dma_wait3A_306 : memref<16x80xi32, #tpu.memory_space<vmem>>)
          tpu.yield
        }) : () -> ()
        %cond3A_288 = arith.constant 0 : i32
        scf.yield %cond3A_288 : i32
      } else {
        %cond3A_254 = arith.constant 0 : i32
        scf.yield %cond3A_254 : i32
      }
      %and3A_155 = arith.constant 31 : i32
      %and3A_156 = arith.andi %mul3A_141, %and3A_155 : i32
      %dma_start3A_157 = arith.constant 0 : i32
      %dma_start3A_158 = tpu.memref_slice %arg5[%and3A_156, %dma_start3A_157] : memref<32x80xi32, #tpu.memory_space<vmem>> -> memref<1x80xi32, #tpu.memory_space<vmem>>
      %dma_start3A_159 = tpu.memref_squeeze %dma_start3A_158 : memref<1x80xi32, #tpu.memory_space<vmem>> -> memref<80xi32, #tpu.memory_space<vmem>>
      %dma_start3A_160 = arith.constant 0 : i32
      %dma_start3A_161 = arith.constant 0 : i32
      %dma_start3A_162 = tpu.memref_slice %arg3[%dma_start3A_160, %dma_start3A_161] : memref<10240x128xf32, #tpu.memory_space<hbm>> -> memref<10240x128xf32, #tpu.memory_space<hbm>>
      tpu.enqueue_indirect_dma source(%dma_start3A_162 : memref<10240x128xf32, #tpu.memory_space<hbm>>) target(%arg7 : memref<80x128xf32, #tpu.memory_space<vmem>>) offsets(%dma_start3A_159 : memref<80xi32, #tpu.memory_space<vmem>>) semaphore(%arg12 : memref<!tpu.dma_semaphore, #tpu.memory_space<semaphore_mem>>)
      %gt3A_163 = arith.constant 0 : i32
      %gt3A_164 = arith.cmpi sgt, %while3A_138, %gt3A_163 : i32
      %convert_element_type3A_165 = arith.extui %gt3A_164 : i1 to i32
      %cond3A_166 = arith.constant 0 : i32
      %cond3A_167 = arith.cmpi ne, %convert_element_type3A_165, %cond3A_166 : i32
      %cond3A_168 = scf.if %cond3A_167 -> (i32) {
        %dma_wait3A_254 = arith.constant 0 : i32
        %dma_wait3A_255 = arith.constant 0 : i32
        %dma_wait3A_256 = tpu.memref_slice %arg3[%dma_wait3A_254, %dma_wait3A_255] : memref<10240x128xf32, #tpu.memory_space<hbm>> -> memref<80x128xf32, #tpu.memory_space<hbm>>
        %dma_wait3A_257 = arith.constant 0 : i32
        %dma_wait3A_258 = arith.constant 0 : i32
        %dma_wait3A_259 = tpu.memref_slice %arg3[%dma_wait3A_257, %dma_wait3A_258] : memref<10240x128xf32, #tpu.memory_space<hbm>> -> memref<80x128xf32, #tpu.memory_space<hbm>>
        tpu.wait_dma2 semaphore(%arg12 : memref<!tpu.dma_semaphore, #tpu.memory_space<semaphore_mem>>) src(%dma_wait3A_259 : memref<80x128xf32, #tpu.memory_space<hbm>>) dst(%arg7 : memref<80x128xf32, #tpu.memory_space<vmem>>)
        %sub3A_260 = arith.constant 2 : i32
        %sub3A_261 = arith.subi %mul3A_141, %sub3A_260 : i32
        %and3A_262 = arith.constant 31 : i32
        %and3A_263 = arith.andi %sub3A_261, %and3A_262 : i32
        %dma_start3A_264 = arith.constant 0 : i32
        %dma_start3A_265 = tpu.memref_slice %arg6[%and3A_263, %dma_start3A_264] : memref<32x80xi32, #tpu.memory_space<vmem>> -> memref<1x80xi32, #tpu.memory_space<vmem>>
        %dma_start3A_266 = tpu.memref_squeeze %dma_start3A_265 : memref<1x80xi32, #tpu.memory_space<vmem>> -> memref<80xi32, #tpu.memory_space<vmem>>
        %dma_start3A_267 = arith.constant 0 : i32
        %dma_start3A_268 = arith.constant 0 : i32
        %dma_start3A_269 = tpu.memref_slice %arg11[%dma_start3A_267, %dma_start3A_268] : memref<10240x128xf32, #tpu.memory_space<vmem_shared>> -> memref<10240x128xf32, #tpu.memory_space<vmem_shared>>
        tpu.enqueue_indirect_dma source(%arg9 : memref<80x128xf32, #tpu.memory_space<vmem>>) target(%dma_start3A_269 : memref<10240x128xf32, #tpu.memory_space<vmem_shared>>) offsets(%dma_start3A_266 : memref<80xi32, #tpu.memory_space<vmem>>) semaphore(%arg13 : memref<!tpu.dma_semaphore, #tpu.memory_space<semaphore_mem>>) {add = true}
        %cond3A_270 = arith.constant 0 : i32
        scf.yield %cond3A_270 : i32
      } else {
        %cond3A_254 = arith.constant 0 : i32
        scf.yield %cond3A_254 : i32
      }
      %gt3A_169 = arith.constant 0 : i32
      %gt3A_170 = arith.cmpi sgt, %while3A_138, %gt3A_169 : i32
      %convert_element_type3A_171 = arith.extui %gt3A_170 : i1 to i32
      %cond3A_172 = arith.constant 0 : i32
      %cond3A_173 = arith.cmpi ne, %convert_element_type3A_171, %cond3A_172 : i32
      %cond3A_174 = scf.if %cond3A_173 -> (i32) {
        %dma_wait3A_254 = arith.constant 0 : i32
        %dma_wait3A_255 = arith.constant 0 : i32
        %dma_wait3A_256 = tpu.memref_slice %arg3[%dma_wait3A_254, %dma_wait3A_255] : memref<10240x128xf32, #tpu.memory_space<hbm>> -> memref<80x128xf32, #tpu.memory_space<hbm>>
        %dma_wait3A_257 = arith.constant 0 : i32
        %dma_wait3A_258 = arith.constant 0 : i32
        %dma_wait3A_259 = tpu.memref_slice %arg3[%dma_wait3A_257, %dma_wait3A_258] : memref<10240x128xf32, #tpu.memory_space<hbm>> -> memref<80x128xf32, #tpu.memory_space<hbm>>
        tpu.wait_dma2 semaphore(%arg13 : memref<!tpu.dma_semaphore, #tpu.memory_space<semaphore_mem>>) src(%dma_wait3A_259 : memref<80x128xf32, #tpu.memory_space<hbm>>) dst(%arg7 : memref<80x128xf32, #tpu.memory_space<vmem>>)
        %cond3A_260 = arith.constant 0 : i32
        scf.yield %cond3A_260 : i32
      } else {
        %cond3A_254 = arith.constant 0 : i32
        scf.yield %cond3A_254 : i32
      }
      %add3A_175 = arith.constant 1 : i32
      %add3A_176 = arith.addi %mul3A_141, %add3A_175 : i32
      %and3A_177 = arith.constant 31 : i32
      %and3A_178 = arith.andi %add3A_176, %and3A_177 : i32
      %dma_start3A_179 = arith.constant 0 : i32
      %dma_start3A_180 = tpu.memref_slice %arg5[%and3A_178, %dma_start3A_179] : memref<32x80xi32, #tpu.memory_space<vmem>> -> memref<1x80xi32, #tpu.memory_space<vmem>>
      %dma_start3A_181 = tpu.memref_squeeze %dma_start3A_180 : memref<1x80xi32, #tpu.memory_space<vmem>> -> memref<80xi32, #tpu.memory_space<vmem>>
      %dma_start3A_182 = arith.constant 0 : i32
      %dma_start3A_183 = arith.constant 0 : i32
      %dma_start3A_184 = tpu.memref_slice %arg3[%dma_start3A_182, %dma_start3A_183] : memref<10240x128xf32, #tpu.memory_space<hbm>> -> memref<10240x128xf32, #tpu.memory_space<hbm>>
      tpu.enqueue_indirect_dma source(%dma_start3A_184 : memref<10240x128xf32, #tpu.memory_space<hbm>>) target(%arg8 : memref<80x128xf32, #tpu.memory_space<vmem>>) offsets(%dma_start3A_181 : memref<80xi32, #tpu.memory_space<vmem>>) semaphore(%arg12 : memref<!tpu.dma_semaphore, #tpu.memory_space<semaphore_mem>>)
      %gt3A_185 = arith.constant 0 : i32
      %gt3A_186 = arith.cmpi sgt, %while3A_138, %gt3A_185 : i32
      %convert_element_type3A_187 = arith.extui %gt3A_186 : i1 to i32
      %cond3A_188 = arith.constant 0 : i32
      %cond3A_189 = arith.cmpi ne, %convert_element_type3A_187, %cond3A_188 : i32
      %cond3A_190 = scf.if %cond3A_189 -> (i32) {
        %dma_wait3A_254 = arith.constant 0 : i32
        %dma_wait3A_255 = arith.constant 0 : i32
        %dma_wait3A_256 = tpu.memref_slice %arg3[%dma_wait3A_254, %dma_wait3A_255] : memref<10240x128xf32, #tpu.memory_space<hbm>> -> memref<80x128xf32, #tpu.memory_space<hbm>>
        %dma_wait3A_257 = arith.constant 0 : i32
        %dma_wait3A_258 = arith.constant 0 : i32
        %dma_wait3A_259 = tpu.memref_slice %arg3[%dma_wait3A_257, %dma_wait3A_258] : memref<10240x128xf32, #tpu.memory_space<hbm>> -> memref<80x128xf32, #tpu.memory_space<hbm>>
        tpu.wait_dma2 semaphore(%arg12 : memref<!tpu.dma_semaphore, #tpu.memory_space<semaphore_mem>>) src(%dma_wait3A_259 : memref<80x128xf32, #tpu.memory_space<hbm>>) dst(%arg7 : memref<80x128xf32, #tpu.memory_space<vmem>>)
        %sub3A_260 = arith.constant 1 : i32
        %sub3A_261 = arith.subi %mul3A_141, %sub3A_260 : i32
        %and3A_262 = arith.constant 31 : i32
        %and3A_263 = arith.andi %sub3A_261, %and3A_262 : i32
        %dma_start3A_264 = arith.constant 0 : i32
        %dma_start3A_265 = tpu.memref_slice %arg6[%and3A_263, %dma_start3A_264] : memref<32x80xi32, #tpu.memory_space<vmem>> -> memref<1x80xi32, #tpu.memory_space<vmem>>
        %dma_start3A_266 = tpu.memref_squeeze %dma_start3A_265 : memref<1x80xi32, #tpu.memory_space<vmem>> -> memref<80xi32, #tpu.memory_space<vmem>>
        %dma_start3A_267 = arith.constant 0 : i32
        %dma_start3A_268 = arith.constant 0 : i32
        %dma_start3A_269 = tpu.memref_slice %arg11[%dma_start3A_267, %dma_start3A_268] : memref<10240x128xf32, #tpu.memory_space<vmem_shared>> -> memref<10240x128xf32, #tpu.memory_space<vmem_shared>>
        tpu.enqueue_indirect_dma source(%arg10 : memref<80x128xf32, #tpu.memory_space<vmem>>) target(%dma_start3A_269 : memref<10240x128xf32, #tpu.memory_space<vmem_shared>>) offsets(%dma_start3A_266 : memref<80xi32, #tpu.memory_space<vmem>>) semaphore(%arg13 : memref<!tpu.dma_semaphore, #tpu.memory_space<semaphore_mem>>) {add = true}
        %cond3A_270 = arith.constant 0 : i32
        scf.yield %cond3A_270 : i32
      } else {
        %cond3A_254 = arith.constant 0 : i32
        scf.yield %cond3A_254 : i32
      }
      %gt3A_191 = arith.constant 0 : i32
      %gt3A_192 = arith.cmpi sgt, %while3A_138, %gt3A_191 : i32
      %convert_element_type3A_193 = arith.extui %gt3A_192 : i1 to i32
      %cond3A_194 = arith.constant 0 : i32
      %cond3A_195 = arith.cmpi ne, %convert_element_type3A_193, %cond3A_194 : i32
      %cond3A_196 = scf.if %cond3A_195 -> (i32) {
        %dma_wait3A_254 = arith.constant 0 : i32
        %dma_wait3A_255 = arith.constant 0 : i32
        %dma_wait3A_256 = tpu.memref_slice %arg3[%dma_wait3A_254, %dma_wait3A_255] : memref<10240x128xf32, #tpu.memory_space<hbm>> -> memref<80x128xf32, #tpu.memory_space<hbm>>
        %dma_wait3A_257 = arith.constant 0 : i32
        %dma_wait3A_258 = arith.constant 0 : i32
        %dma_wait3A_259 = tpu.memref_slice %arg3[%dma_wait3A_257, %dma_wait3A_258] : memref<10240x128xf32, #tpu.memory_space<hbm>> -> memref<80x128xf32, #tpu.memory_space<hbm>>
        tpu.wait_dma2 semaphore(%arg13 : memref<!tpu.dma_semaphore, #tpu.memory_space<semaphore_mem>>) src(%dma_wait3A_259 : memref<80x128xf32, #tpu.memory_space<hbm>>) dst(%arg7 : memref<80x128xf32, #tpu.memory_space<vmem>>)
        %cond3A_260 = arith.constant 0 : i32
        scf.yield %cond3A_260 : i32
      } else {
        %cond3A_254 = arith.constant 0 : i32
        scf.yield %cond3A_254 : i32
      }
      %add3A_197 = arith.constant 2 : i32
      %add3A_198 = arith.addi %mul3A_141, %add3A_197 : i32
      %and3A_199 = arith.constant 31 : i32
      %and3A_200 = arith.andi %add3A_198, %and3A_199 : i32
      %dma_start3A_201 = arith.constant 0 : i32
      %dma_start3A_202 = tpu.memref_slice %arg5[%and3A_200, %dma_start3A_201] : memref<32x80xi32, #tpu.memory_space<vmem>> -> memref<1x80xi32, #tpu.memory_space<vmem>>
      %dma_start3A_203 = tpu.memref_squeeze %dma_start3A_202 : memref<1x80xi32, #tpu.memory_space<vmem>> -> memref<80xi32, #tpu.memory_space<vmem>>
      %dma_start3A_204 = arith.constant 0 : i32
      %dma_start3A_205 = arith.constant 0 : i32
      %dma_start3A_206 = tpu.memref_slice %arg3[%dma_start3A_204, %dma_start3A_205] : memref<10240x128xf32, #tpu.memory_space<hbm>> -> memref<10240x128xf32, #tpu.memory_space<hbm>>
      tpu.enqueue_indirect_dma source(%dma_start3A_206 : memref<10240x128xf32, #tpu.memory_space<hbm>>) target(%arg9 : memref<80x128xf32, #tpu.memory_space<vmem>>) offsets(%dma_start3A_203 : memref<80xi32, #tpu.memory_space<vmem>>) semaphore(%arg12 : memref<!tpu.dma_semaphore, #tpu.memory_space<semaphore_mem>>)
      %dma_wait3A_207 = arith.constant 0 : i32
      %dma_wait3A_208 = arith.constant 0 : i32
      %dma_wait3A_209 = tpu.memref_slice %arg3[%dma_wait3A_207, %dma_wait3A_208] : memref<10240x128xf32, #tpu.memory_space<hbm>> -> memref<80x128xf32, #tpu.memory_space<hbm>>
      %dma_wait3A_210 = arith.constant 0 : i32
      %dma_wait3A_211 = arith.constant 0 : i32
      %dma_wait3A_212 = tpu.memref_slice %arg3[%dma_wait3A_210, %dma_wait3A_211] : memref<10240x128xf32, #tpu.memory_space<hbm>> -> memref<80x128xf32, #tpu.memory_space<hbm>>
      tpu.wait_dma2 semaphore(%arg12 : memref<!tpu.dma_semaphore, #tpu.memory_space<semaphore_mem>>) src(%dma_wait3A_212 : memref<80x128xf32, #tpu.memory_space<hbm>>) dst(%arg7 : memref<80x128xf32, #tpu.memory_space<vmem>>)
      %and3A_213 = arith.constant 31 : i32
      %and3A_214 = arith.andi %mul3A_141, %and3A_213 : i32
      %dma_start3A_215 = arith.constant 0 : i32
      %dma_start3A_216 = tpu.memref_slice %arg6[%and3A_214, %dma_start3A_215] : memref<32x80xi32, #tpu.memory_space<vmem>> -> memref<1x80xi32, #tpu.memory_space<vmem>>
      %dma_start3A_217 = tpu.memref_squeeze %dma_start3A_216 : memref<1x80xi32, #tpu.memory_space<vmem>> -> memref<80xi32, #tpu.memory_space<vmem>>
      %dma_start3A_218 = arith.constant 0 : i32
      %dma_start3A_219 = arith.constant 0 : i32
      %dma_start3A_220 = tpu.memref_slice %arg11[%dma_start3A_218, %dma_start3A_219] : memref<10240x128xf32, #tpu.memory_space<vmem_shared>> -> memref<10240x128xf32, #tpu.memory_space<vmem_shared>>
      tpu.enqueue_indirect_dma source(%arg7 : memref<80x128xf32, #tpu.memory_space<vmem>>) target(%dma_start3A_220 : memref<10240x128xf32, #tpu.memory_space<vmem_shared>>) offsets(%dma_start3A_217 : memref<80xi32, #tpu.memory_space<vmem>>) semaphore(%arg13 : memref<!tpu.dma_semaphore, #tpu.memory_space<semaphore_mem>>) {add = true}
      %gt3A_221 = arith.constant 0 : i32
      %gt3A_222 = arith.cmpi sgt, %while3A_138, %gt3A_221 : i32
      %convert_element_type3A_223 = arith.extui %gt3A_222 : i1 to i32
      %cond3A_224 = arith.constant 0 : i32
      %cond3A_225 = arith.cmpi ne, %convert_element_type3A_223, %cond3A_224 : i32
      %cond3A_226 = scf.if %cond3A_225 -> (i32) {
        %dma_wait3A_254 = arith.constant 0 : i32
        %dma_wait3A_255 = arith.constant 0 : i32
        %dma_wait3A_256 = tpu.memref_slice %arg3[%dma_wait3A_254, %dma_wait3A_255] : memref<10240x128xf32, #tpu.memory_space<hbm>> -> memref<80x128xf32, #tpu.memory_space<hbm>>
        %dma_wait3A_257 = arith.constant 0 : i32
        %dma_wait3A_258 = arith.constant 0 : i32
        %dma_wait3A_259 = tpu.memref_slice %arg3[%dma_wait3A_257, %dma_wait3A_258] : memref<10240x128xf32, #tpu.memory_space<hbm>> -> memref<80x128xf32, #tpu.memory_space<hbm>>
        tpu.wait_dma2 semaphore(%arg13 : memref<!tpu.dma_semaphore, #tpu.memory_space<semaphore_mem>>) src(%dma_wait3A_259 : memref<80x128xf32, #tpu.memory_space<hbm>>) dst(%arg7 : memref<80x128xf32, #tpu.memory_space<vmem>>)
        %cond3A_260 = arith.constant 0 : i32
        scf.yield %cond3A_260 : i32
      } else {
        %cond3A_254 = arith.constant 0 : i32
        scf.yield %cond3A_254 : i32
      }
      %add3A_227 = arith.constant 3 : i32
      %add3A_228 = arith.addi %mul3A_141, %add3A_227 : i32
      %and3A_229 = arith.constant 31 : i32
      %and3A_230 = arith.andi %add3A_228, %and3A_229 : i32
      %dma_start3A_231 = arith.constant 0 : i32
      %dma_start3A_232 = tpu.memref_slice %arg5[%and3A_230, %dma_start3A_231] : memref<32x80xi32, #tpu.memory_space<vmem>> -> memref<1x80xi32, #tpu.memory_space<vmem>>
      %dma_start3A_233 = tpu.memref_squeeze %dma_start3A_232 : memref<1x80xi32, #tpu.memory_space<vmem>> -> memref<80xi32, #tpu.memory_space<vmem>>
      %dma_start3A_234 = arith.constant 0 : i32
      %dma_start3A_235 = arith.constant 0 : i32
      %dma_start3A_236 = tpu.memref_slice %arg3[%dma_start3A_234, %dma_start3A_235] : memref<10240x128xf32, #tpu.memory_space<hbm>> -> memref<10240x128xf32, #tpu.memory_space<hbm>>
      tpu.enqueue_indirect_dma source(%dma_start3A_236 : memref<10240x128xf32, #tpu.memory_space<hbm>>) target(%arg10 : memref<80x128xf32, #tpu.memory_space<vmem>>) offsets(%dma_start3A_233 : memref<80xi32, #tpu.memory_space<vmem>>) semaphore(%arg12 : memref<!tpu.dma_semaphore, #tpu.memory_space<semaphore_mem>>)
      %dma_wait3A_237 = arith.constant 0 : i32
      %dma_wait3A_238 = arith.constant 0 : i32
      %dma_wait3A_239 = tpu.memref_slice %arg3[%dma_wait3A_237, %dma_wait3A_238] : memref<10240x128xf32, #tpu.memory_space<hbm>> -> memref<80x128xf32, #tpu.memory_space<hbm>>
      %dma_wait3A_240 = arith.constant 0 : i32
      %dma_wait3A_241 = arith.constant 0 : i32
      %dma_wait3A_242 = tpu.memref_slice %arg3[%dma_wait3A_240, %dma_wait3A_241] : memref<10240x128xf32, #tpu.memory_space<hbm>> -> memref<80x128xf32, #tpu.memory_space<hbm>>
      tpu.wait_dma2 semaphore(%arg12 : memref<!tpu.dma_semaphore, #tpu.memory_space<semaphore_mem>>) src(%dma_wait3A_242 : memref<80x128xf32, #tpu.memory_space<hbm>>) dst(%arg7 : memref<80x128xf32, #tpu.memory_space<vmem>>)
      %add3A_243 = arith.constant 1 : i32
      %add3A_244 = arith.addi %mul3A_141, %add3A_243 : i32
      %and3A_245 = arith.constant 31 : i32
      %and3A_246 = arith.andi %add3A_244, %and3A_245 : i32
      %dma_start3A_247 = arith.constant 0 : i32
      %dma_start3A_248 = tpu.memref_slice %arg6[%and3A_246, %dma_start3A_247] : memref<32x80xi32, #tpu.memory_space<vmem>> -> memref<1x80xi32, #tpu.memory_space<vmem>>
      %dma_start3A_249 = tpu.memref_squeeze %dma_start3A_248 : memref<1x80xi32, #tpu.memory_space<vmem>> -> memref<80xi32, #tpu.memory_space<vmem>>
      %dma_start3A_250 = arith.constant 0 : i32
      %dma_start3A_251 = arith.constant 0 : i32
      %dma_start3A_252 = tpu.memref_slice %arg11[%dma_start3A_250, %dma_start3A_251] : memref<10240x128xf32, #tpu.memory_space<vmem_shared>> -> memref<10240x128xf32, #tpu.memory_space<vmem_shared>>
      tpu.enqueue_indirect_dma source(%arg8 : memref<80x128xf32, #tpu.memory_space<vmem>>) target(%dma_start3A_252 : memref<10240x128xf32, #tpu.memory_space<vmem_shared>>) offsets(%dma_start3A_249 : memref<80xi32, #tpu.memory_space<vmem>>) semaphore(%arg13 : memref<!tpu.dma_semaphore, #tpu.memory_space<semaphore_mem>>) {add = true}
      %while3A_253 = arith.constant 0 : i32
      scf.yield %while3A_253 : i32
    }
    %dma_wait3A = arith.constant 0 : i32
    %dma_wait3A_79 = arith.constant 0 : i32
    %dma_wait3A_80 = tpu.memref_slice %arg3[%dma_wait3A, %dma_wait3A_79] : memref<10240x128xf32, #tpu.memory_space<hbm>> -> memref<80x128xf32, #tpu.memory_space<hbm>>
    %dma_wait3A_81 = arith.constant 0 : i32
    %dma_wait3A_82 = arith.constant 0 : i32
    %dma_wait3A_83 = tpu.memref_slice %arg3[%dma_wait3A_81, %dma_wait3A_82] : memref<10240x128xf32, #tpu.memory_space<hbm>> -> memref<80x128xf32, #tpu.memory_space<hbm>>
    tpu.wait_dma2 semaphore(%arg13 : memref<!tpu.dma_semaphore, #tpu.memory_space<semaphore_mem>>) src(%dma_wait3A_83 : memref<80x128xf32, #tpu.memory_space<hbm>>) dst(%arg7 : memref<80x128xf32, #tpu.memory_space<vmem>>)
    %dma_wait3A_84 = arith.constant 0 : i32
    %dma_wait3A_85 = arith.constant 0 : i32
    %dma_wait3A_86 = tpu.memref_slice %arg3[%dma_wait3A_84, %dma_wait3A_85] : memref<10240x128xf32, #tpu.memory_space<hbm>> -> memref<80x128xf32, #tpu.memory_space<hbm>>
    %dma_wait3A_87 = arith.constant 0 : i32
    %dma_wait3A_88 = arith.constant 0 : i32
    %dma_wait3A_89 = tpu.memref_slice %arg3[%dma_wait3A_87, %dma_wait3A_88] : memref<10240x128xf32, #tpu.memory_space<hbm>> -> memref<80x128xf32, #tpu.memory_space<hbm>>
    tpu.wait_dma2 semaphore(%arg12 : memref<!tpu.dma_semaphore, #tpu.memory_space<semaphore_mem>>) src(%dma_wait3A_89 : memref<80x128xf32, #tpu.memory_space<hbm>>) dst(%arg7 : memref<80x128xf32, #tpu.memory_space<vmem>>)
    %sub3A_90 = arith.constant 2 : i32
    %sub3A_91 = arith.subi %min3A, %sub3A_90 : i32
    %and3A_92 = arith.constant 31 : i32
    %and3A_93 = arith.andi %sub3A_91, %and3A_92 : i32
    %dma_start3A = arith.constant 0 : i32
    %dma_start3A_94 = tpu.memref_slice %arg6[%and3A_93, %dma_start3A] : memref<32x80xi32, #tpu.memory_space<vmem>> -> memref<1x80xi32, #tpu.memory_space<vmem>>
    %dma_start3A_95 = tpu.memref_squeeze %dma_start3A_94 : memref<1x80xi32, #tpu.memory_space<vmem>> -> memref<80xi32, #tpu.memory_space<vmem>>
    %dma_start3A_96 = arith.constant 0 : i32
    %dma_start3A_97 = arith.constant 0 : i32
    %dma_start3A_98 = tpu.memref_slice %arg11[%dma_start3A_96, %dma_start3A_97] : memref<10240x128xf32, #tpu.memory_space<vmem_shared>> -> memref<10240x128xf32, #tpu.memory_space<vmem_shared>>
    tpu.enqueue_indirect_dma source(%arg9 : memref<80x128xf32, #tpu.memory_space<vmem>>) target(%dma_start3A_98 : memref<10240x128xf32, #tpu.memory_space<vmem_shared>>) offsets(%dma_start3A_95 : memref<80xi32, #tpu.memory_space<vmem>>) semaphore(%arg13 : memref<!tpu.dma_semaphore, #tpu.memory_space<semaphore_mem>>) {add = true}
    %dma_wait3A_99 = arith.constant 0 : i32
    %dma_wait3A_100 = arith.constant 0 : i32
    %dma_wait3A_101 = tpu.memref_slice %arg3[%dma_wait3A_99, %dma_wait3A_100] : memref<10240x128xf32, #tpu.memory_space<hbm>> -> memref<80x128xf32, #tpu.memory_space<hbm>>
    %dma_wait3A_102 = arith.constant 0 : i32
    %dma_wait3A_103 = arith.constant 0 : i32
    %dma_wait3A_104 = tpu.memref_slice %arg3[%dma_wait3A_102, %dma_wait3A_103] : memref<10240x128xf32, #tpu.memory_space<hbm>> -> memref<80x128xf32, #tpu.memory_space<hbm>>
    tpu.wait_dma2 semaphore(%arg13 : memref<!tpu.dma_semaphore, #tpu.memory_space<semaphore_mem>>) src(%dma_wait3A_104 : memref<80x128xf32, #tpu.memory_space<hbm>>) dst(%arg7 : memref<80x128xf32, #tpu.memory_space<vmem>>)
    %dma_wait3A_105 = arith.constant 0 : i32
    %dma_wait3A_106 = arith.constant 0 : i32
    %dma_wait3A_107 = tpu.memref_slice %arg3[%dma_wait3A_105, %dma_wait3A_106] : memref<10240x128xf32, #tpu.memory_space<hbm>> -> memref<80x128xf32, #tpu.memory_space<hbm>>
    %dma_wait3A_108 = arith.constant 0 : i32
    %dma_wait3A_109 = arith.constant 0 : i32
    %dma_wait3A_110 = tpu.memref_slice %arg3[%dma_wait3A_108, %dma_wait3A_109] : memref<10240x128xf32, #tpu.memory_space<hbm>> -> memref<80x128xf32, #tpu.memory_space<hbm>>
    tpu.wait_dma2 semaphore(%arg12 : memref<!tpu.dma_semaphore, #tpu.memory_space<semaphore_mem>>) src(%dma_wait3A_110 : memref<80x128xf32, #tpu.memory_space<hbm>>) dst(%arg7 : memref<80x128xf32, #tpu.memory_space<vmem>>)
    %sub3A_111 = arith.constant 1 : i32
    %sub3A_112 = arith.subi %min3A, %sub3A_111 : i32
    %and3A_113 = arith.constant 31 : i32
    %and3A_114 = arith.andi %sub3A_112, %and3A_113 : i32
    %dma_start3A_115 = arith.constant 0 : i32
    %dma_start3A_116 = tpu.memref_slice %arg6[%and3A_114, %dma_start3A_115] : memref<32x80xi32, #tpu.memory_space<vmem>> -> memref<1x80xi32, #tpu.memory_space<vmem>>
    %dma_start3A_117 = tpu.memref_squeeze %dma_start3A_116 : memref<1x80xi32, #tpu.memory_space<vmem>> -> memref<80xi32, #tpu.memory_space<vmem>>
    %dma_start3A_118 = arith.constant 0 : i32
    %dma_start3A_119 = arith.constant 0 : i32
    %dma_start3A_120 = tpu.memref_slice %arg11[%dma_start3A_118, %dma_start3A_119] : memref<10240x128xf32, #tpu.memory_space<vmem_shared>> -> memref<10240x128xf32, #tpu.memory_space<vmem_shared>>
    tpu.enqueue_indirect_dma source(%arg10 : memref<80x128xf32, #tpu.memory_space<vmem>>) target(%dma_start3A_120 : memref<10240x128xf32, #tpu.memory_space<vmem_shared>>) offsets(%dma_start3A_117 : memref<80xi32, #tpu.memory_space<vmem>>) semaphore(%arg13 : memref<!tpu.dma_semaphore, #tpu.memory_space<semaphore_mem>>) {add = true}
    %dma_wait3A_121 = arith.constant 0 : i32
    %dma_wait3A_122 = arith.constant 0 : i32
    %dma_wait3A_123 = tpu.memref_slice %arg3[%dma_wait3A_121, %dma_wait3A_122] : memref<10240x128xf32, #tpu.memory_space<hbm>> -> memref<80x128xf32, #tpu.memory_space<hbm>>
    %dma_wait3A_124 = arith.constant 0 : i32
    %dma_wait3A_125 = arith.constant 0 : i32
    %dma_wait3A_126 = tpu.memref_slice %arg3[%dma_wait3A_124, %dma_wait3A_125] : memref<10240x128xf32, #tpu.memory_space<hbm>> -> memref<80x128xf32, #tpu.memory_space<hbm>>
    tpu.wait_dma2 semaphore(%arg13 : memref<!tpu.dma_semaphore, #tpu.memory_space<semaphore_mem>>) src(%dma_wait3A_126 : memref<80x128xf32, #tpu.memory_space<hbm>>) dst(%arg7 : memref<80x128xf32, #tpu.memory_space<vmem>>)
    %dma_wait3A_127 = arith.constant 0 : i32
    %dma_wait3A_128 = arith.constant 0 : i32
    %dma_wait3A_129 = tpu.memref_slice %arg3[%dma_wait3A_127, %dma_wait3A_128] : memref<10240x128xf32, #tpu.memory_space<hbm>> -> memref<80x128xf32, #tpu.memory_space<hbm>>
    %dma_wait3A_130 = arith.constant 0 : i32
    %dma_wait3A_131 = arith.constant 0 : i32
    %dma_wait3A_132 = tpu.memref_slice %arg3[%dma_wait3A_130, %dma_wait3A_131] : memref<10240x128xf32, #tpu.memory_space<hbm>> -> memref<80x128xf32, #tpu.memory_space<hbm>>
    tpu.wait_dma2 semaphore(%arg13 : memref<!tpu.dma_semaphore, #tpu.memory_space<semaphore_mem>>) src(%dma_wait3A_132 : memref<80x128xf32, #tpu.memory_space<hbm>>) dst(%arg7 : memref<80x128xf32, #tpu.memory_space<vmem>>)
    %barrier3A_133 = arith.constant 0 : index
    tpu.barrier barrier_id(%barrier3A_133)
    %mul3A_134 = arith.constant 640 : i32
    %mul3A_135 = arith.muli %arg1, %mul3A_134 : i32
    %mul3A_136 = arith.constant 640 : i32
    %mul3A_137 = arith.muli %arg1, %mul3A_136 : i32
    "tpu.region"() ({
      %run_scoped3A_138 = tpu.sem_alloc : memref<!tpu.dma_semaphore, #tpu.memory_space<semaphore_mem>>
      %dma_start3A_139 = arith.constant 0 : i32
      %dma_start3A_140 = tpu.memref_slice %arg4[%arg0, %mul3A_137, %dma_start3A_139] : memref<2x10240x128xf32, #tpu.memory_space<hbm>> -> memref<1x640x128xf32, #tpu.memory_space<hbm>>
      %dma_start3A_141 = tpu.memref_squeeze %dma_start3A_140 : memref<1x640x128xf32, #tpu.memory_space<hbm>> -> memref<640x128xf32, #tpu.memory_space<hbm>>
      %dma_start3A_142 = arith.constant 0 : i32
      %dma_start3A_143 = tpu.memref_slice %arg11[%mul3A_135, %dma_start3A_142] : memref<10240x128xf32, #tpu.memory_space<vmem_shared>> -> memref<640x128xf32, #tpu.memory_space<vmem_shared>>
      tpu.enqueue_dma source(%dma_start3A_143 : memref<640x128xf32, #tpu.memory_space<vmem_shared>>) target(%dma_start3A_141 : memref<640x128xf32, #tpu.memory_space<hbm>>) target_semaphore(%run_scoped3A_138 : memref<!tpu.dma_semaphore, #tpu.memory_space<semaphore_mem>>)
      %dma_wait3A_144 = arith.constant 0 : i32
      %dma_wait3A_145 = tpu.memref_slice %arg4[%arg0, %mul3A_137, %dma_wait3A_144] : memref<2x10240x128xf32, #tpu.memory_space<hbm>> -> memref<1x640x128xf32, #tpu.memory_space<hbm>>
      %dma_wait3A_146 = tpu.memref_squeeze %dma_wait3A_145 : memref<1x640x128xf32, #tpu.memory_space<hbm>> -> memref<640x128xf32, #tpu.memory_space<hbm>>
      %dma_wait3A_147 = arith.constant 0 : i32
      %dma_wait3A_148 = tpu.memref_slice %arg11[%mul3A_135, %dma_wait3A_147] : memref<10240x128xf32, #tpu.memory_space<vmem_shared>> -> memref<640x128xf32, #tpu.memory_space<vmem_shared>>
      tpu.wait_dma2 semaphore(%run_scoped3A_138 : memref<!tpu.dma_semaphore, #tpu.memory_space<semaphore_mem>>) src(%dma_wait3A_148 : memref<640x128xf32, #tpu.memory_space<vmem_shared>>) dst(%dma_wait3A_146 : memref<640x128xf32, #tpu.memory_space<hbm>>)
      tpu.yield
    }) : () -> ()
    return
  }
}

#map = affine_map<(d0, d1) -> (0, 0, 0, 0)>
#map1 = affine_map<(d0, d1) -> (0, 0)>
module attributes {stable_mosaic.version = 14 : i64} {
  func.func @_sc_cvec(%arg0: i32, %arg1: i32, %arg2: memref<2x32x80x128xi32, #tpu.memory_space<hbm>>, %arg3: memref<2x10240xf32, #tpu.memory_space<hbm>>, %arg4: memref<32x10240xf32, #tpu.memory_space<hbm>>, %arg5: memref<80x128xi32, #tpu.memory_space<vmem>>, %arg6: memref<80x128xi32, #tpu.memory_space<vmem>>, %arg7: memref<10256xf32, #tpu.memory_space<vmem>>, %arg8: memref<10240xf32, #tpu.memory_space<vmem>>) attributes {dimension_semantics = [#tpu.dimension_semantics<core_parallel>, #tpu.dimension_semantics<subcore_parallel>], iteration_bounds = array<i64: 2, 16>, scalar_prefetch = 0 : i64, scratch_operands = 4 : i64, tpu.core_type = #tpu.core_type<sc_vector_subcore>, window_params = [{transform_indices = #map}, {transform_indices = #map1}, {transform_indices = #map1}]} {
    %mul3A = arith.constant 16 : i32
    %mul3A_0 = arith.muli %arg0, %mul3A : i32
    %add3A = arith.addi %mul3A_0, %arg1 : i32
    %run_scoped3A = arith.constant 0 : i32
    "tpu.region"() ({
      %run_scoped3A_28 = tpu.sem_alloc : memref<!tpu.dma_semaphore, #tpu.memory_space<semaphore_mem>>
      %dma_start3A = arith.constant 0 : i32
      %dma_start3A_29 = arith.constant 0 : i32
      %dma_start3A_30 = tpu.memref_slice %arg2[%run_scoped3A, %add3A, %dma_start3A, %dma_start3A_29] : memref<2x32x80x128xi32, #tpu.memory_space<hbm>> -> memref<1x1x80x128xi32, #tpu.memory_space<hbm>>
      %dma_start3A_31 = tpu.memref_squeeze %dma_start3A_30 : memref<1x1x80x128xi32, #tpu.memory_space<hbm>> -> memref<80x128xi32, #tpu.memory_space<hbm>>
      %dma_start3A_32 = arith.constant 0 : i32
      %dma_start3A_33 = arith.constant 0 : i32
      %dma_start3A_34 = tpu.memref_slice %arg2[%run_scoped3A, %add3A, %dma_start3A_32, %dma_start3A_33] : memref<2x32x80x128xi32, #tpu.memory_space<hbm>> -> memref<1x1x80x128xi32, #tpu.memory_space<hbm>>
      %dma_start3A_35 = tpu.memref_squeeze %dma_start3A_34 : memref<1x1x80x128xi32, #tpu.memory_space<hbm>> -> memref<80x128xi32, #tpu.memory_space<hbm>>
      tpu.enqueue_dma source(%dma_start3A_35 : memref<80x128xi32, #tpu.memory_space<hbm>>) target(%arg5 : memref<80x128xi32, #tpu.memory_space<vmem>>) target_semaphore(%run_scoped3A_28 : memref<!tpu.dma_semaphore, #tpu.memory_space<semaphore_mem>>)
      %dma_wait3A = arith.constant 0 : i32
      %dma_wait3A_36 = arith.constant 0 : i32
      %dma_wait3A_37 = tpu.memref_slice %arg2[%run_scoped3A, %add3A, %dma_wait3A, %dma_wait3A_36] : memref<2x32x80x128xi32, #tpu.memory_space<hbm>> -> memref<1x1x80x128xi32, #tpu.memory_space<hbm>>
      %dma_wait3A_38 = tpu.memref_squeeze %dma_wait3A_37 : memref<1x1x80x128xi32, #tpu.memory_space<hbm>> -> memref<80x128xi32, #tpu.memory_space<hbm>>
      %dma_wait3A_39 = arith.constant 0 : i32
      %dma_wait3A_40 = arith.constant 0 : i32
      %dma_wait3A_41 = tpu.memref_slice %arg2[%run_scoped3A, %add3A, %dma_wait3A_39, %dma_wait3A_40] : memref<2x32x80x128xi32, #tpu.memory_space<hbm>> -> memref<1x1x80x128xi32, #tpu.memory_space<hbm>>
      %dma_wait3A_42 = tpu.memref_squeeze %dma_wait3A_41 : memref<1x1x80x128xi32, #tpu.memory_space<hbm>> -> memref<80x128xi32, #tpu.memory_space<hbm>>
      tpu.wait_dma2 semaphore(%run_scoped3A_28 : memref<!tpu.dma_semaphore, #tpu.memory_space<semaphore_mem>>) src(%dma_wait3A_42 : memref<80x128xi32, #tpu.memory_space<hbm>>) dst(%arg5 : memref<80x128xi32, #tpu.memory_space<vmem>>)
      tpu.yield
    }) : () -> ()
    %run_scoped3A_1 = arith.constant 1 : i32
    "tpu.region"() ({
      %run_scoped3A_28 = tpu.sem_alloc : memref<!tpu.dma_semaphore, #tpu.memory_space<semaphore_mem>>
      %dma_start3A = arith.constant 0 : i32
      %dma_start3A_29 = arith.constant 0 : i32
      %dma_start3A_30 = tpu.memref_slice %arg2[%run_scoped3A_1, %add3A, %dma_start3A, %dma_start3A_29] : memref<2x32x80x128xi32, #tpu.memory_space<hbm>> -> memref<1x1x80x128xi32, #tpu.memory_space<hbm>>
      %dma_start3A_31 = tpu.memref_squeeze %dma_start3A_30 : memref<1x1x80x128xi32, #tpu.memory_space<hbm>> -> memref<80x128xi32, #tpu.memory_space<hbm>>
      %dma_start3A_32 = arith.constant 0 : i32
      %dma_start3A_33 = arith.constant 0 : i32
      %dma_start3A_34 = tpu.memref_slice %arg2[%run_scoped3A_1, %add3A, %dma_start3A_32, %dma_start3A_33] : memref<2x32x80x128xi32, #tpu.memory_space<hbm>> -> memref<1x1x80x128xi32, #tpu.memory_space<hbm>>
      %dma_start3A_35 = tpu.memref_squeeze %dma_start3A_34 : memref<1x1x80x128xi32, #tpu.memory_space<hbm>> -> memref<80x128xi32, #tpu.memory_space<hbm>>
      tpu.enqueue_dma source(%dma_start3A_35 : memref<80x128xi32, #tpu.memory_space<hbm>>) target(%arg6 : memref<80x128xi32, #tpu.memory_space<vmem>>) target_semaphore(%run_scoped3A_28 : memref<!tpu.dma_semaphore, #tpu.memory_space<semaphore_mem>>)
      %dma_wait3A = arith.constant 0 : i32
      %dma_wait3A_36 = arith.constant 0 : i32
      %dma_wait3A_37 = tpu.memref_slice %arg2[%run_scoped3A_1, %add3A, %dma_wait3A, %dma_wait3A_36] : memref<2x32x80x128xi32, #tpu.memory_space<hbm>> -> memref<1x1x80x128xi32, #tpu.memory_space<hbm>>
      %dma_wait3A_38 = tpu.memref_squeeze %dma_wait3A_37 : memref<1x1x80x128xi32, #tpu.memory_space<hbm>> -> memref<80x128xi32, #tpu.memory_space<hbm>>
      %dma_wait3A_39 = arith.constant 0 : i32
      %dma_wait3A_40 = arith.constant 0 : i32
      %dma_wait3A_41 = tpu.memref_slice %arg2[%run_scoped3A_1, %add3A, %dma_wait3A_39, %dma_wait3A_40] : memref<2x32x80x128xi32, #tpu.memory_space<hbm>> -> memref<1x1x80x128xi32, #tpu.memory_space<hbm>>
      %dma_wait3A_42 = tpu.memref_squeeze %dma_wait3A_41 : memref<1x1x80x128xi32, #tpu.memory_space<hbm>> -> memref<80x128xi32, #tpu.memory_space<hbm>>
      tpu.wait_dma2 semaphore(%run_scoped3A_28 : memref<!tpu.dma_semaphore, #tpu.memory_space<semaphore_mem>>) src(%dma_wait3A_42 : memref<80x128xi32, #tpu.memory_space<hbm>>) dst(%arg6 : memref<80x128xi32, #tpu.memory_space<vmem>>)
      tpu.yield
    }) : () -> ()
    %run_scoped3A_2 = arith.constant 1 : i32
    "tpu.region"() ({
      %run_scoped3A_28 = tpu.sem_alloc : memref<!tpu.dma_semaphore, #tpu.memory_space<semaphore_mem>>
      %dma_start3A = arith.constant 0 : i32
      %dma_start3A_29 = tpu.memref_slice %arg7[%dma_start3A] : memref<10256xf32, #tpu.memory_space<vmem>> -> memref<10240xf32, #tpu.memory_space<vmem>>
      %dma_start3A_30 = arith.constant 0 : i32
      %dma_start3A_31 = tpu.memref_slice %arg3[%run_scoped3A_2, %dma_start3A_30] : memref<2x10240xf32, #tpu.memory_space<hbm>> -> memref<1x10240xf32, #tpu.memory_space<hbm>>
      %dma_start3A_32 = tpu.memref_squeeze %dma_start3A_31 : memref<1x10240xf32, #tpu.memory_space<hbm>> -> memref<10240xf32, #tpu.memory_space<hbm>>
      %dma_start3A_33 = arith.constant 0 : i32
      %dma_start3A_34 = tpu.memref_slice %arg7[%dma_start3A_33] : memref<10256xf32, #tpu.memory_space<vmem>> -> memref<10240xf32, #tpu.memory_space<vmem>>
      %dma_start3A_35 = arith.constant 0 : i32
      %dma_start3A_36 = tpu.memref_slice %arg3[%run_scoped3A_2, %dma_start3A_35] : memref<2x10240xf32, #tpu.memory_space<hbm>> -> memref<1x10240xf32, #tpu.memory_space<hbm>>
      %dma_start3A_37 = tpu.memref_squeeze %dma_start3A_36 : memref<1x10240xf32, #tpu.memory_space<hbm>> -> memref<10240xf32, #tpu.memory_space<hbm>>
      tpu.enqueue_dma source(%dma_start3A_37 : memref<10240xf32, #tpu.memory_space<hbm>>) target(%dma_start3A_34 : memref<10240xf32, #tpu.memory_space<vmem>>) target_semaphore(%run_scoped3A_28 : memref<!tpu.dma_semaphore, #tpu.memory_space<semaphore_mem>>)
      %dma_wait3A = arith.constant 0 : i32
      %dma_wait3A_38 = tpu.memref_slice %arg7[%dma_wait3A] : memref<10256xf32, #tpu.memory_space<vmem>> -> memref<10240xf32, #tpu.memory_space<vmem>>
      %dma_wait3A_39 = arith.constant 0 : i32
      %dma_wait3A_40 = tpu.memref_slice %arg3[%run_scoped3A_2, %dma_wait3A_39] : memref<2x10240xf32, #tpu.memory_space<hbm>> -> memref<1x10240xf32, #tpu.memory_space<hbm>>
      %dma_wait3A_41 = tpu.memref_squeeze %dma_wait3A_40 : memref<1x10240xf32, #tpu.memory_space<hbm>> -> memref<10240xf32, #tpu.memory_space<hbm>>
      %dma_wait3A_42 = arith.constant 0 : i32
      %dma_wait3A_43 = tpu.memref_slice %arg7[%dma_wait3A_42] : memref<10256xf32, #tpu.memory_space<vmem>> -> memref<10240xf32, #tpu.memory_space<vmem>>
      %dma_wait3A_44 = arith.constant 0 : i32
      %dma_wait3A_45 = tpu.memref_slice %arg3[%run_scoped3A_2, %dma_wait3A_44] : memref<2x10240xf32, #tpu.memory_space<hbm>> -> memref<1x10240xf32, #tpu.memory_space<hbm>>
      %dma_wait3A_46 = tpu.memref_squeeze %dma_wait3A_45 : memref<1x10240xf32, #tpu.memory_space<hbm>> -> memref<10240xf32, #tpu.memory_space<hbm>>
      tpu.wait_dma2 semaphore(%run_scoped3A_28 : memref<!tpu.dma_semaphore, #tpu.memory_space<semaphore_mem>>) src(%dma_wait3A_46 : memref<10240xf32, #tpu.memory_space<hbm>>) dst(%dma_wait3A_43 : memref<10240xf32, #tpu.memory_space<vmem>>)
      tpu.yield
    }) : () -> ()
    %broadcast_in_dim3A = arith.constant 0.000000e+00 : f32
    %broadcast_in_dim3A_3 = vector.broadcast %broadcast_in_dim3A : f32 to vector<16xf32>
    %swap3A = arith.constant 10240 : index
    %swap3A_4 = tpu.vector_load %arg7[%swap3A] {strides = array<i32>} : memref<10256xf32, #tpu.memory_space<vmem>>, vector<16xf32>,
    tpu.vector_store %arg7[%swap3A], %broadcast_in_dim3A_3 {strides = array<i32>} : memref<10256xf32, #tpu.memory_space<vmem>>, vector<16xf32>,
    %broadcast_in_dim3A_5 = arith.constant 0.000000e+00 : f32
    %broadcast_in_dim3A_6 = vector.broadcast %broadcast_in_dim3A_5 : f32 to vector<16xf32>
    %scan3A = arith.constant 0 : i32
    %scan3A_7 = arith.constant 0 : i32
    %scan3A_8 = arith.constant 640 : i32
    %scan3A_9 = arith.addi %scan3A_7, %scan3A_8 : i32
    %scan3A_10 = arith.constant 1 : i32
    %scan3A_11 = scf.for %scan3A_28 = %scan3A_7 to %scan3A_9 step %scan3A_10 iter_args(%scan3A_29 = %scan3A) -> (i32)  : i32 {
      %mul3A_30 = arith.constant 16 : i32
      %mul3A_31 = arith.muli %scan3A_28, %mul3A_30 : i32
      %swap3A_32 = arith.index_cast %mul3A_31 : i32 to index
      %swap3A_33 = tpu.vector_load %arg8[%swap3A_32] {strides = array<i32>} : memref<10240xf32, #tpu.memory_space<vmem>>, vector<16xf32>,
      tpu.vector_store %arg8[%swap3A_32], %broadcast_in_dim3A_6 {strides = array<i32>} : memref<10240xf32, #tpu.memory_space<vmem>>, vector<16xf32>,
      %scan3A_34 = arith.constant 0 : i32
      scf.yield %scan3A_34 : i32
    }
    %scan3A_12 = arith.constant 640 : i32
    %mul3A_13 = arith.constant 80 : i32
    %mul3A_14 = arith.muli %add3A, %mul3A_13 : i32
    %sub3A = arith.constant 2500 : i32
    %sub3A_15 = arith.subi %sub3A, %mul3A_14 : i32
    %jit3A = arith.constant 0 : i32
    %jit3A_16 = arith.constant 80 : i32
    %max3A = arith.maxsi %jit3A, %sub3A_15 : i32
    %min3A = arith.minsi %jit3A_16, %max3A : i32
    %while3A = arith.constant 0 : i32
    %while3A_17 = arith.constant 0 : i32
    %while3A_18 = arith.subi %min3A, %while3A : i32
    %while3A_19 = arith.addi %while3A, %while3A_18 : i32
    %while3A_20 = arith.constant 1 : i32
    %while3A_21 = arith.divsi %while3A_18, %while3A_20 : i32
    %while3A_22 = arith.muli %while3A_21, %while3A_20 : i32
    %while3A_23 = arith.addi %while3A, %while3A_22 : i32
    %while3A_24 = arith.constant 1 : i32
    %while3A_25 = scf.for %while3A_28 = %while3A to %while3A_23 step %while3A_24 iter_args(%while3A_29 = %while3A_17) -> (i32)  : i32 {
      %get3A = arith.index_cast %while3A_28 : i32 to index
      %get3A_30 = arith.constant 0 : index
      %get3A_31 = tpu.vector_load %arg5[%get3A, %get3A_30] {strides = array<i32>} : memref<80x128xi32, #tpu.memory_space<vmem>>, vector<16xi32>,
      %get3A_32 = arith.index_cast %while3A_28 : i32 to index
      %get3A_33 = arith.constant 0 : index
      %get3A_34 = tpu.vector_load %arg6[%get3A_32, %get3A_33] {strides = array<i32>} : memref<80x128xi32, #tpu.memory_space<vmem>>, vector<16xi32>,
      %gather3A = tpu.vector_load_idx %arg7[%get3A_34] : memref<10256xf32, #tpu.memory_space<vmem>>[vector<16xi32>], vector<16xf32>,
      tpu.vector_store_idx %arg8[%get3A_31], %gather3A {add = true} : memref<10240xf32, #tpu.memory_space<vmem>>[vector<16xi32>], vector<16xf32>,
      %get3A_35 = arith.index_cast %while3A_28 : i32 to index
      %get3A_36 = arith.constant 16 : index
      %get3A_37 = tpu.vector_load %arg5[%get3A_35, %get3A_36] {strides = array<i32>} : memref<80x128xi32, #tpu.memory_space<vmem>>, vector<16xi32>,
      %get3A_38 = arith.index_cast %while3A_28 : i32 to index
      %get3A_39 = arith.constant 16 : index
      %get3A_40 = tpu.vector_load %arg6[%get3A_38, %get3A_39] {strides = array<i32>} : memref<80x128xi32, #tpu.memory_space<vmem>>, vector<16xi32>,
      %gather3A_41 = tpu.vector_load_idx %arg7[%get3A_40] : memref<10256xf32, #tpu.memory_space<vmem>>[vector<16xi32>], vector<16xf32>,
      tpu.vector_store_idx %arg8[%get3A_37], %gather3A_41 {add = true} : memref<10240xf32, #tpu.memory_space<vmem>>[vector<16xi32>], vector<16xf32>,
      %get3A_42 = arith.index_cast %while3A_28 : i32 to index
      %get3A_43 = arith.constant 32 : index
      %get3A_44 = tpu.vector_load %arg5[%get3A_42, %get3A_43] {strides = array<i32>} : memref<80x128xi32, #tpu.memory_space<vmem>>, vector<16xi32>,
      %get3A_45 = arith.index_cast %while3A_28 : i32 to index
      %get3A_46 = arith.constant 32 : index
      %get3A_47 = tpu.vector_load %arg6[%get3A_45, %get3A_46] {strides = array<i32>} : memref<80x128xi32, #tpu.memory_space<vmem>>, vector<16xi32>,
      %gather3A_48 = tpu.vector_load_idx %arg7[%get3A_47] : memref<10256xf32, #tpu.memory_space<vmem>>[vector<16xi32>], vector<16xf32>,
      tpu.vector_store_idx %arg8[%get3A_44], %gather3A_48 {add = true} : memref<10240xf32, #tpu.memory_space<vmem>>[vector<16xi32>], vector<16xf32>,
      %get3A_49 = arith.index_cast %while3A_28 : i32 to index
      %get3A_50 = arith.constant 48 : index
      %get3A_51 = tpu.vector_load %arg5[%get3A_49, %get3A_50] {strides = array<i32>} : memref<80x128xi32, #tpu.memory_space<vmem>>, vector<16xi32>,
      %get3A_52 = arith.index_cast %while3A_28 : i32 to index
      %get3A_53 = arith.constant 48 : index
      %get3A_54 = tpu.vector_load %arg6[%get3A_52, %get3A_53] {strides = array<i32>} : memref<80x128xi32, #tpu.memory_space<vmem>>, vector<16xi32>,
      %gather3A_55 = tpu.vector_load_idx %arg7[%get3A_54] : memref<10256xf32, #tpu.memory_space<vmem>>[vector<16xi32>], vector<16xf32>,
      tpu.vector_store_idx %arg8[%get3A_51], %gather3A_55 {add = true} : memref<10240xf32, #tpu.memory_space<vmem>>[vector<16xi32>], vector<16xf32>,
      %get3A_56 = arith.index_cast %while3A_28 : i32 to index
      %get3A_57 = arith.constant 64 : index
      %get3A_58 = tpu.vector_load %arg5[%get3A_56, %get3A_57] {strides = array<i32>} : memref<80x128xi32, #tpu.memory_space<vmem>>, vector<16xi32>,
      %get3A_59 = arith.index_cast %while3A_28 : i32 to index
      %get3A_60 = arith.constant 64 : index
      %get3A_61 = tpu.vector_load %arg6[%get3A_59, %get3A_60] {strides = array<i32>} : memref<80x128xi32, #tpu.memory_space<vmem>>, vector<16xi32>,
      %gather3A_62 = tpu.vector_load_idx %arg7[%get3A_61] : memref<10256xf32, #tpu.memory_space<vmem>>[vector<16xi32>], vector<16xf32>,
      tpu.vector_store_idx %arg8[%get3A_58], %gather3A_62 {add = true} : memref<10240xf32, #tpu.memory_space<vmem>>[vector<16xi32>], vector<16xf32>,
      %get3A_63 = arith.index_cast %while3A_28 : i32 to index
      %get3A_64 = arith.constant 80 : index
      %get3A_65 = tpu.vector_load %arg5[%get3A_63, %get3A_64] {strides = array<i32>} : memref<80x128xi32, #tpu.memory_space<vmem>>, vector<16xi32>,
      %get3A_66 = arith.index_cast %while3A_28 : i32 to index
      %get3A_67 = arith.constant 80 : index
      %get3A_68 = tpu.vector_load %arg6[%get3A_66, %get3A_67] {strides = array<i32>} : memref<80x128xi32, #tpu.memory_space<vmem>>, vector<16xi32>,
      %gather3A_69 = tpu.vector_load_idx %arg7[%get3A_68] : memref<10256xf32, #tpu.memory_space<vmem>>[vector<16xi32>], vector<16xf32>,
      tpu.vector_store_idx %arg8[%get3A_65], %gather3A_69 {add = true} : memref<10240xf32, #tpu.memory_space<vmem>>[vector<16xi32>], vector<16xf32>,
      %get3A_70 = arith.index_cast %while3A_28 : i32 to index
      %get3A_71 = arith.constant 96 : index
      %get3A_72 = tpu.vector_load %arg5[%get3A_70, %get3A_71] {strides = array<i32>} : memref<80x128xi32, #tpu.memory_space<vmem>>, vector<16xi32>,
      %get3A_73 = arith.index_cast %while3A_28 : i32 to index
      %get3A_74 = arith.constant 96 : index
      %get3A_75 = tpu.vector_load %arg6[%get3A_73, %get3A_74] {strides = array<i32>} : memref<80x128xi32, #tpu.memory_space<vmem>>, vector<16xi32>,
      %gather3A_76 = tpu.vector_load_idx %arg7[%get3A_75] : memref<10256xf32, #tpu.memory_space<vmem>>[vector<16xi32>], vector<16xf32>,
      tpu.vector_store_idx %arg8[%get3A_72], %gather3A_76 {add = true} : memref<10240xf32, #tpu.memory_space<vmem>>[vector<16xi32>], vector<16xf32>,
      %get3A_77 = arith.index_cast %while3A_28 : i32 to index
      %get3A_78 = arith.constant 112 : index
      %get3A_79 = tpu.vector_load %arg5[%get3A_77, %get3A_78] {strides = array<i32>} : memref<80x128xi32, #tpu.memory_space<vmem>>, vector<16xi32>,
      %get3A_80 = arith.index_cast %while3A_28 : i32 to index
      %get3A_81 = arith.constant 112 : index
      %get3A_82 = tpu.vector_load %arg6[%get3A_80, %get3A_81] {strides = array<i32>} : memref<80x128xi32, #tpu.memory_space<vmem>>, vector<16xi32>,
      %gather3A_83 = tpu.vector_load_idx %arg7[%get3A_82] : memref<10256xf32, #tpu.memory_space<vmem>>[vector<16xi32>], vector<16xf32>,
      tpu.vector_store_idx %arg8[%get3A_79], %gather3A_83 {add = true} : memref<10240xf32, #tpu.memory_space<vmem>>[vector<16xi32>], vector<16xf32>,
      %while3A_84 = arith.constant 0 : i32
      scf.yield %while3A_84 : i32
    }
    %while3A_26 = arith.constant 1 : i32
    %while3A_27 = scf.for %while3A_28 = %while3A_23 to %while3A_19 step %while3A_26 iter_args(%while3A_29 = %while3A_25) -> (i32)  : i32 {
      %get3A = arith.index_cast %while3A_28 : i32 to index
      %get3A_30 = arith.constant 0 : index
      %get3A_31 = tpu.vector_load %arg5[%get3A, %get3A_30] {strides = array<i32>} : memref<80x128xi32, #tpu.memory_space<vmem>>, vector<16xi32>,
      %get3A_32 = arith.index_cast %while3A_28 : i32 to index
      %get3A_33 = arith.constant 0 : index
      %get3A_34 = tpu.vector_load %arg6[%get3A_32, %get3A_33] {strides = array<i32>} : memref<80x128xi32, #tpu.memory_space<vmem>>, vector<16xi32>,
      %gather3A = tpu.vector_load_idx %arg7[%get3A_34] : memref<10256xf32, #tpu.memory_space<vmem>>[vector<16xi32>], vector<16xf32>,
      tpu.vector_store_idx %arg8[%get3A_31], %gather3A {add = true} : memref<10240xf32, #tpu.memory_space<vmem>>[vector<16xi32>], vector<16xf32>,
      %get3A_35 = arith.index_cast %while3A_28 : i32 to index
      %get3A_36 = arith.constant 16 : index
      %get3A_37 = tpu.vector_load %arg5[%get3A_35, %get3A_36] {strides = array<i32>} : memref<80x128xi32, #tpu.memory_space<vmem>>, vector<16xi32>,
      %get3A_38 = arith.index_cast %while3A_28 : i32 to index
      %get3A_39 = arith.constant 16 : index
      %get3A_40 = tpu.vector_load %arg6[%get3A_38, %get3A_39] {strides = array<i32>} : memref<80x128xi32, #tpu.memory_space<vmem>>, vector<16xi32>,
      %gather3A_41 = tpu.vector_load_idx %arg7[%get3A_40] : memref<10256xf32, #tpu.memory_space<vmem>>[vector<16xi32>], vector<16xf32>,
      tpu.vector_store_idx %arg8[%get3A_37], %gather3A_41 {add = true} : memref<10240xf32, #tpu.memory_space<vmem>>[vector<16xi32>], vector<16xf32>,
      %get3A_42 = arith.index_cast %while3A_28 : i32 to index
      %get3A_43 = arith.constant 32 : index
      %get3A_44 = tpu.vector_load %arg5[%get3A_42, %get3A_43] {strides = array<i32>} : memref<80x128xi32, #tpu.memory_space<vmem>>, vector<16xi32>,
      %get3A_45 = arith.index_cast %while3A_28 : i32 to index
      %get3A_46 = arith.constant 32 : index
      %get3A_47 = tpu.vector_load %arg6[%get3A_45, %get3A_46] {strides = array<i32>} : memref<80x128xi32, #tpu.memory_space<vmem>>, vector<16xi32>,
      %gather3A_48 = tpu.vector_load_idx %arg7[%get3A_47] : memref<10256xf32, #tpu.memory_space<vmem>>[vector<16xi32>], vector<16xf32>,
      tpu.vector_store_idx %arg8[%get3A_44], %gather3A_48 {add = true} : memref<10240xf32, #tpu.memory_space<vmem>>[vector<16xi32>], vector<16xf32>,
      %get3A_49 = arith.index_cast %while3A_28 : i32 to index
      %get3A_50 = arith.constant 48 : index
      %get3A_51 = tpu.vector_load %arg5[%get3A_49, %get3A_50] {strides = array<i32>} : memref<80x128xi32, #tpu.memory_space<vmem>>, vector<16xi32>,
      %get3A_52 = arith.index_cast %while3A_28 : i32 to index
      %get3A_53 = arith.constant 48 : index
      %get3A_54 = tpu.vector_load %arg6[%get3A_52, %get3A_53] {strides = array<i32>} : memref<80x128xi32, #tpu.memory_space<vmem>>, vector<16xi32>,
      %gather3A_55 = tpu.vector_load_idx %arg7[%get3A_54] : memref<10256xf32, #tpu.memory_space<vmem>>[vector<16xi32>], vector<16xf32>,
      tpu.vector_store_idx %arg8[%get3A_51], %gather3A_55 {add = true} : memref<10240xf32, #tpu.memory_space<vmem>>[vector<16xi32>], vector<16xf32>,
      %get3A_56 = arith.index_cast %while3A_28 : i32 to index
      %get3A_57 = arith.constant 64 : index
      %get3A_58 = tpu.vector_load %arg5[%get3A_56, %get3A_57] {strides = array<i32>} : memref<80x128xi32, #tpu.memory_space<vmem>>, vector<16xi32>,
      %get3A_59 = arith.index_cast %while3A_28 : i32 to index
      %get3A_60 = arith.constant 64 : index
      %get3A_61 = tpu.vector_load %arg6[%get3A_59, %get3A_60] {strides = array<i32>} : memref<80x128xi32, #tpu.memory_space<vmem>>, vector<16xi32>,
      %gather3A_62 = tpu.vector_load_idx %arg7[%get3A_61] : memref<10256xf32, #tpu.memory_space<vmem>>[vector<16xi32>], vector<16xf32>,
      tpu.vector_store_idx %arg8[%get3A_58], %gather3A_62 {add = true} : memref<10240xf32, #tpu.memory_space<vmem>>[vector<16xi32>], vector<16xf32>,
      %get3A_63 = arith.index_cast %while3A_28 : i32 to index
      %get3A_64 = arith.constant 80 : index
      %get3A_65 = tpu.vector_load %arg5[%get3A_63, %get3A_64] {strides = array<i32>} : memref<80x128xi32, #tpu.memory_space<vmem>>, vector<16xi32>,
      %get3A_66 = arith.index_cast %while3A_28 : i32 to index
      %get3A_67 = arith.constant 80 : index
      %get3A_68 = tpu.vector_load %arg6[%get3A_66, %get3A_67] {strides = array<i32>} : memref<80x128xi32, #tpu.memory_space<vmem>>, vector<16xi32>,
      %gather3A_69 = tpu.vector_load_idx %arg7[%get3A_68] : memref<10256xf32, #tpu.memory_space<vmem>>[vector<16xi32>], vector<16xf32>,
      tpu.vector_store_idx %arg8[%get3A_65], %gather3A_69 {add = true} : memref<10240xf32, #tpu.memory_space<vmem>>[vector<16xi32>], vector<16xf32>,
      %get3A_70 = arith.index_cast %while3A_28 : i32 to index
      %get3A_71 = arith.constant 96 : index
      %get3A_72 = tpu.vector_load %arg5[%get3A_70, %get3A_71] {strides = array<i32>} : memref<80x128xi32, #tpu.memory_space<vmem>>, vector<16xi32>,
      %get3A_73 = arith.index_cast %while3A_28 : i32 to index
      %get3A_74 = arith.constant 96 : index
      %get3A_75 = tpu.vector_load %arg6[%get3A_73, %get3A_74] {strides = array<i32>} : memref<80x128xi32, #tpu.memory_space<vmem>>, vector<16xi32>,
      %gather3A_76 = tpu.vector_load_idx %arg7[%get3A_75] : memref<10256xf32, #tpu.memory_space<vmem>>[vector<16xi32>], vector<16xf32>,
      tpu.vector_store_idx %arg8[%get3A_72], %gather3A_76 {add = true} : memref<10240xf32, #tpu.memory_space<vmem>>[vector<16xi32>], vector<16xf32>,
      %get3A_77 = arith.index_cast %while3A_28 : i32 to index
      %get3A_78 = arith.constant 112 : index
      %get3A_79 = tpu.vector_load %arg5[%get3A_77, %get3A_78] {strides = array<i32>} : memref<80x128xi32, #tpu.memory_space<vmem>>, vector<16xi32>,
      %get3A_80 = arith.index_cast %while3A_28 : i32 to index
      %get3A_81 = arith.constant 112 : index
      %get3A_82 = tpu.vector_load %arg6[%get3A_80, %get3A_81] {strides = array<i32>} : memref<80x128xi32, #tpu.memory_space<vmem>>, vector<16xi32>,
      %gather3A_83 = tpu.vector_load_idx %arg7[%get3A_82] : memref<10256xf32, #tpu.memory_space<vmem>>[vector<16xi32>], vector<16xf32>,
      tpu.vector_store_idx %arg8[%get3A_79], %gather3A_83 {add = true} : memref<10240xf32, #tpu.memory_space<vmem>>[vector<16xi32>], vector<16xf32>,
      %while3A_84 = arith.constant 0 : i32
      scf.yield %while3A_84 : i32
    }
    "tpu.region"() ({
      %run_scoped3A_28 = tpu.sem_alloc : memref<!tpu.dma_semaphore, #tpu.memory_space<semaphore_mem>>
      %dma_start3A = arith.constant 0 : i32
      %dma_start3A_29 = tpu.memref_slice %arg4[%add3A, %dma_start3A] : memref<32x10240xf32, #tpu.memory_space<hbm>> -> memref<1x10240xf32, #tpu.memory_space<hbm>>
      %dma_start3A_30 = tpu.memref_squeeze %dma_start3A_29 : memref<1x10240xf32, #tpu.memory_space<hbm>> -> memref<10240xf32, #tpu.memory_space<hbm>>
      %dma_start3A_31 = arith.constant 0 : i32
      %dma_start3A_32 = tpu.memref_slice %arg4[%add3A, %dma_start3A_31] : memref<32x10240xf32, #tpu.memory_space<hbm>> -> memref<1x10240xf32, #tpu.memory_space<hbm>>
      %dma_start3A_33 = tpu.memref_squeeze %dma_start3A_32 : memref<1x10240xf32, #tpu.memory_space<hbm>> -> memref<10240xf32, #tpu.memory_space<hbm>>
      tpu.enqueue_dma source(%arg8 : memref<10240xf32, #tpu.memory_space<vmem>>) target(%dma_start3A_33 : memref<10240xf32, #tpu.memory_space<hbm>>) target_semaphore(%run_scoped3A_28 : memref<!tpu.dma_semaphore, #tpu.memory_space<semaphore_mem>>)
      %dma_wait3A = arith.constant 0 : i32
      %dma_wait3A_34 = tpu.memref_slice %arg4[%add3A, %dma_wait3A] : memref<32x10240xf32, #tpu.memory_space<hbm>> -> memref<1x10240xf32, #tpu.memory_space<hbm>>
      %dma_wait3A_35 = tpu.memref_squeeze %dma_wait3A_34 : memref<1x10240xf32, #tpu.memory_space<hbm>> -> memref<10240xf32, #tpu.memory_space<hbm>>
      %dma_wait3A_36 = arith.constant 0 : i32
      %dma_wait3A_37 = tpu.memref_slice %arg4[%add3A, %dma_wait3A_36] : memref<32x10240xf32, #tpu.memory_space<hbm>> -> memref<1x10240xf32, #tpu.memory_space<hbm>>
      %dma_wait3A_38 = tpu.memref_squeeze %dma_wait3A_37 : memref<1x10240xf32, #tpu.memory_space<hbm>> -> memref<10240xf32, #tpu.memory_space<hbm>>
      tpu.wait_dma2 semaphore(%run_scoped3A_28 : memref<!tpu.dma_semaphore, #tpu.memory_space<semaphore_mem>>) src(%arg8 : memref<10240xf32, #tpu.memory_space<vmem>>) dst(%dma_wait3A_38 : memref<10240xf32, #tpu.memory_space<hbm>>)
      tpu.yield
    }) : () -> ()
    return
  }
}

module attributes {stable_mosaic.version = 14 : i64} {
  func.func @_norm_body(%arg0: i32, %arg1: memref<2x32x2048xf32, #tpu.memory_space<vmem>>, %arg2: memref<2048x128xf32, #tpu.memory_space<vmem>>, %arg3: memref<2x2048xf32, #tpu.memory_space<vmem>>, %arg4: memref<2048x128xf32, #tpu.memory_space<vmem>>) attributes {dimension_semantics = [#tpu.dimension_semantics<arbitrary>], iteration_bounds = array<i64: 5>, scalar_prefetch = 0 : i64, scratch_operands = 0 : i64, tpu.core_type = #tpu.core_type<tc>, window_params = [{transform_indices = @transform_0, window_bounds = array<i64: 2, 32, 2048>}, {transform_indices = @transform_1, window_bounds = array<i64: 2048, 128>}, {transform_indices = @transform_2, window_bounds = array<i64: 2, 2048>}, {transform_indices = @transform_3, window_bounds = array<i64: 2048, 128>}]} {
    %get3A = arith.constant 0 : index
    %get3A_0 = arith.constant 0 : index
    %get3A_1 = arith.constant 0 : index
    %get3A_2 = vector.load %arg1[%get3A, %get3A_0, %get3A_1] : memref<2x32x2048xf32, #tpu.memory_space<vmem>>, vector<2x32x2048xf32>
    %reduce_sum3A = arith.constant dense<0.000000e+00> : vector<2x2048xf32>
    %reduce_sum3A_3 = vector.multi_reduction <add>, %get3A_2, %reduce_sum3A [1] : vector<2x32x2048xf32> to vector<2x2048xf32>
    %max3A = arith.constant 1.000000e+00 : f32
    %max3A_4 = vector.broadcast %max3A : f32 to vector<2x2048xf32>
    %max3A_5 = arith.maximumf %reduce_sum3A_3, %max3A_4 : vector<2x2048xf32>
    %rsqrt3A = math.rsqrt %max3A_5 : vector<2x2048xf32>
    %swap3A = arith.constant 0 : index
    %swap3A_6 = arith.constant 0 : index
    %swap3A_7 = vector.load %arg3[%swap3A, %swap3A_6] : memref<2x2048xf32, #tpu.memory_space<vmem>>, vector<2x2048xf32>
    tpu.vector_store %arg3[%swap3A, %swap3A_6], %rsqrt3A {strides = array<i32>} : memref<2x2048xf32, #tpu.memory_space<vmem>>, vector<2x2048xf32>,
    %get3A_8 = arith.constant 0 : index
    %get3A_9 = arith.constant 0 : index
    %get3A_10 = vector.load %arg2[%get3A_8, %get3A_9] : memref<2048x128xf32, #tpu.memory_space<vmem>>, vector<2048x128xf32>
    %slice3A = vector.extract_strided_slice %rsqrt3A {offsets = [0, 0], sizes = [1, 2048], strides = [1, 1]} : vector<2x2048xf32> to vector<1x2048xf32>
    %squeeze3A = vector.shape_cast %slice3A : vector<1x2048xf32> to vector<2048xf32>
    %broadcast_in_dim3A = vector.shape_cast %squeeze3A : vector<2048xf32> to vector<2048x1xf32>
    %mul3A = vector.broadcast %broadcast_in_dim3A : vector<2048x1xf32> to vector<2048x128xf32>
    %mul3A_11 = arith.mulf %get3A_10, %mul3A : vector<2048x128xf32>
    %swap3A_12 = arith.constant 0 : index
    %swap3A_13 = arith.constant 0 : index
    %swap3A_14 = vector.load %arg4[%swap3A_12, %swap3A_13] : memref<2048x128xf32, #tpu.memory_space<vmem>>, vector<2048x128xf32>
    tpu.vector_store %arg4[%swap3A_12, %swap3A_13], %mul3A_11 {strides = array<i32>} : memref<2048x128xf32, #tpu.memory_space<vmem>>, vector<2048x128xf32>,
    return
  }
  func.func @transform_0(%arg0: i32) -> (i32, i32, i32) {
    %c0_i32 = arith.constant 0 : i32
    %c0_i32_0 = arith.constant 0 : i32
    %c0_i32_1 = arith.constant 0 : i32
    return %c0_i32, %c0_i32_0, %arg0 : i32, i32, i32
  }
  func.func @transform_1(%arg0: i32) -> (i32, i32) {
    %c0_i32 = arith.constant 0 : i32
    %c0_i32_0 = arith.constant 0 : i32
    return %arg0, %c0_i32 : i32, i32
  }
  func.func @transform_2(%arg0: i32) -> (i32, i32) {
    %c0_i32 = arith.constant 0 : i32
    %c0_i32_0 = arith.constant 0 : i32
    return %c0_i32, %arg0 : i32, i32
  }
  func.func @transform_3(%arg0: i32) -> (i32, i32) {
    %c0_i32 = arith.constant 0 : i32
    %c0_i32_0 = arith.constant 0 : i32
    return %arg0, %c0_i32 : i32, i32
  }
}

module attributes {stable_mosaic.version = 14 : i64} {
  func.func @_finish_body(%arg0: i32, %arg1: memref<2x512x128xf32, #tpu.memory_space<vmem>>, %arg2: memref<512x1xf32, #tpu.memory_space<vmem>>, %arg3: memref<512x1xf32, #tpu.memory_space<vmem>>, %arg4: memref<32x512xf32, #tpu.memory_space<vmem>>, %arg5: memref<128x128xf32, #tpu.memory_space<vmem>>, %arg6: memref<1x128xf32, #tpu.memory_space<vmem>>, %arg7: memref<128x128xf32, #tpu.memory_space<vmem>>, %arg8: memref<1x128xf32, #tpu.memory_space<vmem>>, %arg9: memref<1x128xf32, #tpu.memory_space<vmem>>, %arg10: memref<1x128xf32, #tpu.memory_space<vmem>>) attributes {dimension_semantics = [#tpu.dimension_semantics<arbitrary>], iteration_bounds = array<i64: 20>, scalar_prefetch = 0 : i64, scratch_operands = 1 : i64, tpu.core_type = #tpu.core_type<tc>, window_params = [{transform_indices = @transform_0, window_bounds = array<i64: 2, 512, 128>}, {transform_indices = @transform_1, window_bounds = array<i64: 512, 1>}, {transform_indices = @transform_2, window_bounds = array<i64: 512, 1>}, {transform_indices = @transform_3, window_bounds = array<i64: 32, 512>}, {pipeline_mode = #tpu.pipeline_mode<synchronous>, transform_indices = @transform_4, window_bounds = array<i64: 128, 128>}, {pipeline_mode = #tpu.pipeline_mode<synchronous>, transform_indices = @transform_5, window_bounds = array<i64: 1, 128>}, {pipeline_mode = #tpu.pipeline_mode<synchronous>, transform_indices = @transform_6, window_bounds = array<i64: 128, 128>}, {pipeline_mode = #tpu.pipeline_mode<synchronous>, transform_indices = @transform_7, window_bounds = array<i64: 1, 128>}, {pipeline_mode = #tpu.pipeline_mode<synchronous>, transform_indices = @transform_8, window_bounds = array<i64: 1, 128>}]} {
    %eq3A = arith.constant 0 : i32
    %eq3A_0 = arith.cmpi eq, %arg0, %eq3A : i32
    %convert_element_type3A = arith.extui %eq3A_0 : i1 to i32
    %cond3A = arith.constant 0 : i32
    %cond3A_1 = arith.cmpi ne, %convert_element_type3A, %cond3A : i32
    scf.if %cond3A_1 {
      %broadcast_in_dim3A_48 = arith.constant 0.000000e+00 : f32
      %broadcast_in_dim3A_49 = vector.broadcast %broadcast_in_dim3A_48 : f32 to vector<1x128xf32>
      %swap3A_50 = arith.constant 0 : index
      %swap3A_51 = arith.constant 0 : index
      %swap3A_52 = vector.load %arg10[%swap3A_50, %swap3A_51] : memref<1x128xf32, #tpu.memory_space<vmem>>, vector<1x128xf32>
      tpu.vector_store %arg10[%swap3A_50, %swap3A_51], %broadcast_in_dim3A_49 {strides = array<i32>} : memref<1x128xf32, #tpu.memory_space<vmem>>, vector<1x128xf32>,
    } else {
    }
    %get3A = arith.constant 0 : index
    %get3A_2 = arith.constant 0 : index
    %get3A_3 = arith.constant 0 : index
    %get3A_4 = vector.load %arg1[%get3A, %get3A_2, %get3A_3] : memref<2x512x128xf32, #tpu.memory_space<vmem>>, vector<1x512x128xf32>
    %get3A_5 = vector.shape_cast %get3A_4 : vector<1x512x128xf32> to vector<512x128xf32>
    %get3A_6 = arith.constant 1 : index
    %get3A_7 = arith.constant 0 : index
    %get3A_8 = arith.constant 0 : index
    %get3A_9 = vector.load %arg1[%get3A_6, %get3A_7, %get3A_8] : memref<2x512x128xf32, #tpu.memory_space<vmem>>, vector<1x512x128xf32>
    %get3A_10 = vector.shape_cast %get3A_9 : vector<1x512x128xf32> to vector<512x128xf32>
    %add3A = arith.addf %get3A_5, %get3A_10 : vector<512x128xf32>
    %get3A_11 = arith.constant 0 : index
    %get3A_12 = arith.constant 0 : index
    %get3A_13 = vector.load %arg2[%get3A_11, %get3A_12] : memref<512x1xf32, #tpu.memory_space<vmem>>, vector<512x1xf32>
    %mul3A = vector.broadcast %get3A_13 : vector<512x1xf32> to vector<512x128xf32>
    %mul3A_14 = arith.mulf %add3A, %mul3A : vector<512x128xf32>
    %get3A_15 = arith.constant 0 : index
    %get3A_16 = arith.constant 0 : index
    %get3A_17 = vector.load %arg5[%get3A_15, %get3A_16] : memref<128x128xf32, #tpu.memory_space<vmem>>, vector<128x128xf32>
    %dot_general3A = arith.constant dense<0.000000e+00> : vector<512x128xf32>
    %dot_general3A_18 = tpu.matmul %mul3A_14, %get3A_17, %dot_general3A {dimension_numbers = #tpu.dot_dimension_numbers<[1], [0], [0], [1], [0, 0, 1, 1], [], []>, precision = #tpu.contract_precision<fp32>, transpose_lhs_hint = false} : vector<512x128xf32>, vector<128x128xf32>, vector<512x128xf32> -> vector<512x128xf32>
    %get3A_19 = arith.constant 0 : index
    %get3A_20 = arith.constant 0 : index
    %get3A_21 = vector.load %arg6[%get3A_19, %get3A_20] : memref<1x128xf32, #tpu.memory_space<vmem>>, vector<1x128xf32>
    %add3A_22 = vector.broadcast %get3A_21 : vector<1x128xf32> to vector<512x128xf32>
    %add3A_23 = arith.addf %dot_general3A_18, %add3A_22 : vector<512x128xf32>
    %max3A = arith.constant 0.000000e+00 : f32
    %max3A_24 = vector.broadcast %max3A : f32 to vector<512x128xf32>
    %max3A_25 = arith.maximumf %add3A_23, %max3A_24 : vector<512x128xf32>
    %get3A_26 = arith.constant 0 : index
    %get3A_27 = arith.constant 0 : index
    %get3A_28 = vector.load %arg3[%get3A_26, %get3A_27] : memref<512x1xf32, #tpu.memory_space<vmem>>, vector<512x1xf32>
    %mul3A_29 = vector.broadcast %get3A_28 : vector<512x1xf32> to vector<512x128xf32>
    %mul3A_30 = arith.mulf %max3A_25, %mul3A_29 : vector<512x128xf32>
    %get3A_31 = arith.constant 0 : index
    %get3A_32 = arith.constant 0 : index
    %get3A_33 = vector.load %arg4[%get3A_31, %get3A_32] : memref<32x512xf32, #tpu.memory_space<vmem>>, vector<32x512xf32>
    %reduce_sum3A = arith.constant dense<0.000000e+00> : vector<512xf32>
    %reduce_sum3A_34 = vector.multi_reduction <add>, %get3A_33, %reduce_sum3A [0] : vector<32x512xf32> to vector<512xf32>
    %broadcast_in_dim3A = vector.shape_cast %reduce_sum3A_34 : vector<512xf32> to vector<1x512xf32>
    %get3A_35 = arith.constant 0 : index
    %get3A_36 = arith.constant 0 : index
    %get3A_37 = vector.load %arg10[%get3A_35, %get3A_36] : memref<1x128xf32, #tpu.memory_space<vmem>>, vector<1x128xf32>
    %dot_general3A_38 = arith.constant dense<0.000000e+00> : vector<1x128xf32>
    %dot_general3A_39 = tpu.matmul %broadcast_in_dim3A, %mul3A_30, %dot_general3A_38 {dimension_numbers = #tpu.dot_dimension_numbers<[1], [0], [0], [1], [0, 0, 1, 1], [], []>, precision = #tpu.contract_precision<fp32>, transpose_lhs_hint = false} : vector<1x512xf32>, vector<512x128xf32>, vector<1x128xf32> -> vector<1x128xf32>
    %add3A_40 = arith.addf %get3A_37, %dot_general3A_39 : vector<1x128xf32>
    %swap3A = arith.constant 0 : index
    %swap3A_41 = arith.constant 0 : index
    %swap3A_42 = vector.load %arg10[%swap3A, %swap3A_41] : memref<1x128xf32, #tpu.memory_space<vmem>>, vector<1x128xf32>
    tpu.vector_store %arg10[%swap3A, %swap3A_41], %add3A_40 {strides = array<i32>} : memref<1x128xf32, #tpu.memory_space<vmem>>, vector<1x128xf32>,
    %eq3A_43 = arith.constant 19 : i32
    %eq3A_44 = arith.cmpi eq, %arg0, %eq3A_43 : i32
    %convert_element_type3A_45 = arith.extui %eq3A_44 : i1 to i32
    %cond3A_46 = arith.constant 0 : i32
    %cond3A_47 = arith.cmpi ne, %convert_element_type3A_45, %cond3A_46 : i32
    scf.if %cond3A_47 {
      %get3A_48 = arith.constant 0 : index
      %get3A_49 = arith.constant 0 : index
      %get3A_50 = vector.load %arg10[%get3A_48, %get3A_49] : memref<1x128xf32, #tpu.memory_space<vmem>>, vector<1x128xf32>
      %mul3A_51 = arith.constant 9.99999974E-5 : f32
      %mul3A_52 = vector.broadcast %mul3A_51 : f32 to vector<1x128xf32>
      %mul3A_53 = arith.mulf %get3A_50, %mul3A_52 : vector<1x128xf32>
      %get3A_54 = arith.constant 0 : index
      %get3A_55 = arith.constant 0 : index
      %get3A_56 = vector.load %arg7[%get3A_54, %get3A_55] : memref<128x128xf32, #tpu.memory_space<vmem>>, vector<128x128xf32>
      %dot_general3A_57 = arith.constant dense<0.000000e+00> : vector<1x128xf32>
      %dot_general3A_58 = tpu.matmul %mul3A_53, %get3A_56, %dot_general3A_57 {dimension_numbers = #tpu.dot_dimension_numbers<[1], [0], [0], [1], [0, 0, 1, 1], [], []>, precision = #tpu.contract_precision<fp32>, transpose_lhs_hint = false} : vector<1x128xf32>, vector<128x128xf32>, vector<1x128xf32> -> vector<1x128xf32>
      %get3A_59 = arith.constant 0 : index
      %get3A_60 = arith.constant 0 : index
      %get3A_61 = vector.load %arg8[%get3A_59, %get3A_60] : memref<1x128xf32, #tpu.memory_space<vmem>>, vector<1x128xf32>
      %add3A_62 = arith.addf %dot_general3A_58, %get3A_61 : vector<1x128xf32>
      %swap3A_63 = arith.constant 0 : index
      %swap3A_64 = arith.constant 0 : index
      %swap3A_65 = vector.load %arg9[%swap3A_63, %swap3A_64] : memref<1x128xf32, #tpu.memory_space<vmem>>, vector<1x128xf32>
      tpu.vector_store %arg9[%swap3A_63, %swap3A_64], %add3A_62 {strides = array<i32>} : memref<1x128xf32, #tpu.memory_space<vmem>>, vector<1x128xf32>,
    } else {
    }
    return
  }
  func.func @transform_0(%arg0: i32) -> (i32, i32, i32) {
    %c0_i32 = arith.constant 0 : i32
    %c0_i32_0 = arith.constant 0 : i32
    %c0_i32_1 = arith.constant 0 : i32
    return %c0_i32, %arg0, %c0_i32_0 : i32, i32, i32
  }
  func.func @transform_1(%arg0: i32) -> (i32, i32) {
    %c0_i32 = arith.constant 0 : i32
    %c0_i32_0 = arith.constant 0 : i32
    return %arg0, %c0_i32 : i32, i32
  }
  func.func @transform_2(%arg0: i32) -> (i32, i32) {
    %c0_i32 = arith.constant 0 : i32
    %c0_i32_0 = arith.constant 0 : i32
    return %arg0, %c0_i32 : i32, i32
  }
  func.func @transform_3(%arg0: i32) -> (i32, i32) {
    %c0_i32 = arith.constant 0 : i32
    %c0_i32_0 = arith.constant 0 : i32
    return %c0_i32, %arg0 : i32, i32
  }
  func.func @transform_4(%arg0: i32) -> (i32, i32) {
    %c0_i32 = arith.constant 0 : i32
    %c0_i32_0 = arith.constant 0 : i32
    %c0_i32_1 = arith.constant 0 : i32
    return %c0_i32, %c0_i32_0 : i32, i32
  }
  func.func @transform_5(%arg0: i32) -> (i32, i32) {
    %c0_i32 = arith.constant 0 : i32
    %c0_i32_0 = arith.constant 0 : i32
    %c0_i32_1 = arith.constant 0 : i32
    return %c0_i32, %c0_i32_0 : i32, i32
  }
  func.func @transform_6(%arg0: i32) -> (i32, i32) {
    %c0_i32 = arith.constant 0 : i32
    %c0_i32_0 = arith.constant 0 : i32
    %c0_i32_1 = arith.constant 0 : i32
    return %c0_i32, %c0_i32_0 : i32, i32
  }
  func.func @transform_7(%arg0: i32) -> (i32, i32) {
    %c0_i32 = arith.constant 0 : i32
    %c0_i32_0 = arith.constant 0 : i32
    %c0_i32_1 = arith.constant 0 : i32
    return %c0_i32, %c0_i32_0 : i32, i32
  }
  func.func @transform_8(%arg0: i32) -> (i32, i32) {
    %c0_i32 = arith.constant 0 : i32
    %c0_i32_0 = arith.constant 0 : i32
    %c0_i32_1 = arith.constant 0 : i32
    return %c0_i32, %c0_i32_0 : i32, i32
  }
}

</mosaic_0001>

<sc_bundles>
// kernel: kernel.10.cloned.1.call-start
scs
__scs_entry_jumppad:
0x0: {  	(pc) =	sbr.rel $0x88, $3  }
0x1: {  	(tag) =	ssettag $0x0;
	lr =	simm.s32 $0x1  }
0x2: {  	[smem:$0x3F9B] =	sst lr;
	_ =	strace $0xD0000000  }
0x3: {  	_ = 	snop  }
0x4: {  	_ = 	snop  }
0x5: {  	_ = 	snop  }
0x6: {  	_ = 	snop  }
0x7: {  	_ = 	snop  }
__scs_overlays_trampoline_lowered:
0x8: {  	[smem:$0x3FAA] =	sst s0  }
0x9: {  	[smem:$0x3FAB] =	sst s1  }
0xa: {  	[smem:$0x3FAC] =	sst s2  }
0xb: {  	[smem:$0x3FAD] =	sst s3  }
0xc: {  	[smem:$0x3FAE] =	sst s4  }
0xd: {  	[smem:$0x3FAF] =	sst s5  }
0xe: {  	[smem:$0x3FB0] =	sst s6  }
0xf: {  	[smem:$0x3FB1] =	sst s7  }
0x10: {  	[smem:$0x3FB2] =	sst s8  }
0x11: {  	[smem:$0x3FB3] =	sst s9;
	s0 =	simm.s32 @!p0 $0x0  }
0x12: {  	s1 =	sld [smem:$0x3F99];
	s0 =	simm.s32 @p0 $0x1  }
0x13: {  	[smem:$0x3FB4] =	sst s0;
	s0 =	simm.s32 @!p1 $0x0  }
0x14: {  	s2 =	sld [smem:$0x3F98];
	s0 =	simm.s32 @p1 $0x1  }
0x15: {  	[smem:$0x3FB5] =	sst s0;
	s0 =	simm.s32 @!p2 $0x0  }
0x16: {  	s3 =	sld [smem:$0x3FDB];
	s0 =	simm.s32 @p2 $0x1  }
0x17: {  	s4 =	simm.s32 $0x1BF5;
	[smem:$0x3FB7] =	sst s0  }
0x18: {  	s0 =	sld [smem:$0x3F9A];
	_ =	swait.ge [sflag:s4], $0x0  }
0x19: {  	s7 =	sld [smem:$0x3F9B]  }
0x1a: {  	s8 =	sadd.s32 $0xFFFFE003, lr  }
0x1b: {  	s9 =	sadd.s32 $0xFFFFFEF7, lr;
	s5 =	simm.s32 $0xFFFFFFFF;
	p2 =	slt.u32 s8, $0xFFFFF086  }
0x1c: {  	p1 =	slt.u32 s9, $0xF7A;
	s5 =	simm.s32 @!p2 $0x0  }
0x1d: {  	s5 =	simm.s32 @p1 $0x1;
	p0 =	seq.s32 s7, s2  }
0x1e: {  	s7 =	smul.u32 @!p0 $0xF7A, s2;
	p2 =	seq.s32 @!p0 s5, $0x0  }
0x1f: {  	s9 =	smul.u32 $0xF7A, s1;
	s8 =	simm.s32 @!p0 $0x1BF5;
	p2 =	por !p2, p0  }
0x20: {  	[sflag:s8] =	ssyncset.s32 @!p0 $0xFFFFF086;
	s6 =	sadd.s32 @!p0 s3, s7;
	s7 =	simm.s32 @!p0 $0x108  }
0x21: {  	s3 =	sadd.s32 s3, s9;
	s6 =	sadd.s32 @!p0 $0x88, s6;
	s7 =	simm.s32 @p2 $0x1082  }
0x22: {  	[simem:s7], [sflag:s8] =	dma.local @!p0 [hbm:s6], $0xF7A  }
0x23: {  	s9 =	sor.u32 $0xD0000000, s2;
	s6 =	simm.s32 $0x108;
	_ =	swait.ge @!p0 [sflag:s8], $0x0  }
0x24: {  	s3 =	sadd.s32 $0x88, s3;
	s6 =	simm.s32 @!p1 $0x1082;
	[sflag:s4] =	ssyncset.s32 $0xFFFFF086  }
0x25: {  	[simem:s6], [sflag:s4] =	dma.local [hbm:s3], $0xF7A  }
0x26: {  	[smem:$0x3F9B] =	sst s1;
	(tag) =	ssettag s2;
	_ =	strace s9  }
0x27: {  	s1 =	sld [smem:$0x3FAB]  }
0x28: {  	s2 =	sld [smem:$0x3FAC]  }
0x29: {  	s4 =	sld [smem:$0x3FAE]  }
0x2a: {  	p0 =	seq.s32 s5, $0x0;
	s5 =	sld [smem:$0x3FAF]  }
0x2b: {  	s6 =	sld [smem:$0x3FB0]  }
0x2c: {  	s7 =	sld [smem:$0x3FB1]  }
0x2d: {  	s3 =	simm.s32 $0x108;
	s8 =	sld [smem:$0x3FB2]  }
0x2e: {  	s3 =	simm.s32 @!p0 $0x1082;
	s9 =	sld [smem:$0x3FB3]  }
0x2f: {  	lr =	sadd.s32 s0, s3;
	s0 =	sld [smem:$0x3FAA]  }
0x30: {  	s3 =	sld [smem:$0x3FAD]  }
0x31: {  	[smem:$0x3FB6] =	sst s10  }
0x32: {  	s10 =	sld [smem:$0x3FB4];
	_ =	sdelay $0x3  }
0x33: {  	p0 =	seq.s32 s10, $0x1;
	s10 =	sld [smem:$0x3FB6];
	_ =	sdelay $0x3  }
0x34: {  	[smem:$0x3FB6] =	sst s10  }
0x35: {  	s10 =	sld [smem:$0x3FB5];
	_ =	sdelay $0x3  }
0x36: {  	p1 =	seq.s32 s10, $0x1;
	s10 =	sld [smem:$0x3FB6];
	_ =	sdelay $0x3  }
0x37: {  	[smem:$0x3FB6] =	sst s10  }
0x38: {  	s10 =	sld [smem:$0x3FB7]  }
0x39: {  	_ = 	snop;
	(pc) =	sbr.ind lr, $3  }
0x3a: {  	_ = 	snop  }
0x3b: {  	_ = 	snop  }
0x3c: {  	p2 =	seq.s32 s10, $0x1;
	s10 =	sld [smem:$0x3FB6]  }
0x3d: {  	_ =	shalt  }
0x3e: {  	_ =	shalt  }
0x3f: {  	_ =	shalt  }
0x40: {  	_ =	shalt  }
0x41: {  	_ =	shalt  }
0x42: {  	_ =	shalt  }
0x43: {  	_ =	shalt  }
0x44: {  	_ =	shalt  }
0x45: {  	_ =	shalt  }
0x46: {  	_ =	shalt  }
0x47: {  	_ =	shalt  }
0x48: {  	_ =	shalt  }
0x49: {  	_ =	shalt  }
0x4a: {  	_ =	shalt  }
0x4b: {  	_ =	shalt  }
0x4c: {  	_ =	shalt  }
0x4d: {  	_ =	shalt  }
0x4e: {  	_ =	shalt  }
0x4f: {  	_ =	shalt  }
0x50: {  	_ =	shalt  }
0x51: {  	_ =	shalt  }
0x52: {  	_ =	shalt  }
0x53: {  	_ =	shalt  }
0x54: {  	_ =	shalt  }
0x55: {  	_ =	shalt  }
0x56: {  	_ =	shalt  }
0x57: {  	_ =	shalt  }
0x58: {  	_ =	shalt  }
0x59: {  	_ =	shalt  }
0x5a: {  	_ =	shalt  }
0x5b: {  	_ =	shalt  }
0x5c: {  	_ =	shalt  }
0x5d: {  	_ =	shalt  }
0x5e: {  	_ =	shalt  }
0x5f: {  	_ =	shalt  }
0x60: {  	_ =	shalt  }
0x61: {  	_ =	shalt  }
0x62: {  	_ =	shalt  }
0x63: {  	_ =	shalt  }
0x64: {  	_ =	shalt  }
0x65: {  	_ =	shalt  }
0x66: {  	_ =	shalt  }
0x67: {  	_ =	shalt  }
0x68: {  	_ =	shalt  }
0x69: {  	_ =	shalt  }
0x6a: {  	_ =	shalt  }
0x6b: {  	_ =	shalt  }
0x6c: {  	_ =	shalt  }
0x6d: {  	_ =	shalt  }
0x6e: {  	_ =	shalt  }
0x6f: {  	_ =	shalt  }
0x70: {  	_ =	shalt  }
0x71: {  	_ =	shalt  }
0x72: {  	_ =	shalt  }
0x73: {  	_ =	shalt  }
0x74: {  	_ =	shalt  }
0x75: {  	_ =	shalt  }
0x76: {  	_ =	shalt  }
0x77: {  	_ =	shalt  }
0x78: {  	_ =	shalt  }
0x79: {  	_ =	shalt  }
0x7a: {  	_ =	shalt  }
0x7b: {  	_ =	shalt  }
0x7c: {  	_ =	shalt  }
0x7d: {  	_ =	shalt  }
0x7e: {  	_ =	shalt  }
0x7f: {  	_ =	shalt  }
0x80: {  	_ =	shalt  }
0x81: {  	_ =	shalt  }
0x82: {  	_ =	shalt  }
0x83: {  	_ =	shalt  }
0x84: {  	_ =	shalt  }
0x85: {  	_ =	shalt  }
0x86: {  	_ =	shalt  }
0x87: {  	_ =	shalt  }
.Lfunc_end0:
.L_simem_size_0:
called_computation.1_lowered:
.L_overlay_start_0:
0x88: {  	s2 =	sld [smem:$0x3FD9]  }
0x89: {  	s3 =	sld [smem:$0x3FFE];
	_ =	sdelay $0x1  }
0x8a: {  	s1 =	srdreg.scid  }
0x8b: {  	s0 =	sand.u32 $0x1, s1  }
0x8c: {  	s17 =	sshll.u32 s0, $0xA;
	s2 =	sadd.s32 s3, s2  }
0x8d: {  	s2 =	sadd.s32 s2, s17  }
0x8e: {  	[smem:$0x3FC2] =	sst s2  }
0x8f: {  	_ = 	snop  }
0x90: {  	(tm) =	ssettm $0x1  }
0x91: {  	s18 =	sld [smem:$0x3FFB];
	_ =	sdelay $0x3  }
0x92: {  	_ =	strace s18  }
0x93: {  	s2 =	sld [smem:$0x3FFC];
	_ =	sdelay $0x3  }
0x94: {  	_ =	strace s2  }
0x95: {  	s2 =	sld [smem:$0x3FFD];
	_ =	sdelay $0x3  }
0x96: {  	_ =	strace s2  }
0x97: {  	_ =	strace $0x8FFFFFFF  }
0x98: {  	s19 =	sld [smem:$0x3FDB];
	_ =	sdelay $0x1  }
0x99: {  	s20 =	simm.s32 $_scs_section_size  }
0x9a: {  	s4 =	simm.s32 $_size__tile_overlayer_lowered;
	s5 =	simm.s32 $_tile_overlayer_lowered  }
0x9b: {  	s6 =	simm.s32 $0x1BFF;
	s21 =	sshll.u32 s5, $0x1;
	s3 =	sadd.s32 s20, s19  }
0x9c: {  	s22 =	simm.s32 $0x0;
	s4 =	sshll.u32 s4, $0x1;
	s5 =	sadd.s32 s21, s3  }
0x9d: {  	[timem:s22], [sflag:s6] =	dma.local [hbm:s5], s4  }
0x9e: {  	_ =	swait.ge [sflag:s6], s4  }
0x9f: {  	s4 =	ssub.s32 $0x0, s4;
	[sflag:s6] =	ssyncset.done $0x0  }
0xa0: {  	[sflag:s6] =	ssyncadd.s32 s4;
	_ =	sdelay $0x1  }
0xa1: {  	s23 =	simm.s32 $0x1B8B  }
0xa2: {  	_ =	swait.ge [sflag:s23], $0x1  }
0xa3: {  	[sflag:s23] =	ssyncset.done $0x0  }
0xa4: {  	[sflag:s23] =	ssyncadd.s32 $0xFFFFFFFF  }
0xa5: {  	s4 =	sld [smem:$0x0]  }
0xa6: {  	s5 =	sand.u32 $0xFFFFFFFE, s1  }
0xa7: {  	p0 =	sne.s32 s1, s5  }
0xa8: {  	s5 =	sshll.u32 @p0 s5, $0xE  }
0xa9: {  	s5 =	sadd.s32 @p0 $0x11B8D, s5;
	s6 =	sshll.u32 @p0 s4, $0x11  }
0xaa: {  	s5 =	sor.u32 @p0 s6, s5  }
0xab: {  	[sflag:s5] =	ssyncadd.remote.s32 @p0 $0x1;
	_ =	sdelay $0x1  }
0xac: {  	s5 =	simm.s32 @p0 $0x1B8D  }
0xad: {  	_ =	swait.eq @p0 [sflag:s5], $0x1  }
0xae: {  	[sflag:s5] =	ssyncadd.s32 @p0 $0xFFFFFFFF  }
0xaf: {  	s6 =	sshll.u32 @!p0 s1, $0xE  }
0xb0: {  	s6 =	sor.u32 @!p0 $0x4000, s6;
	s5 =	simm.s32 @!p0 $0x1B8D  }
0xb1: {  	s4 =	sshll.u32 @!p0 s4, $0x11;
	s6 =	sadd.s32 @!p0 $0x11B8D, s6;
	_ =	swait.eq @!p0 [sflag:s5], $0x1  }
0xb2: {  	s4 =	sor.u32 @!p0 s4, s6;
	[sflag:s5] =	ssyncadd.s32 @!p0 $0xFFFFFFFF  }
0xb3: {  	s25 =	simm.s32 $0x1B8E;
	s24 =	sld [smem:$0x3FFE];
	[sflag:s4] =	ssyncadd.remote.s32 @!p0 $0x1  }
0xb4: {  	s26 =	simm.s32 $execute0_lowered;
	[smem:$0x3FD2] =	sst s25  }
0xb5: {  	s5 =	sshll.u32 s26, $0x1;
	_ =	strace $0x8000004C;
	[dreg:$0x1] =	wrdreg $0xFFFFFFFF  }
0xb6: {  	s28 =	simm.s32 $_size_execute0_lowered;
	s3 =	sadd.s32 s3, s5;
	[dreg:$0x0] =	wrdreg $0x0  }
0xb7: {  	s5 =	sshll.u32 s28, $0x1;
	[dreg:$0x2] =	wrdreg s3  }
0xb8: {  	[dreg:$0x3] =	wrdreg s5  }
0xb9: {  	[dreg:$0x4] =	wrdreg $0xC0  }
0xba: {  	_ =	task [dreg:s22], $0x5FFFF  }
0xbb: {  	[dreg:$0x1] =	wrdreg $0xFFFFFFFF  }
0xbc: {  	[dreg:$0x0] =	wrdreg $0x60  }
0xbd: {  	[dreg:$0x2] =	wrdreg s24  }
0xbe: {  	[dreg:$0x3] =	wrdreg $0x9  }
0xbf: {  	_ =	task.clear_ibuf [dreg:s22], $0x4FFFF;
	_ =	strace $0x9000004C  }
0xc0: {  	s29 =	simm.s32 $0x9;
	_ =	strace $0x8000004E  }
0xc1: {  	_ =	swait.ge [sflag:s29], $0x1  }
0xc2: {  	[sflag:s29] =	ssyncadd.s32 $0xFFFFFFFF  }
0xc3: {  	_ =	strace $0x9000004E  }
0xc4: {  	_ =	sfence  }
0xc5: {  	s30 =	sld [smem:$0x0];
	_ =	sdelay $0x2  }
0xc6: {  	s31 =	sshll.u32 s1, $0xD;
	s1 =	sshrl.u32 s1, $0x2  }
0xc7: {  	s4 =	sand.u32 $0x4000, s31;
	s1 =	sadd.s32 s1, s30  }
0xc8: {  	s0 =	sor.u32 s4, s0;
	s1 =	sshll.u32 s1, $0x11  }
0xc9: {  	s0 =	sor.u32 s1, s0  }
0xca: {  	s0 =	sadd.s32 $0x8F2B, s0  }
0xcb: {  	[sflag:s0] =	ssyncadd.remote.s32 $0x1  }
0xcc: {  	_ =	sfence.sel $0xFFFF  }
0xcd: {  	[dreg:$0x0] =	wrdreg $0xFFFFFFFF;
	(pc) =	sbr.abs _section_cstart, $3  }
0xce: {  	[dreg:$0x1] =	wrdreg $0xFFFFFFFF  }
0xcf: {  	_ =	task.clear_ibuf [dreg:s22], $0x2FFFF;
	_ =	strace $0x9FFFFFFF  }
0xd0: {  	(tm) =	ssettm $0x7FFFFFFF  }
0xd1: {  	_ =	shalt  }
tec
execute0_lowered:
.L_overlay_start_1:
0x0: {  	(tag) =	ssettag $0x1  }
0x1: {  	s0 =	srdreg.scid  }
0x2: {  	s5 =	rddreg [dreg:$0x0];
	s1 =	stileid.u32;
	s10 =	simm.s32 $0x2800  }
0x3: {  	s11 =	simm.s32 $0x80;
	s12 =	simm.s32 $0x100;
	s3 =	sand.u32 $0x1, s0  }
0x4: {  	s13 =	simm.s32 $0x5000;
	s14 =	simm.s32 $0x7880;
	s2 =	sshll.u32 s3, $0x4  }
0x5: {  	s15 =	simm.s32 $0x400;
	s16 =	simm.s32 $0x0;
	s4 =	sor.u32 s1, s2  }
0x6: {  	s0 =	rddreg [dreg:$0x1];
	s8 =	sshll.u32 s1, $0x7;
	s6 =	smul.u32 $0x2800, s4  }
0x7: {  	s2 =	simm.s32 $0x0;
	s7 =	sshrl.u32 s4, $0x3;
	s9 =	smul.u32 $0xFFFFFFB0, s4  }
0x8: {  	s3 =	ssub.s32 $0x2, s3;
	[smem:$0x7FF] =	sst s2;
	s7 =	smul.u32 $0x14000, s7  }
0x9: {  	s8 =	sand.u32 $0x380, s8;
	s31 =	sshrl.u32 s3, $0x1;
	_ =	strace $0x8000004D  }
0xa: {  	s6 =	sshrl.u32 s6, $0x3;
	p0 =	slt.s32 s9, $0xFFFFF68C;
	s7 =	sor.u32 s8, s7  }
0xb: {  	s6 =	sadd.s32 s6, s5;
	s8 =	ssub.s32 s3, s31;
	s7 =	sshrl.u32 s7, $0x3  }
0xc: {  	s9 =	simm.s32 @!p0 $0xFFFFF68C;
	s3 =	sadd.s32 $0x2E00, s6;
	s7 =	sadd.s32 s7, s5  }
0xd: {  	s4 =	sadd.s32 $0xCE00, s6;
	s5 =	sadd.s32 $0x16E10, s5;
	s6 =	sadd.s32 $0x17800, s7  }
0xe: {  	v0 =	vimm.f32 $0.0e+00;
	s7 =	smax.u32 s8, $0x1;
	s8 =	sadd.s32 $0x9C3, s9;
	s9 =	simm.s32 $0x1  }
.LBB2_1:
0xf: {  	[tilespmem:s2], [sflag:$0x1] =	stream.linear.gather [hbm4b:s3+s2], $0x2800, $0x38;
	[tilespmem:$0xA080] =	vst v63  }
0x10: {  	_ =	swait.ge [sflag:s9], $0x2800  }
0x11: {  	[sflag:s9] =	ssyncset.done $0x0  }
0x12: {  	[sflag:s9] =	ssyncadd.s32 $0xFFFFD800  }
0x13: {  	[tilespmem:s10], [sflag:$0x1] =	stream.linear.gather [hbm4b:s4+s2], $0x2800, $0x38;
	[tilespmem:$0xA080] =	vst v63  }
0x14: {  	_ =	swait.ge [sflag:s9], $0x2800  }
0x15: {  	[sflag:s9] =	ssyncset.done $0x0  }
0x16: {  	[sflag:s9] =	ssyncadd.s32 $0xFFFFD800  }
0x17: {  	[tilespmem:s13], [sflag:$0x1] =	stream.strided.gather [hbm4b:s5+s11], $0x2800, s12, s11, $0x38;
	[tilespmem:$0xA080] =	vst v63  }
0x18: {  	_ =	swait.ge [sflag:s9], $0x2800  }
0x19: {  	[sflag:s9] =	ssyncset.done $0x0  }
0x1a: {  	[sflag:s9] =	ssyncadd.s32 $0xFFFFD800  }
0x1b: {  	s17 =	simm.s32 $0x0;
	[tilespmem:$0x7800] =	vst v0  }
.LBB2_2:
0x1c: {  	p0 =	sne.s32 s17, $0x9FC0  }
.Ltmp0:
0x1d: {  	_ = 	snop;
	(pc) =	sbr.rel @p0 .LBB2_2-.Ltmp0, $3  }
0x1e: {  	_ =	sdelay $0x1  }
0x1f: {  	s18 =	sshra.s32 s17, $0x2  }
0x20: {  	s17 =	sadd.s32 $0x40, s17;
	[tilespmem:s18+$0x7880] =	vst v0  }
0x21: {  	s17 =	simm.s32 $0xFFFFFFFF;
	s18 =	simm.s32 $0x40;
	s19 =	simm.s32 $0x2840  }
.LBB2_4:
0x22: {  	v1 =	vld [tilespmem:s19+$0xFFFFFFC0];
	_ =	sdelay $0x4  }
0x23: {  	v2 =	vld [tilespmem:s18+$0xFFFFFFC0];
	_ =	sdelay $0x2  }
0x24: {  	v1 =	vld.idx.msk [tilespmem:v1+s13+$0x0], $0xffff;
	_ =	sdelay $0x4  }
0x25: {  	[tilespmem:v2+s14+$0x0] =	vst.idx.add.f32.msk $0xffff, v1  }
0x26: {  	v1 =	vld [tilespmem:s19+$0xFFFFFFD0];
	_ =	sdelay $0x4  }
0x27: {  	v2 =	vld [tilespmem:s18+$0xFFFFFFD0];
	_ =	sdelay $0x2  }
0x28: {  	v1 =	vld.idx.msk [tilespmem:v1+s13+$0x0], $0xffff;
	_ =	sdelay $0x4  }
0x29: {  	[tilespmem:v2+s14+$0x0] =	vst.idx.add.f32.msk $0xffff, v1  }
0x2a: {  	v1 =	vld [tilespmem:s19+$0xFFFFFFE0];
	_ =	sdelay $0x4  }
0x2b: {  	v2 =	vld [tilespmem:s18+$0xFFFFFFE0];
	_ =	sdelay $0x2  }
0x2c: {  	v1 =	vld.idx.msk [tilespmem:v1+s13+$0x0], $0xffff;
	_ =	sdelay $0x4  }
0x2d: {  	[tilespmem:v2+s14+$0x0] =	vst.idx.add.f32.msk $0xffff, v1  }
0x2e: {  	v1 =	vld [tilespmem:s19+$0xFFFFFFF0];
	_ =	sdelay $0x4  }
0x2f: {  	v2 =	vld [tilespmem:s18+$0xFFFFFFF0];
	_ =	sdelay $0x2  }
0x30: {  	v1 =	vld.idx.msk [tilespmem:v1+s13+$0x0], $0xffff;
	_ =	sdelay $0x4  }
0x31: {  	[tilespmem:v2+s14+$0x0] =	vst.idx.add.f32.msk $0xffff, v1  }
0x32: {  	v1 =	vld [tilespmem:s19+$0x0];
	_ =	sdelay $0x4  }
0x33: {  	v2 =	vld [tilespmem:s18+$0x0];
	_ =	sdelay $0x2  }
0x34: {  	v1 =	vld.idx.msk [tilespmem:v1+s13+$0x0], $0xffff;
	_ =	sdelay $0x4  }
0x35: {  	[tilespmem:v2+s14+$0x0] =	vst.idx.add.f32.msk $0xffff, v1  }
0x36: {  	v1 =	vld [tilespmem:s19+$0x10];
	_ =	sdelay $0x4  }
0x37: {  	v2 =	vld [tilespmem:s18+$0x10];
	_ =	sdelay $0x2  }
0x38: {  	v1 =	vld.idx.msk [tilespmem:v1+s13+$0x0], $0xffff;
	_ =	sdelay $0x4  }
0x39: {  	[tilespmem:v2+s14+$0x0] =	vst.idx.add.f32.msk $0xffff, v1  }
0x3a: {  	v1 =	vld [tilespmem:s19+$0x20];
	_ =	sdelay $0x4  }
0x3b: {  	v2 =	vld [tilespmem:s18+$0x20];
	_ =	sdelay $0x2  }
0x3c: {  	v1 =	vld.idx.msk [tilespmem:v1+s13+$0x0], $0xffff;
	_ =	sdelay $0x4  }
0x3d: {  	[tilespmem:v2+s14+$0x0] =	vst.idx.add.f32.msk $0xffff, v1  }
0x3e: {  	v1 =	vld [tilespmem:s19+$0x30];
	_ =	sdelay $0x4  }
0x3f: {  	v2 =	vld [tilespmem:s18+$0x30];
	_ =	sdelay $0x1  }
0x40: {  	s17 =	sadd.s32 $0x1, s17  }
0x41: {  	p0 =	slt.u32 s17, s8;
	v1 =	vld.idx.msk [tilespmem:v1+s13+$0x0], $0xffff  }
.Ltmp1:
0x42: {  	_ = 	snop;
	(pc) =	sbr.rel @p0 .LBB2_4-.Ltmp1, $2  }
0x43: {  	_ =	sdelay $0x2  }
0x44: {  	s18 =	sadd.s32 $0x80, s18;
	s19 =	sadd.s32 $0x80, s19;
	[tilespmem:v2+s14+$0x0] =	vst.idx.add.f32.msk $0xffff, v1  }
0x45: {  	s16 =	sadd.s32 $0x1, s16  }
0x46: {  	p0 =	sne.s32 s16, s7  }
.Ltmp2:
0x47: {  	_ = 	snop;
	(pc) =	sbr.rel @p0 .LBB2_1-.Ltmp2, $4  }
0x48: {  	[hbm4b:s6+s11] =	stream.strided.scatter [tilespmem:s14], [sflag:$0x1], $0x2800, s15, s11, $0x38;
	[tilespmem:$0xA080] =	vst v63  }
0x49: {  	_ =	swait.ge [sflag:s9], $0x2800  }
0x4a: {  	[sflag:s9] =	ssyncset.done $0x0  }
0x4b: {  	[sflag:s9] =	ssyncadd.s32 $0xFFFFD800  }
0x4c: {  	_ =	sfence.sel $0x180000  }
0x4d: {  	[bflag:$0x0] =	sbarrier.arrive $0xFFFF  }
0x4e: {  	p0 =	sne.s32 s1, $0x0;
	_ =	strace $0x9000004D  }
0x4f: {  	s0 =	sadd.s32 @!p0 $0x100000, s0;
	[bflag:$0x2] =	sbarrier.arrive $0xFFFF  }
0x50: {  	[sflag:s0] =	ssyncadd.tile.s32 @!p0 $0x1;
	_ =	shalt  }
.Lfunc_end2:
_tile_overlayer_lowered:
.L_overlay_start_2:
0x51: {  	(tag) =	ssettag $0x2  }
0x52: {  	s0 =	rddreg [dreg:$0x0];
	s2 =	stileid.u32  }
0x53: {  	s1 =	rddreg [dreg:$0x1];
	p0 =	sne.s32 s2, $0x0  }
0x54: {  	s3 =	rddreg [dreg:$0x2];
	[bflag:$0x3] =	sbarrier.arrive $0xFFFF;
	s2 =	simm.s32 @!p0 $0x1C01  }
0x55: {  	[timem:s3], [sflag:s2] =	dma.local @!p0 [hbm:s0], s1  }
0x56: {  	s0 =	simm.s32 @!p0 $0x1  }
0x57: {  	_ =	swait.ge @!p0 [sflag:s0], s1  }
0x58: {  	s1 =	ssub.s32 @!p0 $0x0, s1;
	[sflag:s0] =	ssyncset.done @!p0 $0x0  }
0x59: {  	[sflag:s0] =	ssyncadd.s32 @!p0 s1  }
0x5a: {  	[bflag:$0x3] =	sbarrier.arrive $0xFFFF  }
0x5b: {  	_ =	shalt  }

// kernel: kernel.13.cloned.1.call-start
scs
__scs_entry_jumppad:
0x0: {  	(pc) =	sbr.rel $0x88, $3  }
0x1: {  	(tag) =	ssettag $0x0;
	lr =	simm.s32 $0x1  }
0x2: {  	[smem:$0x3F9B] =	sst lr;
	_ =	strace $0xD0000000  }
0x3: {  	_ = 	snop  }
0x4: {  	_ = 	snop  }
0x5: {  	_ = 	snop  }
0x6: {  	_ = 	snop  }
0x7: {  	_ = 	snop  }
__scs_overlays_trampoline_lowered:
0x8: {  	[smem:$0x3FAA] =	sst s0  }
0x9: {  	[smem:$0x3FAB] =	sst s1  }
0xa: {  	[smem:$0x3FAC] =	sst s2  }
0xb: {  	[smem:$0x3FAD] =	sst s3  }
0xc: {  	[smem:$0x3FAE] =	sst s4  }
0xd: {  	[smem:$0x3FAF] =	sst s5  }
0xe: {  	[smem:$0x3FB0] =	sst s6  }
0xf: {  	[smem:$0x3FB1] =	sst s7  }
0x10: {  	[smem:$0x3FB2] =	sst s8  }
0x11: {  	[smem:$0x3FB3] =	sst s9;
	s0 =	simm.s32 @!p0 $0x0  }
0x12: {  	s1 =	sld [smem:$0x3F99];
	s0 =	simm.s32 @p0 $0x1  }
0x13: {  	[smem:$0x3FB4] =	sst s0;
	s0 =	simm.s32 @!p1 $0x0  }
0x14: {  	s2 =	sld [smem:$0x3F98];
	s0 =	simm.s32 @p1 $0x1  }
0x15: {  	[smem:$0x3FB5] =	sst s0;
	s0 =	simm.s32 @!p2 $0x0  }
0x16: {  	s3 =	sld [smem:$0x3FDB];
	s0 =	simm.s32 @p2 $0x1  }
0x17: {  	s4 =	simm.s32 $0x1BF5;
	[smem:$0x3FB7] =	sst s0  }
0x18: {  	s0 =	sld [smem:$0x3F9A];
	_ =	swait.ge [sflag:s4], $0x0  }
0x19: {  	s7 =	sld [smem:$0x3F9B]  }
0x1a: {  	s8 =	sadd.s32 $0xFFFFE003, lr  }
0x1b: {  	s9 =	sadd.s32 $0xFFFFFEF7, lr;
	s5 =	simm.s32 $0xFFFFFFFF;
	p2 =	slt.u32 s8, $0xFFFFF086  }
0x1c: {  	p1 =	slt.u32 s9, $0xF7A;
	s5 =	simm.s32 @!p2 $0x0  }
0x1d: {  	s5 =	simm.s32 @p1 $0x1;
	p0 =	seq.s32 s7, s2  }
0x1e: {  	s7 =	smul.u32 @!p0 $0xF7A, s2;
	p2 =	seq.s32 @!p0 s5, $0x0  }
0x1f: {  	s9 =	smul.u32 $0xF7A, s1;
	s8 =	simm.s32 @!p0 $0x1BF5;
	p2 =	por !p2, p0  }
0x20: {  	[sflag:s8] =	ssyncset.s32 @!p0 $0xFFFFF086;
	s6 =	sadd.s32 @!p0 s3, s7;
	s7 =	simm.s32 @!p0 $0x108  }
0x21: {  	s3 =	sadd.s32 s3, s9;
	s6 =	sadd.s32 @!p0 $0x88, s6;
	s7 =	simm.s32 @p2 $0x1082  }
0x22: {  	[simem:s7], [sflag:s8] =	dma.local @!p0 [hbm:s6], $0xF7A  }
0x23: {  	s9 =	sor.u32 $0xD0000000, s2;
	s6 =	simm.s32 $0x108;
	_ =	swait.ge @!p0 [sflag:s8], $0x0  }
0x24: {  	s3 =	sadd.s32 $0x88, s3;
	s6 =	simm.s32 @!p1 $0x1082;
	[sflag:s4] =	ssyncset.s32 $0xFFFFF086  }
0x25: {  	[simem:s6], [sflag:s4] =	dma.local [hbm:s3], $0xF7A  }
0x26: {  	[smem:$0x3F9B] =	sst s1;
	(tag) =	ssettag s2;
	_ =	strace s9  }
0x27: {  	s1 =	sld [smem:$0x3FAB]  }
0x28: {  	s2 =	sld [smem:$0x3FAC]  }
0x29: {  	s4 =	sld [smem:$0x3FAE]  }
0x2a: {  	p0 =	seq.s32 s5, $0x0;
	s5 =	sld [smem:$0x3FAF]  }
0x2b: {  	s6 =	sld [smem:$0x3FB0]  }
0x2c: {  	s7 =	sld [smem:$0x3FB1]  }
0x2d: {  	s3 =	simm.s32 $0x108;
	s8 =	sld [smem:$0x3FB2]  }
0x2e: {  	s3 =	simm.s32 @!p0 $0x1082;
	s9 =	sld [smem:$0x3FB3]  }
0x2f: {  	lr =	sadd.s32 s0, s3;
	s0 =	sld [smem:$0x3FAA]  }
0x30: {  	s3 =	sld [smem:$0x3FAD]  }
0x31: {  	[smem:$0x3FB6] =	sst s10  }
0x32: {  	s10 =	sld [smem:$0x3FB4];
	_ =	sdelay $0x3  }
0x33: {  	p0 =	seq.s32 s10, $0x1;
	s10 =	sld [smem:$0x3FB6];
	_ =	sdelay $0x3  }
0x34: {  	[smem:$0x3FB6] =	sst s10  }
0x35: {  	s10 =	sld [smem:$0x3FB5];
	_ =	sdelay $0x3  }
0x36: {  	p1 =	seq.s32 s10, $0x1;
	s10 =	sld [smem:$0x3FB6];
	_ =	sdelay $0x3  }
0x37: {  	[smem:$0x3FB6] =	sst s10  }
0x38: {  	s10 =	sld [smem:$0x3FB7]  }
0x39: {  	_ = 	snop;
	(pc) =	sbr.ind lr, $3  }
0x3a: {  	_ = 	snop  }
0x3b: {  	_ = 	snop  }
0x3c: {  	p2 =	seq.s32 s10, $0x1;
	s10 =	sld [smem:$0x3FB6]  }
0x3d: {  	_ =	shalt  }
0x3e: {  	_ =	shalt  }
0x3f: {  	_ =	shalt  }
0x40: {  	_ =	shalt  }
0x41: {  	_ =	shalt  }
0x42: {  	_ =	shalt  }
0x43: {  	_ =	shalt  }
0x44: {  	_ =	shalt  }
0x45: {  	_ =	shalt  }
0x46: {  	_ =	shalt  }
0x47: {  	_ =	shalt  }
0x48: {  	_ =	shalt  }
0x49: {  	_ =	shalt  }
0x4a: {  	_ =	shalt  }
0x4b: {  	_ =	shalt  }
0x4c: {  	_ =	shalt  }
0x4d: {  	_ =	shalt  }
0x4e: {  	_ =	shalt  }
0x4f: {  	_ =	shalt  }
0x50: {  	_ =	shalt  }
0x51: {  	_ =	shalt  }
0x52: {  	_ =	shalt  }
0x53: {  	_ =	shalt  }
0x54: {  	_ =	shalt  }
0x55: {  	_ =	shalt  }
0x56: {  	_ =	shalt  }
0x57: {  	_ =	shalt  }
0x58: {  	_ =	shalt  }
0x59: {  	_ =	shalt  }
0x5a: {  	_ =	shalt  }
0x5b: {  	_ =	shalt  }
0x5c: {  	_ =	shalt  }
0x5d: {  	_ =	shalt  }
0x5e: {  	_ =	shalt  }
0x5f: {  	_ =	shalt  }
0x60: {  	_ =	shalt  }
0x61: {  	_ =	shalt  }
0x62: {  	_ =	shalt  }
0x63: {  	_ =	shalt  }
0x64: {  	_ =	shalt  }
0x65: {  	_ =	shalt  }
0x66: {  	_ =	shalt  }
0x67: {  	_ =	shalt  }
0x68: {  	_ =	shalt  }
0x69: {  	_ =	shalt  }
0x6a: {  	_ =	shalt  }
0x6b: {  	_ =	shalt  }
0x6c: {  	_ =	shalt  }
0x6d: {  	_ =	shalt  }
0x6e: {  	_ =	shalt  }
0x6f: {  	_ =	shalt  }
0x70: {  	_ =	shalt  }
0x71: {  	_ =	shalt  }
0x72: {  	_ =	shalt  }
0x73: {  	_ =	shalt  }
0x74: {  	_ =	shalt  }
0x75: {  	_ =	shalt  }
0x76: {  	_ =	shalt  }
0x77: {  	_ =	shalt  }
0x78: {  	_ =	shalt  }
0x79: {  	_ =	shalt  }
0x7a: {  	_ =	shalt  }
0x7b: {  	_ =	shalt  }
0x7c: {  	_ =	shalt  }
0x7d: {  	_ =	shalt  }
0x7e: {  	_ =	shalt  }
0x7f: {  	_ =	shalt  }
0x80: {  	_ =	shalt  }
0x81: {  	_ =	shalt  }
0x82: {  	_ =	shalt  }
0x83: {  	_ =	shalt  }
0x84: {  	_ =	shalt  }
0x85: {  	_ =	shalt  }
0x86: {  	_ =	shalt  }
0x87: {  	_ =	shalt  }
.Lfunc_end0:
.L_simem_size_0:
called_computation.2_lowered:
.L_overlay_start_0:
0x88: {  	s2 =	sld [smem:$0x3FD9]  }
0x89: {  	s3 =	sld [smem:$0x3FFE];
	_ =	sdelay $0x1  }
0x8a: {  	s1 =	srdreg.scid  }
0x8b: {  	s0 =	sand.u32 $0x1, s1  }
0x8c: {  	s16 =	sshll.u32 s0, $0xA;
	s2 =	sadd.s32 s3, s2  }
0x8d: {  	s2 =	sadd.s32 s2, s16  }
0x8e: {  	[smem:$0x3FC2] =	sst s2  }
0x8f: {  	_ = 	snop  }
0x90: {  	(tm) =	ssettm $0x1  }
0x91: {  	s17 =	sld [smem:$0x3FFB];
	_ =	sdelay $0x3  }
0x92: {  	_ =	strace s17  }
0x93: {  	s2 =	sld [smem:$0x3FFC];
	_ =	sdelay $0x3  }
0x94: {  	_ =	strace s2  }
0x95: {  	s2 =	sld [smem:$0x3FFD];
	_ =	sdelay $0x3  }
0x96: {  	_ =	strace s2  }
0x97: {  	_ =	strace $0x8FFFFFFF  }
0x98: {  	s18 =	sld [smem:$0x3FDB];
	_ =	sdelay $0x1  }
0x99: {  	s19 =	simm.s32 $_scs_section_size  }
0x9a: {  	s4 =	simm.s32 $_size__tile_overlayer_lowered;
	s5 =	simm.s32 $_tile_overlayer_lowered  }
0x9b: {  	s22 =	simm.s32 $0x1BFF;
	s21 =	sshll.u32 s5, $0x1;
	s2 =	sadd.s32 s19, s18  }
0x9c: {  	s6 =	simm.s32 $0x0;
	s20 =	sshll.u32 s4, $0x1;
	s4 =	sadd.s32 s21, s2  }
0x9d: {  	[timem:s6], [sflag:s22] =	dma.local [hbm:s4], s20  }
0x9e: {  	_ =	swait.ge [sflag:s22], s20  }
0x9f: {  	s3 =	ssub.s32 $0x0, s20;
	[sflag:s22] =	ssyncset.done $0x0  }
0xa0: {  	[sflag:s22] =	ssyncadd.s32 s3;
	_ =	sdelay $0x1  }
0xa1: {  	s23 =	simm.s32 $0x1B8B  }
0xa2: {  	_ =	swait.ge [sflag:s23], $0x1  }
0xa3: {  	[sflag:s23] =	ssyncset.done $0x0  }
0xa4: {  	s25 =	simm.s32 $0x1B8E;
	s24 =	sld [smem:$0x3FFE];
	[sflag:s23] =	ssyncadd.s32 $0xFFFFFFFF  }
0xa5: {  	s26 =	simm.s32 $execute0_lowered;
	[smem:$0x3FD2] =	sst s25  }
0xa6: {  	s4 =	sshll.u32 s26, $0x1;
	_ =	strace $0x80000049;
	[dreg:$0x1] =	wrdreg $0xFFFFFFFF  }
0xa7: {  	s28 =	simm.s32 $_size_execute0_lowered;
	s2 =	sadd.s32 s2, s4;
	[dreg:$0x0] =	wrdreg $0x0  }
0xa8: {  	s4 =	sshll.u32 s28, $0x1;
	[dreg:$0x2] =	wrdreg s2  }
0xa9: {  	[dreg:$0x3] =	wrdreg s4  }
0xaa: {  	[dreg:$0x4] =	wrdreg $0xC0  }
0xab: {  	_ =	task [dreg:s6], $0x5FFFF  }
0xac: {  	[dreg:$0x1] =	wrdreg $0xFFFFFFFF  }
0xad: {  	[dreg:$0x0] =	wrdreg $0x60  }
0xae: {  	[dreg:$0x2] =	wrdreg s24  }
0xaf: {  	[dreg:$0x3] =	wrdreg $0xC0000  }
0xb0: {  	[dreg:$0x4] =	wrdreg $0xA  }
0xb1: {  	_ =	task.clear_ibuf [dreg:s6], $0x5FFFF;
	_ =	strace $0x90000049  }
0xb2: {  	s29 =	simm.s32 $0xA;
	_ =	strace $0x8000004B  }
0xb3: {  	_ =	swait.ge [sflag:s29], $0x1  }
0xb4: {  	[sflag:s29] =	ssyncadd.s32 $0xFFFFFFFF  }
0xb5: {  	_ =	strace $0x9000004B  }
0xb6: {  	_ =	sfence  }
0xb7: {  	s30 =	sld [smem:$0x0];
	_ =	sdelay $0x2  }
0xb8: {  	s31 =	sshll.u32 s1, $0xD;
	s1 =	sshrl.u32 s1, $0x2  }
0xb9: {  	s3 =	sand.u32 $0x4000, s31;
	s1 =	sadd.s32 s1, s30  }
0xba: {  	s0 =	sor.u32 s3, s0;
	s1 =	sshll.u32 s1, $0x11  }
0xbb: {  	s0 =	sor.u32 s1, s0  }
0xbc: {  	s0 =	sadd.s32 $0x8F2B, s0  }
0xbd: {  	[sflag:s0] =	ssyncadd.remote.s32 $0x1  }
0xbe: {  	_ =	sfence.sel $0xFFFF  }
0xbf: {  	[dreg:$0x0] =	wrdreg $0xFFFFFFFF;
	(pc) =	sbr.abs _section_cstart, $3  }
0xc0: {  	[dreg:$0x1] =	wrdreg $0xFFFFFFFF  }
0xc1: {  	_ =	task.clear_ibuf [dreg:s6], $0x2FFFF;
	_ =	strace $0x9FFFFFFF  }
0xc2: {  	(tm) =	ssettm $0x7FFFFFFF  }
0xc3: {  	_ =	shalt  }
tec
execute0_lowered:
.L_overlay_start_1:
0x0: {  	(tag) =	ssettag $0x1  }
0x1: {  	s0 =	rddreg [dreg:$0x0]  }
0x2: {  	s1 =	srdreg.scid;
	s15 =	stileid.u32  }
0x3: {  	s2 =	rddreg [dreg:$0x1];
	s3 =	simm.s32 $0x0;
	s6 =	smul.u32 $0x14000, s15  }
0x4: {  	s1 =	sand.u32 $0x1, s1;
	[smem:$0x7FF] =	sst s3;
	s7 =	smul.u32 $0x50000, s15  }
0x5: {  	s17 =	sadd.s32 $0x2AE00, s0;
	s4 =	sadd.s32 $0x4AE00, s0;
	s10 =	sshll.u32 s15, $0xB  }
0x6: {  	s18 =	sshll.u32 s15, $0x7;
	s5 =	smul.u32 $0x140000, s1;
	_ =	strace $0x8000004A  }
0x7: {  	s19 =	ssub.s32 $0x2, s1;
	s11 =	sshll.u32 s1, $0xF;
	s7 =	sshrl.u32 s7, $0x2  }
0x8: {  	s9 =	sshrl.u32 s19, $0x1;
	s12 =	sor.u32 s10, s11;
	s5 =	sadd.s32 s6, s5  }
0x9: {  	s16 =	ssub.s32 s19, s9;
	s8 =	sshrl.u32 s5, $0x3;
	s5 =	sadd.s32 s7, s2  }
0xa: {  	s12 =	sadd.s32 s17, s12;
	s19 =	sshll.u32 s1, $0xB;
	s20 =	sadd.s32 $0x2800, s5  }
0xb: {  	s1 =	sshll.u32 s1, $0x12;
	s21 =	sadd.s32 $0x5000, s5;
	[dreg:$0x4] =	wrdreg s20  }
0xc: {  	s14 =	sadd.s32 $0x10000, s12;
	s22 =	sadd.s32 $0x7800, s5;
	[dreg:$0x5] =	wrdreg s21  }
0xd: {  	s28 =	sor.u32 s19, s18;
	s23 =	sadd.s32 $0xA000, s5;
	[dreg:$0x6] =	wrdreg s22  }
0xe: {  	s16 =	smax.u32 s16, $0x1;
	s24 =	sadd.s32 $0xC800, s5;
	[dreg:$0x7] =	wrdreg s23  }
0xf: {  	s19 =	simm.s32 $0x2000;
	s25 =	sadd.s32 $0xF000, s5;
	[dreg:$0x8] =	wrdreg s24  }
0x10: {  	s0 =	sadd.s32 s8, s0;
	s13 =	sadd.s32 $0x11800, s5;
	[dreg:$0x9] =	wrdreg s25  }
0x11: {  	s20 =	sshll.u32 s15, $0xE;
	s15 =	sadd.s32 $0x72E00, s0;
	s21 =	simm.s32 $0x4800  }
0x12: {  	s23 =	simm.s32 $0x50;
	s24 =	simm.s32 $0x9800;
	s25 =	simm.s32 $0x1  }
0x13: {  	s26 =	sor.u32 s20, s1;
	s1 =	sxor.u32 $0xFA0, s28;
	s20 =	simm.s32 $0x3  }
0x14: {  	s29 =	sor.u32 $0x80000, s26;
	s0 =	sshrl.u32 s26, $0x3;
	s30 =	smin.u32 s1, $0x80  }
0x15: {  	s26 =	simm.s32 $0x2;
	s18 =	sshrl.u32 s29, $0x3;
	s31 =	sshrl.u32 s30, $0x2  }
0x16: {  	v0 =	vimm.f32 $0.0e+00;
	s22 =	sadd.s32 s0, s17;
	s1 =	sadd.s32 s18, s17;
	[dreg:$0x3] =	wrdreg s31  }
.LBB2_1:
0x17: {  	s0 =	simm.s32 $0x0;
	s17 =	simm.s32 $0x200  }
.LBB2_2:
0x18: {  	p0 =	sne.s32 s17, $0x9E00;
	[tilespmem:s0+$0x4870] =	vst v0  }
0x19: {  	[tilespmem:s0+$0x2000] =	vst v0  }
0x1a: {  	[tilespmem:s0+$0x4800] =	vst v0  }
0x1b: {  	[tilespmem:s0+$0x2010] =	vst v0  }
0x1c: {  	[tilespmem:s0+$0x4810] =	vst v0  }
0x1d: {  	[tilespmem:s0+$0x2020] =	vst v0  }
0x1e: {  	[tilespmem:s0+$0x4820] =	vst v0  }
0x1f: {  	[tilespmem:s0+$0x2030] =	vst v0  }
0x20: {  	[tilespmem:s0+$0x4830] =	vst v0  }
0x21: {  	[tilespmem:s0+$0x2040] =	vst v0  }
0x22: {  	[tilespmem:s0+$0x4840] =	vst v0  }
.Ltmp0:
0x23: {  	[tilespmem:s0+$0x2050] =	vst v0;
	(pc) =	sbr.rel @p0 .LBB2_2-.Ltmp0, $4  }
0x24: {  	[tilespmem:s0+$0x4850] =	vst v0  }
0x25: {  	[tilespmem:s0+$0x2060] =	vst v0  }
0x26: {  	[tilespmem:s0+$0x4860] =	vst v0  }
0x27: {  	[tilespmem:s0+$0x2070] =	vst v0;
	s0 =	sshra.s32 s17, $0x2;
	s17 =	sadd.s32 $0x200, s17  }
0x28: {  	[tilespmem:s0+$0x4870] =	vst v0  }
0x29: {  	[tilespmem:s0+$0x2000] =	vst v0  }
0x2a: {  	[tilespmem:s0+$0x4800] =	vst v0  }
0x2b: {  	[tilespmem:s0+$0x2010] =	vst v0  }
0x2c: {  	[tilespmem:s0+$0x4810] =	vst v0  }
0x2d: {  	[tilespmem:s0+$0x2020] =	vst v0  }
0x2e: {  	[tilespmem:s0+$0x4820] =	vst v0  }
0x2f: {  	[tilespmem:s0+$0x2030] =	vst v0  }
0x30: {  	[tilespmem:s0+$0x4830] =	vst v0  }
0x31: {  	[tilespmem:s0+$0x2040] =	vst v0  }
0x32: {  	[tilespmem:s0+$0x4840] =	vst v0  }
0x33: {  	[tilespmem:s0+$0x2050] =	vst v0  }
0x34: {  	[tilespmem:s0+$0x4850] =	vst v0  }
0x35: {  	[tilespmem:s0+$0x2060] =	vst v0  }
0x36: {  	[tilespmem:s0+$0x4860] =	vst v0  }
0x37: {  	[tilespmem:s0+$0x2070] =	vst v0  }
0x38: {  	[spmem:s5] =	stream.linear.scatter [tilespmem:s19], [sflag:$0x3], $0x2800, $0x38;
	v63 =	vld [tilespmem:$0x0]  }
0x39: {  	_ =	swait.ge [sflag:s20], $0x2800  }
0x3a: {  	[sflag:s20] =	ssyncset.done $0x0  }
0x3b: {  	s10 =	rddreg [dreg:$0x4];
	[sflag:s20] =	ssyncadd.s32 $0xFFFFD800  }
0x3c: {  	[spmem:s10] =	stream.linear.scatter [tilespmem:s21], [sflag:$0x3], $0x2800, $0x38;
	v63 =	vld [tilespmem:$0x0]  }
0x3d: {  	_ =	swait.ge [sflag:s20], $0x2800  }
0x3e: {  	[sflag:s20] =	ssyncset.done $0x0  }
0x3f: {  	s11 =	rddreg [dreg:$0x5];
	[sflag:s20] =	ssyncadd.s32 $0xFFFFD800  }
0x40: {  	[spmem:s11] =	stream.linear.scatter [tilespmem:s19], [sflag:$0x3], $0x2800, $0x38;
	v63 =	vld [tilespmem:$0x0]  }
0x41: {  	_ =	swait.ge [sflag:s20], $0x2800  }
0x42: {  	[sflag:s20] =	ssyncset.done $0x0  }
0x43: {  	s17 =	rddreg [dreg:$0x6];
	[sflag:s20] =	ssyncadd.s32 $0xFFFFD800  }
0x44: {  	[spmem:s17] =	stream.linear.scatter [tilespmem:s21], [sflag:$0x3], $0x2800, $0x38;
	v63 =	vld [tilespmem:$0x0]  }
0x45: {  	_ =	swait.ge [sflag:s20], $0x2800  }
0x46: {  	[sflag:s20] =	ssyncset.done $0x0  }
0x47: {  	s18 =	rddreg [dreg:$0x7];
	[sflag:s20] =	ssyncadd.s32 $0xFFFFD800  }
0x48: {  	[spmem:s18] =	stream.linear.scatter [tilespmem:s19], [sflag:$0x3], $0x2800, $0x38;
	v63 =	vld [tilespmem:$0x0]  }
0x49: {  	_ =	swait.ge [sflag:s20], $0x2800  }
0x4a: {  	[sflag:s20] =	ssyncset.done $0x0  }
0x4b: {  	s28 =	rddreg [dreg:$0x8];
	[sflag:s20] =	ssyncadd.s32 $0xFFFFD800  }
0x4c: {  	[spmem:s28] =	stream.linear.scatter [tilespmem:s21], [sflag:$0x3], $0x2800, $0x38;
	v63 =	vld [tilespmem:$0x0]  }
0x4d: {  	_ =	swait.ge [sflag:s20], $0x2800  }
0x4e: {  	[sflag:s20] =	ssyncset.done $0x0  }
0x4f: {  	s29 =	rddreg [dreg:$0x9];
	[sflag:s20] =	ssyncadd.s32 $0xFFFFD800  }
0x50: {  	[spmem:s29] =	stream.linear.scatter [tilespmem:s19], [sflag:$0x3], $0x2800, $0x38;
	v63 =	vld [tilespmem:$0x0]  }
0x51: {  	_ =	swait.ge [sflag:s20], $0x2800  }
0x52: {  	[sflag:s20] =	ssyncset.done $0x0  }
0x53: {  	[sflag:s20] =	ssyncadd.s32 $0xFFFFD800  }
0x54: {  	[spmem:s13] =	stream.linear.scatter [tilespmem:s21], [sflag:$0x3], $0x2800, $0x38;
	v63 =	vld [tilespmem:$0x0]  }
0x55: {  	_ =	swait.ge [sflag:s20], $0x2800  }
0x56: {  	[sflag:s20] =	ssyncset.done $0x0  }
0x57: {  	[sflag:s20] =	ssyncadd.s32 $0xFFFFD800  }
0x58: {  	s31 =	simm.s32 $0x0;
	[bflag:$0x0] =	sbarrier.arrive $0xFFFF  }
0x59: {  	[tilespmem:s31], [sflag:$0x3] =	stream.linear.gather [hbm4b:s12+s31], $0x800, $0x38;
	v63 =	vld [tilespmem:$0x0]  }
0x5a: {  	_ =	swait.ge [sflag:s20], $0x800  }
0x5b: {  	[sflag:s20] =	ssyncset.done $0x0  }
0x5c: {  	s30 =	simm.s32 $0x1000;
	[sflag:s20] =	ssyncadd.s32 $0xFFFFF800  }
0x5d: {  	[tilespmem:s30], [sflag:$0x3] =	stream.linear.gather [hbm4b:s14+s31], $0x800, $0x38;
	v63 =	vld [tilespmem:$0x0]  }
0x5e: {  	_ =	swait.ge [sflag:s20], $0x800  }
0x5f: {  	s0 =	simm.s32 $0xF80;
	[sflag:s20] =	ssyncset.done $0x0  }
0x60: {  	s17 =	smov.u32 s22;
	s18 =	smov.u32 s1;
	[sflag:s20] =	ssyncadd.s32 $0xFFFFF800  }
.LBB2_4:
0x61: {  	p0 =	seq.s32 s31, $0x0  }
0x62: {  	s28 =	simm.s32 @p0 $0x50;
	s29 =	simm.s32 @p0 $0x0;
	s30 =	simm.s32 @p0 $0x2000  }
0x63: {  	[tilespmem:s30], [sflag:$0x1] =	stream.indirect.gather @p0 [hbm4b:s4+s28], $0x80, s29, s28, $0xb8;
	v63 =	vld [tilespmem:$0x0]  }
0x64: {  	s6 =	simm.s32 @p0 $0x4800;
	s29 =	simm.s32 @p0 $0x80  }
0x65: {  	[tilespmem:s6], [sflag:$0x1] =	stream.indirect.gather @p0 [hbm4b:s4+s28], $0x80, s29, s28, $0xb8;
	v63 =	vld [tilespmem:$0x0]  }
0x66: {  	s6 =	simm.s32 @p0 $0x100;
	s29 =	simm.s32 @p0 $0x7000  }
0x67: {  	[tilespmem:s29], [sflag:$0x1] =	stream.indirect.gather @p0 [hbm4b:s4+s28], $0x80, s6, s28, $0xb8;
	v63 =	vld [tilespmem:$0x0]  }
0x68: {  	s6 =	simm.s32 @p0 $0x1  }
0x69: {  	_ =	swait.ge @p0 [sflag:s6], $0x2800  }
0x6a: {  	[sflag:s6] =	ssyncset.done @p0 $0x0  }
0x6b: {  	[sflag:s6] =	ssyncadd.s32 @p0 $0xFFFFD800;
	s6 =	simm.s32 @p0 $0x1000  }
0x6c: {  	[spmem:s2] =	stream.indirect.scatter.add.f32 @p0 [tilespmem:s30], [sflag:$0x2], $0x80, s6, s28, $0xb8;
	v63 =	vld [tilespmem:$0x0]  }
0x6d: {  	s6 =	simm.s32 @!p0 $0x2  }
0x6e: {  	s28 =	sand.u32 @!p0 $0x3, s31;
	_ =	swait.ge @!p0 [sflag:s6], $0x2800  }
0x6f: {  	p1 =	sne.s32 @!p0 s28, $0x0;
	[sflag:s6] =	ssyncset.done @!p0 $0x0  }
0x70: {  	s28 =	sadd.s32 @!p0 $0xFFFFF080, s0;
	p1 =	por p1, p0;
	[sflag:s6] =	ssyncadd.s32 @!p0 $0xFFFFD800  }
0x71: {  	s29 =	sand.u32 @!p1 $0x800, s28;
	s30 =	simm.s32 @!p1 $0x0;
	s7 =	simm.s32 @!p1 $0x3  }
0x72: {  	[tilespmem:s29], [sflag:$0x3] =	stream.linear.gather @!p1 [hbm4b:s17+s30], $0x800, $0x38;
	v63 =	vld [tilespmem:$0x0]  }
0x73: {  	_ =	swait.ge @!p1 [sflag:s7], $0x800  }
0x74: {  	[sflag:s7] =	ssyncset.done @!p1 $0x0  }
0x75: {  	s29 =	sor.u32 @!p1 $0x1000, s29;
	[sflag:s7] =	ssyncadd.s32 @!p1 $0xFFFFF800  }
0x76: {  	[tilespmem:s29], [sflag:$0x3] =	stream.linear.gather @!p1 [hbm4b:s18+s30], $0x800, $0x38;
	v63 =	vld [tilespmem:$0x0]  }
0x77: {  	_ =	swait.ge @!p1 [sflag:s7], $0x800  }
0x78: {  	s29 =	simm.s32 @!p0 $0x2000;
	s30 =	simm.s32 @!p0 $0x1;
	[sflag:s7] =	ssyncset.done @!p1 $0x0  }
0x79: {  	[sflag:s7] =	ssyncadd.s32 @!p1 $0xFFFFF800;
	s7 =	sand.u32 @!p0 $0xE00, s28;
	s28 =	simm.s32 @!p0 $0x50  }
0x7a: {  	[tilespmem:s29], [sflag:$0x1] =	stream.indirect.gather @!p0 [hbm4b:s4+s28], $0x80, s7, s28, $0xb8;
	v63 =	vld [tilespmem:$0x0]  }
0x7b: {  	s8 =	sadd.s32 @!p0 $0xFFFFFF80, s0;
	_ =	swait.ge @!p0 [sflag:s30], $0x2800  }
0x7c: {  	s8 =	sand.u32 @!p0 $0xF00, s8;
	[sflag:s30] =	ssyncset.done @!p0 $0x0  }
0x7d: {  	s9 =	simm.s32 @!p0 $0x7000;
	s8 =	sor.u32 @!p0 $0x1000, s8;
	[sflag:s30] =	ssyncadd.s32 @!p0 $0xFFFFD800  }
0x7e: {  	[spmem:s2] =	stream.indirect.scatter.add.f32 @!p0 [tilespmem:s9], [sflag:$0x2], $0x80, s8, s28, $0xb8;
	v63 =	vld [tilespmem:$0x0]  }
0x7f: {  	_ =	swait.ge @!p0 [sflag:s6], $0x2800  }
0x80: {  	[sflag:s6] =	ssyncset.done @!p0 $0x0  }
0x81: {  	s10 =	simm.s32 @!p0 $0x4800;
	s8 =	sor.u32 @!p0 $0x80, s7;
	[sflag:s6] =	ssyncadd.s32 @!p0 $0xFFFFD800  }
0x82: {  	[tilespmem:s10], [sflag:$0x1] =	stream.indirect.gather @!p0 [hbm4b:s4+s28], $0x80, s8, s28, $0xb8;
	v63 =	vld [tilespmem:$0x0]  }
0x83: {  	_ =	swait.ge @!p0 [sflag:s30], $0x2800  }
0x84: {  	s10 =	sand.u32 @!p0 $0xF80, s0;
	[sflag:s30] =	ssyncset.done @!p0 $0x0  }
0x85: {  	s11 =	simm.s32 @!p0 $0x9800;
	s10 =	sor.u32 @!p0 $0x1000, s10;
	[sflag:s30] =	ssyncadd.s32 @!p0 $0xFFFFD800  }
0x86: {  	[spmem:s2] =	stream.indirect.scatter.add.f32 @!p0 [tilespmem:s11], [sflag:$0x2], $0x80, s10, s28, $0xb8;
	v63 =	vld [tilespmem:$0x0]  }
0x87: {  	_ =	swait.ge @!p0 [sflag:s6], $0x2800  }
0x88: {  	[sflag:s6] =	ssyncset.done @!p0 $0x0  }
0x89: {  	s10 =	sor.u32 @!p0 $0x100, s7;
	[sflag:s6] =	ssyncadd.s32 @!p0 $0xFFFFD800  }
0x8a: {  	[tilespmem:s9], [sflag:$0x1] =	stream.indirect.gather @!p0 [hbm4b:s4+s28], $0x80, s10, s28, $0xb8;
	v63 =	vld [tilespmem:$0x0]  }
0x8b: {  	_ =	swait.ge @!p0 [sflag:s30], $0x2800  }
0x8c: {  	[sflag:s30] =	ssyncset.done @!p0 $0x0  }
0x8d: {  	s9 =	sor.u32 @!p0 $0x1000, s7;
	[sflag:s30] =	ssyncadd.s32 @!p0 $0xFFFFD800  }
0x8e: {  	[spmem:s2] =	stream.indirect.scatter.add.f32 @!p0 [tilespmem:s29], [sflag:$0x2], $0x80, s9, s28, $0xb8;
	v63 =	vld [tilespmem:$0x0]  }
0x8f: {  	_ =	swait.ge @!p0 [sflag:s6], $0x2800  }
0x90: {  	s7 =	simm.s32 @p0 $0x0;
	[sflag:s6] =	ssyncset.done @!p0 $0x0  }
0x91: {  	s28 =	sadd.s32 $0x180, s7;
	[sflag:s6] =	ssyncadd.s32 @!p0 $0xFFFFD800  }
0x92: {  	[tilespmem:s24], [sflag:$0x1] =	stream.indirect.gather [hbm4b:s4+s23], $0x80, s28, s23, $0xb8;
	v63 =	vld [tilespmem:$0x0]  }
0x93: {  	_ =	swait.ge [sflag:s25], $0x2800  }
0x94: {  	s31 =	sadd.s32 $0x1, s31;
	s30 =	rddreg [dreg:$0x3]  }
0x95: {  	s8 =	simm.s32 @p0 $0x80;
	p0 =	sne.s32 s30, s31  }
.Ltmp1:
0x96: {  	_ = 	snop;
	(pc) =	sbr.rel @p0 .LBB2_4-.Ltmp1, $4  }
0x97: {  	_ = 	snop  }
0x98: {  	s17 =	sadd.s32 $0x40, s17;
	s18 =	sadd.s32 $0x40, s18;
	[sflag:s25] =	ssyncset.done $0x0  }
0x99: {  	s0 =	sadd.s32 $0x200, s0;
	s29 =	sor.u32 $0x1000, s8;
	[sflag:s25] =	ssyncadd.s32 $0xFFFFD800  }
0x9a: {  	[spmem:s2] =	stream.indirect.scatter.add.f32 [tilespmem:s21], [sflag:$0x2], $0x80, s29, s23, $0xb8;
	v63 =	vld [tilespmem:$0x0]  }
0x9b: {  	_ =	swait.ge [sflag:s26], $0x2800  }
0x9c: {  	[sflag:s26] =	ssyncset.done $0x0  }
0x9d: {  	[sflag:s26] =	ssyncadd.s32 $0xFFFFD800  }
0x9e: {  	_ =	swait.ge [sflag:s25], $0x2800  }
0x9f: {  	[sflag:s25] =	ssyncset.done $0x0  }
0xa0: {  	s0 =	simm.s32 $0x1F00;
	s6 =	simm.s32 $0x7000;
	[sflag:s25] =	ssyncadd.s32 $0xFFFFD800  }
0xa1: {  	[spmem:s2] =	stream.indirect.scatter.add.f32 [tilespmem:s6], [sflag:$0x2], $0x80, s0, s23, $0xb8;
	v63 =	vld [tilespmem:$0x0]  }
0xa2: {  	_ =	swait.ge [sflag:s26], $0x2800  }
0xa3: {  	[sflag:s26] =	ssyncset.done $0x0  }
0xa4: {  	[sflag:s26] =	ssyncadd.s32 $0xFFFFD800  }
0xa5: {  	_ =	swait.ge [sflag:s25], $0x2800  }
0xa6: {  	[sflag:s25] =	ssyncset.done $0x0  }
0xa7: {  	s29 =	simm.s32 $0x1F80;
	[sflag:s25] =	ssyncadd.s32 $0xFFFFD800  }
0xa8: {  	[spmem:s2] =	stream.indirect.scatter.add.f32 [tilespmem:s24], [sflag:$0x2], $0x80, s29, s23, $0xb8;
	v63 =	vld [tilespmem:$0x0]  }
0xa9: {  	_ =	swait.ge [sflag:s26], $0x2800  }
0xaa: {  	[sflag:s26] =	ssyncset.done $0x0  }
0xab: {  	[sflag:s26] =	ssyncadd.s32 $0xFFFFD800  }
0xac: {  	s30 =	stileid.u32;
	_ =	swait.ge [sflag:s26], $0x2800  }
0xad: {  	s31 =	sshrl.u32 s5, $0x3;
	s3 =	sadd.s32 $0x1, s3;
	[sflag:s26] =	ssyncset.done $0x0  }
0xae: {  	p0 =	sne.s32 s3, s16;
	s0 =	sshll.u32 s30, $0x6;
	[sflag:s26] =	ssyncadd.s32 $0xFFFFD800  }
.Ltmp2:
0xaf: {  	s0 =	sor.u32 $0x1C03, s0;
	[bflag:$0x0] =	sbarrier.arrive $0xFFFF;
	(pc) =	sbr.rel @p0 .LBB2_1-.Ltmp2, $4  }
0xb0: {  	[hbm:s15], [sflag:s0] =	dma.local [spmem:s31], $0x2800  }
0xb1: {  	_ =	swait.ge [sflag:s20], $0x2800  }
0xb2: {  	[sflag:s20] =	ssyncset.done $0x0  }
0xb3: {  	[sflag:s20] =	ssyncadd.s32 $0xFFFFD800  }
0xb4: {  	_ =	sfence.sel $0x180000  }
0xb5: {  	[bflag:$0x0] =	sbarrier.arrive $0xFFFF  }
0xb6: {  	_ =	strace $0x9000004A  }
0xb7: {  	s0 =	stileid.u32;
	[bflag:$0x2] =	sbarrier.arrive $0xFFFF  }
0xb8: {  	p0 =	sne.s32 s0, $0x0;
	s0 =	rddreg [dreg:$0x2]  }
0xb9: {  	s0 =	sadd.s32 @!p0 $0x100000, s0  }
0xba: {  	[sflag:s0] =	ssyncadd.tile.s32 @!p0 $0x1;
	_ =	shalt  }
.Lfunc_end2:
_tile_overlayer_lowered:
.L_overlay_start_2:
0xbb: {  	(tag) =	ssettag $0x2  }
0xbc: {  	s0 =	rddreg [dreg:$0x0];
	s2 =	stileid.u32  }
0xbd: {  	s1 =	rddreg [dreg:$0x1];
	p0 =	sne.s32 s2, $0x0  }
0xbe: {  	s3 =	rddreg [dreg:$0x2];
	[bflag:$0x3] =	sbarrier.arrive $0xFFFF;
	s2 =	simm.s32 @!p0 $0x1C03  }
0xbf: {  	[timem:s3], [sflag:s2] =	dma.local @!p0 [hbm:s0], s1  }
0xc0: {  	s0 =	simm.s32 @!p0 $0x3  }
0xc1: {  	_ =	swait.ge @!p0 [sflag:s0], s1  }
0xc2: {  	s1 =	ssub.s32 @!p0 $0x0, s1;
	[sflag:s0] =	ssyncset.done @!p0 $0x0  }
0xc3: {  	[sflag:s0] =	ssyncadd.s32 @!p0 s1  }
0xc4: {  	[bflag:$0x3] =	sbarrier.arrive $0xFFFF  }
0xc5: {  	_ =	shalt  }

// kernel: kernel.7.cloned.1.call-start
scs
__scs_entry_jumppad:
0x0: {  	(pc) =	sbr.rel $0x88, $3  }
0x1: {  	(tag) =	ssettag $0x0;
	lr =	simm.s32 $0x1  }
0x2: {  	[smem:$0x3F9B] =	sst lr;
	_ =	strace $0xD0000000  }
0x3: {  	_ = 	snop  }
0x4: {  	_ = 	snop  }
0x5: {  	_ = 	snop  }
0x6: {  	_ = 	snop  }
0x7: {  	_ = 	snop  }
__scs_overlays_trampoline_lowered:
0x8: {  	[smem:$0x3FAA] =	sst s0  }
0x9: {  	[smem:$0x3FAB] =	sst s1  }
0xa: {  	[smem:$0x3FAC] =	sst s2  }
0xb: {  	[smem:$0x3FAD] =	sst s3  }
0xc: {  	[smem:$0x3FAE] =	sst s4  }
0xd: {  	[smem:$0x3FAF] =	sst s5  }
0xe: {  	[smem:$0x3FB0] =	sst s6  }
0xf: {  	[smem:$0x3FB1] =	sst s7  }
0x10: {  	[smem:$0x3FB2] =	sst s8  }
0x11: {  	[smem:$0x3FB3] =	sst s9;
	s0 =	simm.s32 @!p0 $0x0  }
0x12: {  	s1 =	sld [smem:$0x3F99];
	s0 =	simm.s32 @p0 $0x1  }
0x13: {  	[smem:$0x3FB4] =	sst s0;
	s0 =	simm.s32 @!p1 $0x0  }
0x14: {  	s2 =	sld [smem:$0x3F98];
	s0 =	simm.s32 @p1 $0x1  }
0x15: {  	[smem:$0x3FB5] =	sst s0;
	s0 =	simm.s32 @!p2 $0x0  }
0x16: {  	s3 =	sld [smem:$0x3FDB];
	s0 =	simm.s32 @p2 $0x1  }
0x17: {  	s4 =	simm.s32 $0x1BF5;
	[smem:$0x3FB7] =	sst s0  }
0x18: {  	s0 =	sld [smem:$0x3F9A];
	_ =	swait.ge [sflag:s4], $0x0  }
0x19: {  	s7 =	sld [smem:$0x3F9B]  }
0x1a: {  	s8 =	sadd.s32 $0xFFFFE003, lr  }
0x1b: {  	s9 =	sadd.s32 $0xFFFFFEF7, lr;
	s5 =	simm.s32 $0xFFFFFFFF;
	p2 =	slt.u32 s8, $0xFFFFF086  }
0x1c: {  	p1 =	slt.u32 s9, $0xF7A;
	s5 =	simm.s32 @!p2 $0x0  }
0x1d: {  	s5 =	simm.s32 @p1 $0x1;
	p0 =	seq.s32 s7, s2  }
0x1e: {  	s7 =	smul.u32 @!p0 $0xF7A, s2;
	p2 =	seq.s32 @!p0 s5, $0x0  }
0x1f: {  	s9 =	smul.u32 $0xF7A, s1;
	s8 =	simm.s32 @!p0 $0x1BF5;
	p2 =	por !p2, p0  }
0x20: {  	[sflag:s8] =	ssyncset.s32 @!p0 $0xFFFFF086;
	s6 =	sadd.s32 @!p0 s3, s7;
	s7 =	simm.s32 @!p0 $0x108  }
0x21: {  	s3 =	sadd.s32 s3, s9;
	s6 =	sadd.s32 @!p0 $0x88, s6;
	s7 =	simm.s32 @p2 $0x1082  }
0x22: {  	[simem:s7], [sflag:s8] =	dma.local @!p0 [hbm:s6], $0xF7A  }
0x23: {  	s9 =	sor.u32 $0xD0000000, s2;
	s6 =	simm.s32 $0x108;
	_ =	swait.ge @!p0 [sflag:s8], $0x0  }
0x24: {  	s3 =	sadd.s32 $0x88, s3;
	s6 =	simm.s32 @!p1 $0x1082;
	[sflag:s4] =	ssyncset.s32 $0xFFFFF086  }
0x25: {  	[simem:s6], [sflag:s4] =	dma.local [hbm:s3], $0xF7A  }
0x26: {  	[smem:$0x3F9B] =	sst s1;
	(tag) =	ssettag s2;
	_ =	strace s9  }
0x27: {  	s1 =	sld [smem:$0x3FAB]  }
0x28: {  	s2 =	sld [smem:$0x3FAC]  }
0x29: {  	s4 =	sld [smem:$0x3FAE]  }
0x2a: {  	p0 =	seq.s32 s5, $0x0;
	s5 =	sld [smem:$0x3FAF]  }
0x2b: {  	s6 =	sld [smem:$0x3FB0]  }
0x2c: {  	s7 =	sld [smem:$0x3FB1]  }
0x2d: {  	s3 =	simm.s32 $0x108;
	s8 =	sld [smem:$0x3FB2]  }
0x2e: {  	s3 =	simm.s32 @!p0 $0x1082;
	s9 =	sld [smem:$0x3FB3]  }
0x2f: {  	lr =	sadd.s32 s0, s3;
	s0 =	sld [smem:$0x3FAA]  }
0x30: {  	s3 =	sld [smem:$0x3FAD]  }
0x31: {  	[smem:$0x3FB6] =	sst s10  }
0x32: {  	s10 =	sld [smem:$0x3FB4];
	_ =	sdelay $0x3  }
0x33: {  	p0 =	seq.s32 s10, $0x1;
	s10 =	sld [smem:$0x3FB6];
	_ =	sdelay $0x3  }
0x34: {  	[smem:$0x3FB6] =	sst s10  }
0x35: {  	s10 =	sld [smem:$0x3FB5];
	_ =	sdelay $0x3  }
0x36: {  	p1 =	seq.s32 s10, $0x1;
	s10 =	sld [smem:$0x3FB6];
	_ =	sdelay $0x3  }
0x37: {  	[smem:$0x3FB6] =	sst s10  }
0x38: {  	s10 =	sld [smem:$0x3FB7]  }
0x39: {  	_ = 	snop;
	(pc) =	sbr.ind lr, $3  }
0x3a: {  	_ = 	snop  }
0x3b: {  	_ = 	snop  }
0x3c: {  	p2 =	seq.s32 s10, $0x1;
	s10 =	sld [smem:$0x3FB6]  }
0x3d: {  	_ =	shalt  }
0x3e: {  	_ =	shalt  }
0x3f: {  	_ =	shalt  }
0x40: {  	_ =	shalt  }
0x41: {  	_ =	shalt  }
0x42: {  	_ =	shalt  }
0x43: {  	_ =	shalt  }
0x44: {  	_ =	shalt  }
0x45: {  	_ =	shalt  }
0x46: {  	_ =	shalt  }
0x47: {  	_ =	shalt  }
0x48: {  	_ =	shalt  }
0x49: {  	_ =	shalt  }
0x4a: {  	_ =	shalt  }
0x4b: {  	_ =	shalt  }
0x4c: {  	_ =	shalt  }
0x4d: {  	_ =	shalt  }
0x4e: {  	_ =	shalt  }
0x4f: {  	_ =	shalt  }
0x50: {  	_ =	shalt  }
0x51: {  	_ =	shalt  }
0x52: {  	_ =	shalt  }
0x53: {  	_ =	shalt  }
0x54: {  	_ =	shalt  }
0x55: {  	_ =	shalt  }
0x56: {  	_ =	shalt  }
0x57: {  	_ =	shalt  }
0x58: {  	_ =	shalt  }
0x59: {  	_ =	shalt  }
0x5a: {  	_ =	shalt  }
0x5b: {  	_ =	shalt  }
0x5c: {  	_ =	shalt  }
0x5d: {  	_ =	shalt  }
0x5e: {  	_ =	shalt  }
0x5f: {  	_ =	shalt  }
0x60: {  	_ =	shalt  }
0x61: {  	_ =	shalt  }
0x62: {  	_ =	shalt  }
0x63: {  	_ =	shalt  }
0x64: {  	_ =	shalt  }
0x65: {  	_ =	shalt  }
0x66: {  	_ =	shalt  }
0x67: {  	_ =	shalt  }
0x68: {  	_ =	shalt  }
0x69: {  	_ =	shalt  }
0x6a: {  	_ =	shalt  }
0x6b: {  	_ =	shalt  }
0x6c: {  	_ =	shalt  }
0x6d: {  	_ =	shalt  }
0x6e: {  	_ =	shalt  }
0x6f: {  	_ =	shalt  }
0x70: {  	_ =	shalt  }
0x71: {  	_ =	shalt  }
0x72: {  	_ =	shalt  }
0x73: {  	_ =	shalt  }
0x74: {  	_ =	shalt  }
0x75: {  	_ =	shalt  }
0x76: {  	_ =	shalt  }
0x77: {  	_ =	shalt  }
0x78: {  	_ =	shalt  }
0x79: {  	_ =	shalt  }
0x7a: {  	_ =	shalt  }
0x7b: {  	_ =	shalt  }
0x7c: {  	_ =	shalt  }
0x7d: {  	_ =	shalt  }
0x7e: {  	_ =	shalt  }
0x7f: {  	_ =	shalt  }
0x80: {  	_ =	shalt  }
0x81: {  	_ =	shalt  }
0x82: {  	_ =	shalt  }
0x83: {  	_ =	shalt  }
0x84: {  	_ =	shalt  }
0x85: {  	_ =	shalt  }
0x86: {  	_ =	shalt  }
0x87: {  	_ =	shalt  }
.Lfunc_end0:
.L_simem_size_0:
called_computation_lowered:
.L_overlay_start_0:
0x88: {  	s2 =	sld [smem:$0x3FD9]  }
0x89: {  	s3 =	sld [smem:$0x3FFE];
	_ =	sdelay $0x1  }
0x8a: {  	s1 =	srdreg.scid  }
0x8b: {  	s0 =	sand.u32 $0x1, s1  }
0x8c: {  	s16 =	sshll.u32 s0, $0xA;
	s2 =	sadd.s32 s3, s2  }
0x8d: {  	s2 =	sadd.s32 s2, s16  }
0x8e: {  	[smem:$0x3FC2] =	sst s2  }
0x8f: {  	_ = 	snop  }
0x90: {  	(tm) =	ssettm $0x1  }
0x91: {  	s17 =	sld [smem:$0x3FFB];
	_ =	sdelay $0x3  }
0x92: {  	_ =	strace s17  }
0x93: {  	s2 =	sld [smem:$0x3FFC];
	_ =	sdelay $0x3  }
0x94: {  	_ =	strace s2  }
0x95: {  	s2 =	sld [smem:$0x3FFD];
	_ =	sdelay $0x3  }
0x96: {  	_ =	strace s2  }
0x97: {  	_ =	strace $0x8FFFFFFF  }
0x98: {  	s18 =	sld [smem:$0x3FDB];
	_ =	sdelay $0x1  }
0x99: {  	s19 =	simm.s32 $_scs_section_size  }
0x9a: {  	s4 =	simm.s32 $_size__tile_overlayer_lowered;
	s5 =	simm.s32 $_tile_overlayer_lowered  }
0x9b: {  	s22 =	simm.s32 $0x1BFF;
	s21 =	sshll.u32 s5, $0x1;
	s2 =	sadd.s32 s19, s18  }
0x9c: {  	s6 =	simm.s32 $0x0;
	s20 =	sshll.u32 s4, $0x1;
	s4 =	sadd.s32 s21, s2  }
0x9d: {  	[timem:s6], [sflag:s22] =	dma.local [hbm:s4], s20  }
0x9e: {  	_ =	swait.ge [sflag:s22], s20  }
0x9f: {  	s3 =	ssub.s32 $0x0, s20;
	[sflag:s22] =	ssyncset.done $0x0  }
0xa0: {  	[sflag:s22] =	ssyncadd.s32 s3;
	_ =	sdelay $0x1  }
0xa1: {  	s23 =	simm.s32 $0x1B8B  }
0xa2: {  	_ =	swait.ge [sflag:s23], $0x1  }
0xa3: {  	[sflag:s23] =	ssyncset.done $0x0  }
0xa4: {  	s25 =	simm.s32 $0x1B8E;
	s24 =	sld [smem:$0x3FFE];
	[sflag:s23] =	ssyncadd.s32 $0xFFFFFFFF  }
0xa5: {  	s26 =	simm.s32 $execute0_lowered;
	[smem:$0x3FD2] =	sst s25  }
0xa6: {  	s4 =	sshll.u32 s26, $0x1;
	_ =	strace $0x80000046;
	[dreg:$0x1] =	wrdreg $0xFFFFFFFF  }
0xa7: {  	s28 =	simm.s32 $_size_execute0_lowered;
	s2 =	sadd.s32 s2, s4;
	[dreg:$0x0] =	wrdreg $0x0  }
0xa8: {  	s4 =	sshll.u32 s28, $0x1;
	[dreg:$0x2] =	wrdreg s2  }
0xa9: {  	[dreg:$0x3] =	wrdreg s4  }
0xaa: {  	[dreg:$0x4] =	wrdreg $0xC0  }
0xab: {  	_ =	task [dreg:s6], $0x5FFFF  }
0xac: {  	[dreg:$0x1] =	wrdreg $0xFFFFFFFF  }
0xad: {  	[dreg:$0x0] =	wrdreg $0x60  }
0xae: {  	[dreg:$0x2] =	wrdreg s24  }
0xaf: {  	[dreg:$0x3] =	wrdreg $0x9  }
0xb0: {  	_ =	task.clear_ibuf [dreg:s6], $0x4FFFF;
	_ =	strace $0x90000046  }
0xb1: {  	s29 =	simm.s32 $0x9;
	_ =	strace $0x80000048  }
0xb2: {  	_ =	swait.ge [sflag:s29], $0x1  }
0xb3: {  	[sflag:s29] =	ssyncadd.s32 $0xFFFFFFFF  }
0xb4: {  	_ =	strace $0x90000048  }
0xb5: {  	_ =	sfence  }
0xb6: {  	s30 =	sld [smem:$0x0];
	_ =	sdelay $0x2  }
0xb7: {  	s31 =	sshll.u32 s1, $0xD;
	s1 =	sshrl.u32 s1, $0x2  }
0xb8: {  	s3 =	sand.u32 $0x4000, s31;
	s1 =	sadd.s32 s1, s30  }
0xb9: {  	s0 =	sor.u32 s3, s0;
	s1 =	sshll.u32 s1, $0x11  }
0xba: {  	s0 =	sor.u32 s1, s0  }
0xbb: {  	s0 =	sadd.s32 $0x8F2B, s0  }
0xbc: {  	[sflag:s0] =	ssyncadd.remote.s32 $0x1  }
0xbd: {  	_ =	sfence.sel $0xFFFF  }
0xbe: {  	[dreg:$0x0] =	wrdreg $0xFFFFFFFF;
	(pc) =	sbr.abs _section_cstart, $3  }
0xbf: {  	[dreg:$0x1] =	wrdreg $0xFFFFFFFF  }
0xc0: {  	_ =	task.clear_ibuf [dreg:s6], $0x2FFFF;
	_ =	strace $0x9FFFFFFF  }
0xc1: {  	(tm) =	ssettm $0x7FFFFFFF  }
tec
execute0_lowered:
.L_overlay_start_1:
0x0: {  	(tag) =	ssettag $0x1  }
0x1: {  	s0 =	srdreg.scid  }
0x2: {  	s3 =	rddreg [dreg:$0x0];
	s2 =	simm.s32 $0x0;
	s12 =	simm.s32 $0x7800  }
0x3: {  	s13 =	simm.s32 $0x80;
	s14 =	simm.s32 $0x400;
	s15 =	simm.s32 $0x0  }
0x4: {  	s4 =	sand.u32 $0x1, s0;
	s0 =	stileid.u32;
	[smem:$0x7FF] =	sst s2  }
0x5: {  	s10 =	sadd.s32 $0x16E00, s3;
	s1 =	sshll.u32 s4, $0x4;
	s31 =	smul.u32 $0x28000, s4  }
0x6: {  	s7 =	ssub.s32 $0x2, s4;
	s11 =	smul.u32 $0x2800, s0;
	s5 =	sor.u32 s0, s1  }
0x7: {  	s8 =	sshll.u32 s0, $0x7;
	s6 =	smul.u32 $0x2800, s5;
	s5 =	sshrl.u32 s5, $0x3  }
0x8: {  	s1 =	rddreg [dreg:$0x1];
	s9 =	sshrl.u32 s7, $0x1;
	s5 =	smul.u32 $0x14000, s5  }
0x9: {  	_ =	strace $0x80000047;
	s8 =	sand.u32 $0x380, s8;
	s7 =	ssub.s32 s7, s9  }
0xa: {  	s9 =	simm.s32 $0x1;
	s6 =	sshrl.u32 s6, $0x3;
	s5 =	sor.u32 s8, s5  }
0xb: {  	s7 =	smax.u32 s7, $0x1;
	s6 =	sadd.s32 s6, s3;
	s8 =	sadd.s32 $0x50000, s5  }
0xc: {  	s3 =	sadd.s32 $0x2E00, s6;
	s5 =	sshrl.u32 s5, $0x3;
	s8 =	sshrl.u32 s8, $0x3  }
0xd: {  	s4 =	sadd.s32 $0xCE00, s6;
	s5 =	sadd.s32 s10, s5;
	s6 =	sadd.s32 s10, s8  }
0xe: {  	v0 =	vimm.f32 $0.0e+00;
	vm0 =	vmxor vm0, vm0;
	v1 =	vimm.f32 $1.000000000e+00;
	s8 =	sadd.s32 s11, s31;
	s10 =	simm.s32 $0x2800;
	s11 =	simm.s32 $0x5000  }
.LBB2_1:
0xf: {  	[tilespmem:s2], [sflag:$0x1] =	stream.linear.gather [hbm4b:s3+s2], $0x2800, $0x38;
	[tilespmem:$0xA000] =	vst v63  }
0x10: {  	_ =	swait.ge [sflag:s9], $0x2800  }
0x11: {  	[sflag:s9] =	ssyncset.done $0x0  }
0x12: {  	[sflag:s9] =	ssyncadd.s32 $0xFFFFD800  }
0x13: {  	[tilespmem:s10], [sflag:$0x1] =	stream.linear.gather [hbm4b:s4+s2], $0x2800, $0x38;
	[tilespmem:$0xA000] =	vst v63  }
0x14: {  	_ =	swait.ge [sflag:s9], $0x2800  }
0x15: {  	[sflag:s9] =	ssyncset.done $0x0  }
0x16: {  	s16 =	simm.s32 $0x40;
	s17 =	simm.s32 $0x0;
	[sflag:s9] =	ssyncadd.s32 $0xFFFFD800  }
.LBB2_2:
0x17: {  	p0 =	sne.s32 s16, $0x9FC0;
	[tilespmem:s17+$0x5000] =	vst v0;
	s17 =	smov.u32 s16;
	s16 =	sadd.s32 $0x40, s16  }
.Ltmp0:
0x18: {  	(pc) =	sbr.rel @p0 .LBB2_2-.Ltmp0, $2  }
0x19: {  	_ =	sdelay $0x2  }
0x1a: {  	s17 =	sshra.s32 s17, $0x2  }
0x1b: {  	[tilespmem:s17+$0x5000] =	vst v0;
	s16 =	simm.s32 $0x0;
	s17 =	simm.s32 $0x0  }
.LBB2_4:
0x1c: {  	p0 =	sne.s32 s17, $0x9FC0  }
.Ltmp1:
0x1d: {  	_ = 	snop;
	(pc) =	sbr.rel @p0 .LBB2_4-.Ltmp1, $3  }
0x1e: {  	_ =	sdelay $0x1  }
0x1f: {  	s18 =	sshra.s32 s17, $0x2  }
0x20: {  	s17 =	sadd.s32 $0x40, s17;
	[tilespmem:s18+$0x7800] =	vst v0  }
0x21: {  	s17 =	simm.s32 $0x40;
	s18 =	simm.s32 $0x2840  }
.LBB2_6:
0x22: {  	s19 =	sadd.s32 s16, s8;
	v2 =	vld [tilespmem:s17+$0xFFFFFFC0]  }
0x23: {  	vm1 =	vmmov vm0;
	v3 =	vld [tilespmem:s18+$0xFFFFFFC0];
	p0 =	slt.u32 s19, $0x4E200  }
0x24: {  	vm1 =	vmneg @p0 vm1;
	_ =	sdelay $0x5  }
0x25: {  	[tilespmem:v2+s11+$0x0] =	vst.idx.add.f32.msk vm1, v1  }
0x26: {  	[tilespmem:v3+s12+$0x0] =	vst.idx.add.f32.msk vm1, v1  }
0x27: {  	s20 =	sadd.s32 $0x10, s19;
	v2 =	vld [tilespmem:s17+$0xFFFFFFD0]  }
0x28: {  	p0 =	slt.u32 s20, $0x4E200;
	vm1 =	vmmov vm0;
	v3 =	vld [tilespmem:s18+$0xFFFFFFD0]  }
0x29: {  	vm1 =	vmneg @p0 vm1;
	_ =	sdelay $0x5  }
0x2a: {  	[tilespmem:v2+s11+$0x0] =	vst.idx.add.f32.msk vm1, v1  }
0x2b: {  	[tilespmem:v3+s12+$0x0] =	vst.idx.add.f32.msk vm1, v1  }
0x2c: {  	s26 =	sadd.s32 $0x20, s19;
	v2 =	vld [tilespmem:s17+$0xFFFFFFE0]  }
0x2d: {  	p0 =	slt.u32 s26, $0x4E200;
	vm1 =	vmmov vm0;
	v3 =	vld [tilespmem:s18+$0xFFFFFFE0]  }
0x2e: {  	vm1 =	vmneg @p0 vm1;
	_ =	sdelay $0x5  }
0x2f: {  	[tilespmem:v2+s11+$0x0] =	vst.idx.add.f32.msk vm1, v1  }
0x30: {  	[tilespmem:v3+s12+$0x0] =	vst.idx.add.f32.msk vm1, v1  }
0x31: {  	s28 =	sadd.s32 $0x30, s19;
	v2 =	vld [tilespmem:s17+$0xFFFFFFF0]  }
0x32: {  	p0 =	slt.u32 s28, $0x4E200;
	vm1 =	vmmov vm0;
	v3 =	vld [tilespmem:s18+$0xFFFFFFF0]  }
0x33: {  	vm1 =	vmneg @p0 vm1;
	_ =	sdelay $0x5  }
0x34: {  	[tilespmem:v2+s11+$0x0] =	vst.idx.add.f32.msk vm1, v1  }
0x35: {  	[tilespmem:v3+s12+$0x0] =	vst.idx.add.f32.msk vm1, v1  }
0x36: {  	s29 =	sadd.s32 $0x40, s19;
	v2 =	vld [tilespmem:s17+$0x0]  }
0x37: {  	p0 =	slt.u32 s29, $0x4E200;
	vm1 =	vmmov vm0;
	v3 =	vld [tilespmem:s18+$0x0]  }
0x38: {  	vm1 =	vmneg @p0 vm1;
	_ =	sdelay $0x5  }
0x39: {  	[tilespmem:v2+s11+$0x0] =	vst.idx.add.f32.msk vm1, v1  }
0x3a: {  	[tilespmem:v3+s12+$0x0] =	vst.idx.add.f32.msk vm1, v1  }
0x3b: {  	s30 =	sadd.s32 $0x50, s19;
	v2 =	vld [tilespmem:s17+$0x10]  }
0x3c: {  	p0 =	slt.u32 s30, $0x4E200;
	vm1 =	vmmov vm0;
	v3 =	vld [tilespmem:s18+$0x10]  }
0x3d: {  	vm1 =	vmneg @p0 vm1;
	_ =	sdelay $0x5  }
0x3e: {  	[tilespmem:v2+s11+$0x0] =	vst.idx.add.f32.msk vm1, v1  }
0x3f: {  	[tilespmem:v3+s12+$0x0] =	vst.idx.add.f32.msk vm1, v1  }
0x40: {  	s31 =	sadd.s32 $0x60, s19;
	v2 =	vld [tilespmem:s17+$0x20]  }
0x41: {  	p0 =	slt.u32 s31, $0x4E200;
	vm1 =	vmmov vm0;
	v3 =	vld [tilespmem:s18+$0x20]  }
0x42: {  	vm1 =	vmneg @p0 vm1;
	_ =	sdelay $0x5  }
0x43: {  	[tilespmem:v2+s11+$0x0] =	vst.idx.add.f32.msk vm1, v1  }
0x44: {  	[tilespmem:v3+s12+$0x0] =	vst.idx.add.f32.msk vm1, v1  }
0x45: {  	s19 =	sadd.s32 $0x70, s19;
	v2 =	vld [tilespmem:s17+$0x30]  }
0x46: {  	p0 =	slt.u32 s19, $0x4E200;
	vm1 =	vmmov vm0;
	v3 =	vld [tilespmem:s18+$0x30]  }
0x47: {  	vm1 =	vmneg @p0 vm1;
	_ =	sdelay $0x1  }
0x48: {  	p0 =	sne.s32 s16, $0x2780  }
.Ltmp2:
0x49: {  	_ = 	snop;
	(pc) =	sbr.rel @p0 .LBB2_6-.Ltmp2, $3  }
0x4a: {  	_ =	sdelay $0x1  }
0x4b: {  	[tilespmem:v2+s11+$0x0] =	vst.idx.add.f32.msk vm1, v1  }
0x4c: {  	s17 =	sadd.s32 $0x80, s17;
	s18 =	sadd.s32 $0x80, s18;
	s16 =	sadd.s32 $0x80, s16;
	[tilespmem:v3+s12+$0x0] =	vst.idx.add.f32.msk vm1, v1  }
0x4d: {  	[hbm4b:s5+s13] =	stream.strided.scatter [tilespmem:s11], [sflag:$0x1], $0x2800, s14, s13, $0x38;
	[tilespmem:$0xA000] =	vst v63  }
0x4e: {  	s15 =	sadd.s32 $0x1, s15;
	_ =	swait.ge [sflag:s9], $0x2800  }
0x4f: {  	p0 =	sne.s32 s15, s7;
	[sflag:s9] =	ssyncset.done $0x0  }
.Ltmp3:
0x50: {  	[sflag:s9] =	ssyncadd.s32 $0xFFFFD800;
	(pc) =	sbr.rel @p0 .LBB2_1-.Ltmp3, $4  }
0x51: {  	[hbm4b:s6+s13] =	stream.strided.scatter [tilespmem:s12], [sflag:$0x1], $0x2800, s14, s13, $0x38;
	[tilespmem:$0xA000] =	vst v63  }
0x52: {  	_ =	swait.ge [sflag:s9], $0x2800  }
0x53: {  	[sflag:s9] =	ssyncset.done $0x0  }
0x54: {  	[sflag:s9] =	ssyncadd.s32 $0xFFFFD800  }
0x55: {  	_ =	sfence.sel $0x180000  }
0x56: {  	[bflag:$0x0] =	sbarrier.arrive $0xFFFF  }
0x57: {  	p0 =	sne.s32 s0, $0x0;
	_ =	strace $0x90000047  }
0x58: {  	s0 =	sadd.s32 @!p0 $0x100000, s1;
	[bflag:$0x2] =	sbarrier.arrive $0xFFFF  }
0x59: {  	[sflag:s0] =	ssyncadd.tile.s32 @!p0 $0x1;
	_ =	shalt  }
.Lfunc_end2:
_tile_overlayer_lowered:
.L_overlay_start_2:
0x5a: {  	(tag) =	ssettag $0x2  }
0x5b: {  	s0 =	rddreg [dreg:$0x0];
	s2 =	stileid.u32  }
0x5c: {  	s1 =	rddreg [dreg:$0x1];
	p0 =	sne.s32 s2, $0x0  }
0x5d: {  	s3 =	rddreg [dreg:$0x2];
	[bflag:$0x3] =	sbarrier.arrive $0xFFFF;
	s2 =	simm.s32 @!p0 $0x1C01  }
0x5e: {  	[timem:s3], [sflag:s2] =	dma.local @!p0 [hbm:s0], s1  }
0x5f: {  	s0 =	simm.s32 @!p0 $0x1  }
0x60: {  	_ =	swait.ge @!p0 [sflag:s0], s1  }
0x61: {  	s1 =	ssub.s32 @!p0 $0x0, s1;
	[sflag:s0] =	ssyncset.done @!p0 $0x0  }
0x62: {  	[sflag:s0] =	ssyncadd.s32 @!p0 s1  }
0x63: {  	[bflag:$0x3] =	sbarrier.arrive $0xFFFF  }
0x64: {  	_ =	shalt  }

</sc_bundles>
